<compile_context>
chip_gen: v7x
topology: tpu7x:2x2x1
jax: 0.10.2.dev20260603
libtpu: 0.0.44.dev20260713+nightly
codegen_flags: <defaults>
</compile_context>

<pallas_src>
import functools
import math

import jax
import jax.numpy as jnp
from jax import lax
from jax.experimental import pallas as pl
from jax.experimental.pallas import tpu as pltpu
from jax.experimental.pallas import tpu_sc as plsc

NCORE = 2
NSUB = 16
NW = NCORE * NSUB

_GDN = lax.GatherDimensionNumbers(
    offset_dims=(), collapsed_slice_dims=(0,), start_index_map=(0,))


def _lane_gather(v16, idx16):
    return lax.gather(v16, idx16[:, None], dimension_numbers=_GDN,
                      slice_sizes=(1,),
                      mode=lax.GatherScatterMode.PROMISE_IN_BOUNDS)



def _tc1_body(x_ref, w1_ref, acatA_ref, acatB_ref, hx_ref, tB_ref):
    feat = w1_ref.shape[1]
    h = jnp.dot(x_ref[...], w1_ref[...], preferred_element_type=jnp.float32)
    hx_ref[:, :feat] = h
    hx_ref[:, feat:] = jnp.dot(h, acatA_ref[...],
                               preferred_element_type=jnp.float32)
    tB_ref[...] = jnp.dot(h, acatB_ref[...], preferred_element_type=jnp.float32)


def _tc2_body(p0_ref, p1_ref, r16_ref, b1_ref, w2_ref,
              a2A_ref, a2B_ref, h2x_ref, t2B_ref):
    feat = b1_ref.shape[1]
    out_f = w2_ref.shape[1]
    acc = p0_ref[...] + p1_ref[...]
    den = jnp.dot(acc[:, feat:feat + 16], r16_ref[...],
                  preferred_element_type=jnp.float32)
    out1 = acc[:, :feat] / (den + 1e-9) + b1_ref[...]
    hmid = jnp.where(out1 > 0, out1, jnp.exp(jnp.minimum(out1, 0.0)) - 1.0)
    h2 = jnp.dot(hmid, w2_ref[...], preferred_element_type=jnp.float32)
    h2x_ref[:, :out_f] = h2
    h2x_ref[:, out_f:] = jnp.dot(h2, a2A_ref[...],
                                 preferred_element_type=jnp.float32)
    t2B_ref[...] = jnp.dot(h2, a2B_ref[...], preferred_element_type=jnp.float32)



def _make_sc_edge_kernel(n_pad, e_pad, feat, chunk, heads):
    ept = e_pad // NW
    nchunk = ept // chunk
    assert nchunk % 2 == 0 and chunk % 16 == 0 and chunk <= 128
    rows_per_sub = n_pad // NSUB
    width = feat + 16
    nheads_blk = feat // 16

    mesh = plsc.VectorSubcoreMesh(core_axis_name="c", subcore_axis_name="s")

    @functools.partial(
        pl.kernel,
        mesh=mesh,
        compiler_params=pltpu.CompilerParams(use_tc_tiling_on_sc=False),
        out_type=jax.ShapeDtypeStruct((NCORE * n_pad, width), jnp.float32),
        scratch_types=[
            pltpu.VMEM((nchunk, chunk), jnp.int32),
            pltpu.VMEM((2, chunk), jnp.int32),
            pltpu.VMEM((2, chunk), jnp.int32),
            pltpu.VMEM((2, chunk, 16), jnp.float32),
            pltpu.VMEM((2, chunk, width), jnp.float32),
            pltpu.VMEM_SHARED((n_pad, width), jnp.float32),
            pltpu.SemaphoreType.DMA,
            pltpu.SemaphoreType.DMA,
            pltpu.SemaphoreType.DMA,
            pltpu.SemaphoreType.DMA,
        ],
    )
    def sc_kernel(pk_hbm, hxt_hbm, tabB_hbm, z_hbm, outp_hbm,
                  pkidx, sidx, didx, tabd, hx, out_sh, g0, g1, s0, s1):
        c = lax.axis_index("c")
        s = lax.axis_index("s")
        wid = c * NSUB + s
        rbase = s * rows_per_sub
        gsem = (g0, g1)
        ssem = (s0, s1)

        pltpu.sync_copy(z_hbm.at[pl.ds(rbase, rows_per_sub)],
                        out_sh.at[pl.ds(rbase, rows_per_sub)])
        plsc.subcore_barrier()

        pltpu.sync_copy(pk_hbm.at[pl.ds(wid * nchunk, nchunk)], pkidx)

        def unpack(k, p):
            @pl.loop(0, chunk // 16)
            def _(g):
                pk = pkidx[k, pl.ds(g * 16, 16)]
                sidx[p, pl.ds(g * 16, 16)] = pk & 0x3FFF
                didx[p, pl.ds(g * 16, 16)] = pk >> 14

        def issue_gathers(p):
            pltpu.async_copy(hxt_hbm.at[sidx.at[p]], hx.at[p], gsem[p])
            pltpu.async_copy(tabB_hbm.at[didx.at[p]], tabd.at[p], gsem[p])

        def wait_gathers(p):
            pltpu.make_async_copy(hxt_hbm.at[sidx.at[p]], hx.at[p],
                                  gsem[p]).wait()
            pltpu.make_async_copy(tabB_hbm.at[didx.at[p]], tabd.at[p],
                                  gsem[p]).wait()

        def issue_scatter(p):
            pltpu.async_copy(hx.at[p], out_sh.at[didx.at[p]], ssem[p],
                             add=True)

        def wait_scatter(p):
            pltpu.make_async_copy(hx.at[p], out_sh.at[didx.at[p]],
                                  ssem[p]).wait()

        def compute(p):
            tabd_p, hx_p = tabd.at[p], hx.at[p]

            @pl.loop(0, chunk)
            def _edge(j):
                e = hx_p[j, pl.ds(feat, 16)] + tabd_p[j, :]
                e = jnp.maximum(e, 0.2 * e)
                ex = jnp.exp(e)
                hx_p[j, pl.ds(feat, 16)] = ex
                for h in range(heads):
                    idx = jnp.full((16,), h, dtype=jnp.int32)
                    bc = _lane_gather(ex, idx)
                    if heads == 1:
                        for fblk in range(nheads_blk):
                            slc = (j, pl.ds(fblk * 16, 16))
                            hx_p[slc] = hx_p[slc] * bc
                    else:
                        slc = (j, pl.ds(h * 16, 16))
                        hx_p[slc] = hx_p[slc] * bc

        unpack(0, 0)
        issue_gathers(0)

        @pl.loop(0, nchunk // 2)
        def _pair(i):
            for p in (0, 1):
                kk = 2 * i + p
                wait_gathers(p)

                @pl.when(kk + 1 < nchunk)
                def _prefetch():
                    @pl.when(kk >= 1)
                    def _drain():
                        wait_scatter(1 - p)
                    unpack(kk + 1, 1 - p)
                    issue_gathers(1 - p)

                compute(p)
                issue_scatter(p)

        wait_scatter(0)
        wait_scatter(1)
        plsc.subcore_barrier()
        pltpu.sync_copy(out_sh.at[pl.ds(rbase, rows_per_sub)],
                        outp_hbm.at[pl.ds(c * n_pad + rbase, rows_per_sub)])

    return sc_kernel


def _make_sc_final_kernel(n_pad, out_f, nb):
    rows_per_tile = nb // NW
    width = out_f + 16
    nfb = out_f // 16
    mesh = plsc.VectorSubcoreMesh(core_axis_name="c", subcore_axis_name="s")

    @functools.partial(
        pl.kernel,
        mesh=mesh,
        compiler_params=pltpu.CompilerParams(use_tc_tiling_on_sc=False),
        out_type=jax.ShapeDtypeStruct((nb, out_f), jnp.float32),
        scratch_types=[
            pltpu.VMEM((rows_per_tile,), jnp.int32),
            pltpu.VMEM((rows_per_tile,), jnp.int32),
            pltpu.VMEM((rows_per_tile, width), jnp.float32),
            pltpu.VMEM((rows_per_tile, width), jnp.float32),
            pltpu.VMEM((rows_per_tile, out_f), jnp.float32),
            pltpu.VMEM((out_f,), jnp.float32),
        ],
    )
    def final_kernel(outp_hbm, idx_hbm, b2_hbm, out_hbm,
                     idxv, idxv2, r0, r1, res, bias):
        c = lax.axis_index("c")
        s = lax.axis_index("s")
        wid = c * NSUB + s
        base = wid * rows_per_tile
        pltpu.sync_copy(idx_hbm.at[pl.ds(base, rows_per_tile)], idxv)
        pltpu.sync_copy(b2_hbm, bias)

        @pl.loop(0, rows_per_tile // 16)
        def _(g):
            idxv2[pl.ds(g * 16, 16)] = idxv[pl.ds(g * 16, 16)] + n_pad

        pltpu.sync_copy(outp_hbm.at[idxv], r0)
        pltpu.sync_copy(outp_hbm.at[idxv2], r1)

        zero16 = jnp.full((16,), 0, dtype=jnp.int32)

        @pl.loop(0, rows_per_tile)
        def _row(j):
            den = r0[j, pl.ds(out_f, 16)] + r1[j, pl.ds(out_f, 16)]
            db = _lane_gather(den, zero16) + 1e-9
            for fb in range(nfb):
                slc = (j, pl.ds(fb * 16, 16))
                res[slc] = (r0[slc] + r1[slc]) / db + bias[pl.ds(fb * 16, 16)]

        pltpu.sync_copy(res, out_hbm.at[pl.ds(base, rows_per_tile)])

    return final_kernel



CHUNK1 = 80
CHUNK2 = 128


@jax.jit
def kernel(x, edge_index, node_index, W1, a1_src, a1_dst, b1,
           W2, a2_src, a2_dst, b2):
    n, f_in = x.shape
    e = edge_index.shape[1]
    heads, hid = a1_src.shape
    out_f = W2.shape[1]
    nb = node_index.shape[0]
    hdim = heads * hid

    n_pad = ((n + 8 * NSUB - 1) // (8 * NSUB)) * (8 * NSUB)
    egran = NW * 2 * CHUNK1 * CHUNK2 // math.gcd(CHUNK1, CHUNK2)
    e_pad = ((e + egran - 1) // egran) * egran

    src = edge_index[0]
    dst = edge_index[1]
    pad_e = e_pad - e
    pad_iota = jnp.arange(pad_e, dtype=jnp.int32)
    pad_dst = n + pad_iota % (n_pad - n)
    pad_src = pad_iota % n
    src_p = jnp.concatenate([src, pad_src])
    dst_p = jnp.concatenate([dst, pad_dst])
    packed = src_p | (dst_p << 14)

    eyeh = jnp.eye(heads, dtype=jnp.float32)
    A1s = (eyeh[:, None, :] * a1_src[:, :, None]).reshape(hdim, heads)
    A1d = (eyeh[:, None, :] * a1_dst[:, :, None]).reshape(hdim, heads)
    acatA = jnp.concatenate([A1s, A1d], axis=1)
    acatB = jnp.concatenate([A1d, A1s], axis=1)
    pad2 = jnp.zeros((out_f, 16 - 2), jnp.float32)
    a2A = jnp.concatenate([a2_src.T, a2_dst.T, pad2], axis=1)
    a2B = jnp.concatenate([a2_dst.T, a2_src.T, pad2], axis=1)

    ids = jax.lax.broadcasted_iota(jnp.int32, (16, hdim), 0)
    cols = jax.lax.broadcasted_iota(jnp.int32, (16, hdim), 1)
    R16 = jnp.where(ids == cols // hid, 1.0, 0.0).astype(jnp.float32)

    blk = 1000
    grid = (n // blk,)

    def full(shape):
        return pl.BlockSpec(shape, lambda i: (0, 0))

    def rows(width):
        return pl.BlockSpec((blk, width), lambda i: (i, 0))

    h1x, tabB = pl.pallas_call(
        _tc1_body,
        grid=grid,
        in_specs=[rows(f_in), full((f_in, hdim)), full((hdim, 16)),
                  full((hdim, 16))],
        out_specs=[rows(hdim + 16), rows(16)],
        out_shape=[jax.ShapeDtypeStruct((n, hdim + 16), jnp.float32),
                   jax.ShapeDtypeStruct((n, 16), jnp.float32)],
    )(x, W1, acatA, acatB)

    tabBp = jnp.concatenate(
        [tabB, jnp.zeros((n_pad - n, 16), jnp.float32)], axis=0)

    zf = jnp.zeros((n_pad, hdim + 16), jnp.float32)
    sc1 = _make_sc_edge_kernel(n_pad, e_pad, hdim, CHUNK1, heads)
    outp1 = sc1(packed.reshape(-1, CHUNK1), h1x, tabBp, zf)

    h2x, tab2B = pl.pallas_call(
        _tc2_body,
        grid=grid,
        in_specs=[rows(hdim + 16), rows(hdim + 16),
                  full((16, hdim)), pl.BlockSpec((1, hdim), lambda i: (0, 0)),
                  full((hdim, out_f)), full((out_f, 16)), full((out_f, 16))],
        out_specs=[rows(out_f + 16), rows(16)],
        out_shape=[jax.ShapeDtypeStruct((n, out_f + 16), jnp.float32),
                   jax.ShapeDtypeStruct((n, 16), jnp.float32)],
    )(outp1[:n], outp1[n_pad:n_pad + n], R16, b1.reshape(1, hdim),
      W2, a2A, a2B)

    tab2Bp = jnp.concatenate(
        [tab2B, jnp.zeros((n_pad - n, 16), jnp.float32)], axis=0)

    zf2 = jnp.zeros((n_pad, out_f + 16), jnp.float32)
    sc2 = _make_sc_edge_kernel(n_pad, e_pad, out_f, CHUNK2, 1)
    outp2 = sc2(packed.reshape(-1, CHUNK2), h2x, tab2Bp, zf2)

    final = _make_sc_final_kernel(n_pad, out_f, nb)
    return final(outp2, node_index, b2)

# --- scband reference (transcript-rebuilt; emitter-appended) ---
"""Pipeline reference for scband-gat-27496380629010 (READ-ONLY COPY).

The authoritative reference and input builder live on the scoring server;
editing this copy changes nothing except your own understanding.
"""

import jax, jax.numpy as jnp
import numpy as np

N = 10000
E = 320000
F_IN = 128
HID = 16
HEADS = 8
OUT = 64
B = 1024


def setup_inputs(seed: int = 0) -> dict:
    key = jax.random.key(seed)
    ks = jax.random.split(key, 12)
    x = jax.random.normal(ks[0], (N, F_IN), dtype=jnp.float32)
    edge_index = jax.random.randint(ks[1], (2, E), 0, N, dtype=jnp.int32)
    node_index = jax.random.randint(ks[2], (B,), 0, N, dtype=jnp.int32)
    # Layer 1: hidden=16, heads=8, concat
    W1 = jax.random.normal(ks[3], (F_IN, HEADS * HID), dtype=jnp.float32) * (1.0 / np.sqrt(F_IN))
    a1_src = jax.random.normal(ks[4], (HEADS, HID), dtype=jnp.float32) * 0.1
    a1_dst = jax.random.normal(ks[5], (HEADS, HID), dtype=jnp.float32) * 0.1
    b1 = jnp.zeros((HEADS * HID,), dtype=jnp.float32)
    # Layer 2: out_channels=64, heads=1, average
    W2 = jax.random.normal(ks[6], (HEADS * HID, OUT), dtype=jnp.float32) * (1.0 / np.sqrt(HEADS * HID))
    a2_src = jax.random.normal(ks[7], (1, OUT), dtype=jnp.float32) * 0.1
    a2_dst = jax.random.normal(ks[8], (1, OUT), dtype=jnp.float32) * 0.1
    b2 = jnp.zeros((OUT,), dtype=jnp.float32)
    return {"x": x, "edge_index": edge_index, "node_index": node_index,
            "W1": W1, "a1_src": a1_src, "a1_dst": a1_dst, "b1": b1,
            "W2": W2, "a2_src": a2_src, "a2_dst": a2_dst, "b2": b2}


def _segment_softmax(e, seg, num_segments):
    m = jax.ops.segment_max(e, seg, num_segments=num_segments)
    m = jnp.where(jnp.isfinite(m), m, 0.0)
    ex = jnp.exp(e - m[seg])
    denom = jax.ops.segment_sum(ex, seg, num_segments=num_segments)
    return ex / (denom[seg] + 1e-9)


def _gat_layer(x, edge_index, W, a_src, a_dst, b, heads, f_out, concat):
    n = x.shape[0]
    h = (x @ W).reshape(n, heads, f_out)              # [N, H, F]
    src = edge_index[0]
    dst = edge_index[1]
    alpha_src = jnp.sum(h * a_src[None, :, :], axis=-1)  # [N, H]
    alpha_dst = jnp.sum(h * a_dst[None, :, :], axis=-1)  # [N, H]
    e = alpha_src[src] + alpha_dst[dst]                  # [E, H]
    e = jnp.where(e > 0, e, 0.2 * e)                     # LeakyReLU(0.2)
    alpha = _segment_softmax(e, dst, n)                  # [E, H]
    msg = h[src] * alpha[:, :, None]                     # [E, H, F]
    out = jax.ops.segment_sum(msg, dst, num_segments=n)  # [N, H, F]
    if concat:
        out = out.reshape(n, heads * f_out)
    else:
        out = out.mean(axis=1)
    return out + b


def reference(x, edge_index, node_index, W1, a1_src, a1_dst, b1, W2, a2_src, a2_dst, b2):
    h = _gat_layer(x, edge_index, W1, a1_src, a1_dst, b1, HEADS, HID, True)
    h = jax.nn.elu(h)
    # Dropout(0.6) is inference no-op
    h = _gat_layer(h, edge_index, W2, a2_src, a2_dst, b2, 1, OUT, False)
    return jnp.take(h, node_index, axis=0)

if __name__ == "__main__":
    import jax
    _d = setup_inputs()
    print(jax.jit(kernel)(*tuple(_d.values())))

</pallas_src>

<mosaic_0001>
#map = affine_map<(d0, d1) -> (0, 0)>
module attributes {stable_mosaic.version = 14 : i64} {
  func.func @sc_kernel(%arg0: i32, %arg1: i32, %arg2: memref<2560x128xi32, #tpu.memory_space<hbm>>, %arg3: memref<10000x80xf32, #tpu.memory_space<hbm>>, %arg4: memref<10112x16xf32, #tpu.memory_space<hbm>>, %arg5: memref<10112x80xf32, #tpu.memory_space<hbm>>, %arg6: memref<20224x80xf32, #tpu.memory_space<hbm>>, %arg7: memref<80x128xi32, #tpu.memory_space<vmem>>, %arg8: memref<2x128xi32, #tpu.memory_space<vmem>>, %arg9: memref<2x128xi32, #tpu.memory_space<vmem>>, %arg10: memref<2x128x16xf32, #tpu.memory_space<vmem>>, %arg11: memref<2x128x80xf32, #tpu.memory_space<vmem>>, %arg12: memref<10112x80xf32, #tpu.memory_space<vmem_shared>>, %arg13: memref<!tpu.dma_semaphore, #tpu.memory_space<semaphore_mem>>, %arg14: memref<!tpu.dma_semaphore, #tpu.memory_space<semaphore_mem>>, %arg15: memref<!tpu.dma_semaphore, #tpu.memory_space<semaphore_mem>>, %arg16: memref<!tpu.dma_semaphore, #tpu.memory_space<semaphore_mem>>) attributes {dimension_semantics = [#tpu.dimension_semantics<core_parallel>, #tpu.dimension_semantics<subcore_parallel>], iteration_bounds = array<i64: 2, 16>, scalar_prefetch = 0 : i64, scratch_operands = 10 : i64, tpu.core_type = #tpu.core_type<sc_vector_subcore>, window_params = [{transform_indices = #map}, {transform_indices = #map}, {transform_indices = #map}, {transform_indices = #map}, {transform_indices = #map}]} {
    %mul3A = arith.constant 16 : i32
    %mul3A_0 = arith.muli %arg0, %mul3A : i32
    %add3A = arith.addi %mul3A_0, %arg1 : i32
    %mul3A_1 = arith.constant 632 : i32
    %mul3A_2 = arith.muli %arg1, %mul3A_1 : i32
    "tpu.region"() ({
      %run_scoped3A = tpu.sem_alloc : memref<!tpu.dma_semaphore, #tpu.memory_space<semaphore_mem>>
      %dma_start3A_64 = arith.constant 0 : i32
      %dma_start3A_65 = tpu.memref_slice %arg12[%mul3A_2, %dma_start3A_64] : memref<10112x80xf32, #tpu.memory_space<vmem_shared>> -> memref<632x80xf32, #tpu.memory_space<vmem_shared>>
      %dma_start3A_66 = arith.constant 0 : i32
      %dma_start3A_67 = tpu.memref_slice %arg5[%mul3A_2, %dma_start3A_66] : memref<10112x80xf32, #tpu.memory_space<hbm>> -> memref<632x80xf32, #tpu.memory_space<hbm>>
      tpu.enqueue_dma source(%dma_start3A_67 : memref<632x80xf32, #tpu.memory_space<hbm>>) target(%dma_start3A_65 : memref<632x80xf32, #tpu.memory_space<vmem_shared>>) target_semaphore(%run_scoped3A : memref<!tpu.dma_semaphore, #tpu.memory_space<semaphore_mem>>)
      %dma_wait3A_68 = arith.constant 0 : i32
      %dma_wait3A_69 = tpu.memref_slice %arg12[%mul3A_2, %dma_wait3A_68] : memref<10112x80xf32, #tpu.memory_space<vmem_shared>> -> memref<632x80xf32, #tpu.memory_space<vmem_shared>>
      %dma_wait3A_70 = arith.constant 0 : i32
      %dma_wait3A_71 = tpu.memref_slice %arg5[%mul3A_2, %dma_wait3A_70] : memref<10112x80xf32, #tpu.memory_space<hbm>> -> memref<632x80xf32, #tpu.memory_space<hbm>>
      tpu.wait_dma2 semaphore(%run_scoped3A : memref<!tpu.dma_semaphore, #tpu.memory_space<semaphore_mem>>) src(%dma_wait3A_71 : memref<632x80xf32, #tpu.memory_space<hbm>>) dst(%dma_wait3A_69 : memref<632x80xf32, #tpu.memory_space<vmem_shared>>)
      tpu.yield
    }) : () -> ()
    %barrier3A = arith.constant 0 : index
    tpu.barrier barrier_id(%barrier3A)
    %mul3A_3 = arith.constant 80 : i32
    %mul3A_4 = arith.muli %add3A, %mul3A_3 : i32
    "tpu.region"() ({
      %run_scoped3A = tpu.sem_alloc : memref<!tpu.dma_semaphore, #tpu.memory_space<semaphore_mem>>
      %dma_start3A_64 = arith.constant 0 : i32
      %dma_start3A_65 = tpu.memref_slice %arg2[%mul3A_4, %dma_start3A_64] : memref<2560x128xi32, #tpu.memory_space<hbm>> -> memref<80x128xi32, #tpu.memory_space<hbm>>
      %dma_start3A_66 = arith.constant 0 : i32
      %dma_start3A_67 = tpu.memref_slice %arg2[%mul3A_4, %dma_start3A_66] : memref<2560x128xi32, #tpu.memory_space<hbm>> -> memref<80x128xi32, #tpu.memory_space<hbm>>
      tpu.enqueue_dma source(%dma_start3A_67 : memref<80x128xi32, #tpu.memory_space<hbm>>) target(%arg7 : memref<80x128xi32, #tpu.memory_space<vmem>>) target_semaphore(%run_scoped3A : memref<!tpu.dma_semaphore, #tpu.memory_space<semaphore_mem>>)
      %dma_wait3A_68 = arith.constant 0 : i32
      %dma_wait3A_69 = tpu.memref_slice %arg2[%mul3A_4, %dma_wait3A_68] : memref<2560x128xi32, #tpu.memory_space<hbm>> -> memref<80x128xi32, #tpu.memory_space<hbm>>
      %dma_wait3A_70 = arith.constant 0 : i32
      %dma_wait3A_71 = tpu.memref_slice %arg2[%mul3A_4, %dma_wait3A_70] : memref<2560x128xi32, #tpu.memory_space<hbm>> -> memref<80x128xi32, #tpu.memory_space<hbm>>
      tpu.wait_dma2 semaphore(%run_scoped3A : memref<!tpu.dma_semaphore, #tpu.memory_space<semaphore_mem>>) src(%dma_wait3A_71 : memref<80x128xi32, #tpu.memory_space<hbm>>) dst(%arg7 : memref<80x128xi32, #tpu.memory_space<vmem>>)
      tpu.yield
    }) : () -> ()
    %scan3A = arith.constant 0 : i32
    %scan3A_5 = arith.constant 8 : i32
    %scan3A_6 = arith.addi %scan3A, %scan3A_5 : i32
    %scan3A_7 = arith.constant 1 : i32
    scf.for %scan3A_64 = %scan3A to %scan3A_6 step %scan3A_7  : i32 {
      %mul3A_65 = arith.constant 1 : i32
      %mul3A_66 = arith.muli %scan3A_64, %mul3A_65 : i32
      %add3A_67 = arith.constant 0 : i32
      %add3A_68 = arith.addi %add3A_67, %mul3A_66 : i32
      %mul3A_69 = arith.constant 16 : i32
      %mul3A_70 = arith.muli %add3A_68, %mul3A_69 : i32
      %get3A = arith.constant 0 : i32
      %get3A_71 = arith.index_cast %get3A : i32 to index
      %get3A_72 = arith.index_cast %mul3A_70 : i32 to index
      %get3A_73 = tpu.vector_load %arg7[%get3A_71, %get3A_72] {strides = array<i32>} : memref<80x128xi32, #tpu.memory_space<vmem>>, vector<1x16xi32>,
      %get3A_74 = vector.shape_cast %get3A_73 : vector<1x16xi32> to vector<16xi32>
      %and3A = arith.constant 16383 : i32
      %and3A_75 = vector.broadcast %and3A : i32 to vector<16xi32>
      %and3A_76 = arith.andi %get3A_74, %and3A_75 : vector<16xi32>
      %mul3A_77 = arith.constant 16 : i32
      %mul3A_78 = arith.muli %add3A_68, %mul3A_77 : i32
      %swap3A = arith.constant 0 : i32
      %swap3A_79 = arith.index_cast %swap3A : i32 to index
      %swap3A_80 = arith.index_cast %mul3A_78 : i32 to index
      %swap3A_81 = tpu.vector_load %arg8[%swap3A_79, %swap3A_80] {strides = array<i32>} : memref<2x128xi32, #tpu.memory_space<vmem>>, vector<1x16xi32>,
      %swap3A_82 = vector.shape_cast %swap3A_81 : vector<1x16xi32> to vector<16xi32>
      %swap3A_83 = vector.shape_cast %and3A_76 : vector<16xi32> to vector<1x16xi32>
      tpu.vector_store %arg8[%swap3A_79, %swap3A_80], %swap3A_83 {strides = array<i32>} : memref<2x128xi32, #tpu.memory_space<vmem>>, vector<1x16xi32>,
      %shift_right_arithmetic3A = arith.constant 14 : i32
      %shift_right_arithmetic3A_84 = vector.broadcast %shift_right_arithmetic3A : i32 to vector<16xi32>
      %shift_right_arithmetic3A_85 = arith.shrsi %get3A_74, %shift_right_arithmetic3A_84 : vector<16xi32>
      %mul3A_86 = arith.constant 16 : i32
      %mul3A_87 = arith.muli %add3A_68, %mul3A_86 : i32
      %swap3A_88 = arith.constant 0 : i32
      %swap3A_89 = arith.index_cast %swap3A_88 : i32 to index
      %swap3A_90 = arith.index_cast %mul3A_87 : i32 to index
      %swap3A_91 = tpu.vector_load %arg9[%swap3A_89, %swap3A_90] {strides = array<i32>} : memref<2x128xi32, #tpu.memory_space<vmem>>, vector<1x16xi32>,
      %swap3A_92 = vector.shape_cast %swap3A_91 : vector<1x16xi32> to vector<16xi32>
      %swap3A_93 = vector.shape_cast %shift_right_arithmetic3A_85 : vector<16xi32> to vector<1x16xi32>
      tpu.vector_store %arg9[%swap3A_89, %swap3A_90], %swap3A_93 {strides = array<i32>} : memref<2x128xi32, #tpu.memory_space<vmem>>, vector<1x16xi32>,
    }
    %scan3A_8 = arith.constant 8 : i32
    %dma_start3A = arith.constant 0 : i32
    %dma_start3A_9 = arith.constant 0 : i32
    %dma_start3A_10 = arith.constant 0 : i32
    %dma_start3A_11 = arith.constant 0 : i32
    %dma_start3A_12 = tpu.memref_slice %arg11[%dma_start3A_9, %dma_start3A_10, %dma_start3A_11] : memref<2x128x80xf32, #tpu.memory_space<vmem>> -> memref<1x128x80xf32, #tpu.memory_space<vmem>>
    %dma_start3A_13 = tpu.memref_squeeze %dma_start3A_12 : memref<1x128x80xf32, #tpu.memory_space<vmem>> -> memref<128x80xf32, #tpu.memory_space<vmem>>
    %dma_start3A_14 = arith.constant 0 : i32
    %dma_start3A_15 = tpu.memref_slice %arg8[%dma_start3A, %dma_start3A_14] : memref<2x128xi32, #tpu.memory_space<vmem>> -> memref<1x128xi32, #tpu.memory_space<vmem>>
    %dma_start3A_16 = tpu.memref_squeeze %dma_start3A_15 : memref<1x128xi32, #tpu.memory_space<vmem>> -> memref<128xi32, #tpu.memory_space<vmem>>
    %dma_start3A_17 = arith.constant 0 : i32
    %dma_start3A_18 = arith.constant 0 : i32
    %dma_start3A_19 = tpu.memref_slice %arg3[%dma_start3A_17, %dma_start3A_18] : memref<10000x80xf32, #tpu.memory_space<hbm>> -> memref<10000x80xf32, #tpu.memory_space<hbm>>
    tpu.enqueue_indirect_dma source(%dma_start3A_19 : memref<10000x80xf32, #tpu.memory_space<hbm>>) target(%dma_start3A_13 : memref<128x80xf32, #tpu.memory_space<vmem>>) offsets(%dma_start3A_16 : memref<128xi32, #tpu.memory_space<vmem>>) semaphore(%arg13 : memref<!tpu.dma_semaphore, #tpu.memory_space<semaphore_mem>>)
    %dma_start3A_20 = arith.constant 0 : i32
    %dma_start3A_21 = arith.constant 0 : i32
    %dma_start3A_22 = arith.constant 0 : i32
    %dma_start3A_23 = arith.constant 0 : i32
    %dma_start3A_24 = tpu.memref_slice %arg10[%dma_start3A_21, %dma_start3A_22, %dma_start3A_23] : memref<2x128x16xf32, #tpu.memory_space<vmem>> -> memref<1x128x16xf32, #tpu.memory_space<vmem>>
    %dma_start3A_25 = tpu.memref_squeeze %dma_start3A_24 : memref<1x128x16xf32, #tpu.memory_space<vmem>> -> memref<128x16xf32, #tpu.memory_space<vmem>>
    %dma_start3A_26 = arith.constant 0 : i32
    %dma_start3A_27 = tpu.memref_slice %arg9[%dma_start3A_20, %dma_start3A_26] : memref<2x128xi32, #tpu.memory_space<vmem>> -> memref<1x128xi32, #tpu.memory_space<vmem>>
    %dma_start3A_28 = tpu.memref_squeeze %dma_start3A_27 : memref<1x128xi32, #tpu.memory_space<vmem>> -> memref<128xi32, #tpu.memory_space<vmem>>
    %dma_start3A_29 = arith.constant 0 : i32
    %dma_start3A_30 = arith.constant 0 : i32
    %dma_start3A_31 = tpu.memref_slice %arg4[%dma_start3A_29, %dma_start3A_30] : memref<10112x16xf32, #tpu.memory_space<hbm>> -> memref<10112x16xf32, #tpu.memory_space<hbm>>
    tpu.enqueue_indirect_dma source(%dma_start3A_31 : memref<10112x16xf32, #tpu.memory_space<hbm>>) target(%dma_start3A_25 : memref<128x16xf32, #tpu.memory_space<vmem>>) offsets(%dma_start3A_28 : memref<128xi32, #tpu.memory_space<vmem>>) semaphore(%arg13 : memref<!tpu.dma_semaphore, #tpu.memory_space<semaphore_mem>>)
    %scan3A_32 = arith.constant 0 : i32
    %scan3A_33 = arith.constant 40 : i32
    %scan3A_34 = arith.addi %scan3A_32, %scan3A_33 : i32
    %scan3A_35 = arith.constant 1 : i32
    scf.for %scan3A_64 = %scan3A_32 to %scan3A_34 step %scan3A_35  : i32 {
      %mul3A_65 = arith.constant 1 : i32
      %mul3A_66 = arith.muli %scan3A_64, %mul3A_65 : i32
      %add3A_67 = arith.constant 0 : i32
      %add3A_68 = arith.addi %add3A_67, %mul3A_66 : i32
      %mul3A_69 = arith.constant 2 : i32
      %mul3A_70 = arith.muli %mul3A_69, %add3A_68 : i32
      %add3A_71 = arith.constant 0 : i32
      %add3A_72 = arith.addi %mul3A_70, %add3A_71 : i32
      %dma_wait3A_73 = arith.constant 0 : i32
      %dma_wait3A_74 = arith.constant 0 : i32
      %dma_wait3A_75 = arith.constant 0 : i32
      %dma_wait3A_76 = arith.constant 0 : i32
      %dma_wait3A_77 = tpu.memref_slice %arg11[%dma_wait3A_74, %dma_wait3A_75, %dma_wait3A_76] : memref<2x128x80xf32, #tpu.memory_space<vmem>> -> memref<1x128x80xf32, #tpu.memory_space<vmem>>
      %dma_wait3A_78 = tpu.memref_squeeze %dma_wait3A_77 : memref<1x128x80xf32, #tpu.memory_space<vmem>> -> memref<128x80xf32, #tpu.memory_space<vmem>>
      %dma_wait3A_79 = arith.constant 0 : i32
      %dma_wait3A_80 = tpu.memref_slice %arg8[%dma_wait3A_73, %dma_wait3A_79] : memref<2x128xi32, #tpu.memory_space<vmem>> -> memref<1x128xi32, #tpu.memory_space<vmem>>
      %dma_wait3A_81 = tpu.memref_squeeze %dma_wait3A_80 : memref<1x128xi32, #tpu.memory_space<vmem>> -> memref<128xi32, #tpu.memory_space<vmem>>
      %dma_wait3A_82 = arith.constant 0 : i32
      %dma_wait3A_83 = arith.constant 0 : i32
      %dma_wait3A_84 = tpu.memref_slice %arg3[%dma_wait3A_82, %dma_wait3A_83] : memref<10000x80xf32, #tpu.memory_space<hbm>> -> memref<10000x80xf32, #tpu.memory_space<hbm>>
      tpu.wait_indirect_dma semaphore(%arg13 : memref<!tpu.dma_semaphore, #tpu.memory_space<semaphore_mem>>) src(%dma_wait3A_84 : memref<10000x80xf32, #tpu.memory_space<hbm>>) dst(%dma_wait3A_78 : memref<128x80xf32, #tpu.memory_space<vmem>>)
      %dma_wait3A_85 = arith.constant 0 : i32
      %dma_wait3A_86 = arith.constant 0 : i32
      %dma_wait3A_87 = arith.constant 0 : i32
      %dma_wait3A_88 = arith.constant 0 : i32
      %dma_wait3A_89 = tpu.memref_slice %arg10[%dma_wait3A_86, %dma_wait3A_87, %dma_wait3A_88] : memref<2x128x16xf32, #tpu.memory_space<vmem>> -> memref<1x128x16xf32, #tpu.memory_space<vmem>>
      %dma_wait3A_90 = tpu.memref_squeeze %dma_wait3A_89 : memref<1x128x16xf32, #tpu.memory_space<vmem>> -> memref<128x16xf32, #tpu.memory_space<vmem>>
      %dma_wait3A_91 = arith.constant 0 : i32
      %dma_wait3A_92 = tpu.memref_slice %arg9[%dma_wait3A_85, %dma_wait3A_91] : memref<2x128xi32, #tpu.memory_space<vmem>> -> memref<1x128xi32, #tpu.memory_space<vmem>>
      %dma_wait3A_93 = tpu.memref_squeeze %dma_wait3A_92 : memref<1x128xi32, #tpu.memory_space<vmem>> -> memref<128xi32, #tpu.memory_space<vmem>>
      %dma_wait3A_94 = arith.constant 0 : i32
      %dma_wait3A_95 = arith.constant 0 : i32
      %dma_wait3A_96 = tpu.memref_slice %arg4[%dma_wait3A_94, %dma_wait3A_95] : memref<10112x16xf32, #tpu.memory_space<hbm>> -> memref<10112x16xf32, #tpu.memory_space<hbm>>
      tpu.wait_indirect_dma semaphore(%arg13 : memref<!tpu.dma_semaphore, #tpu.memory_space<semaphore_mem>>) src(%dma_wait3A_96 : memref<10112x16xf32, #tpu.memory_space<hbm>>) dst(%dma_wait3A_90 : memref<128x16xf32, #tpu.memory_space<vmem>>)
      %add3A_97 = arith.constant 1 : i32
      %add3A_98 = arith.addi %add3A_72, %add3A_97 : i32
      %lt3A = arith.constant 80 : i32
      %lt3A_99 = arith.cmpi slt, %add3A_98, %lt3A : i32
      %convert_element_type3A = arith.extui %lt3A_99 : i1 to i32
      %cond3A = arith.constant 0 : i32
      %cond3A_100 = arith.cmpi ne, %convert_element_type3A, %cond3A : i32
      scf.if %cond3A_100 {
        %ge3A = arith.constant 1 : i32
        %ge3A_174 = arith.cmpi sge, %add3A_72, %ge3A : i32
        %convert_element_type3A_175 = arith.extui %ge3A_174 : i1 to i32
        %cond3A_176 = arith.constant 0 : i32
        %cond3A_177 = arith.cmpi ne, %convert_element_type3A_175, %cond3A_176 : i32
        scf.if %cond3A_177 {
          %dma_wait3A_209 = arith.constant 1 : i32
          %dma_wait3A_210 = arith.constant 1 : i32
          %dma_wait3A_211 = arith.constant 0 : i32
          %dma_wait3A_212 = arith.constant 0 : i32
          %dma_wait3A_213 = tpu.memref_slice %arg11[%dma_wait3A_209, %dma_wait3A_211, %dma_wait3A_212] : memref<2x128x80xf32, #tpu.memory_space<vmem>> -> memref<1x128x80xf32, #tpu.memory_space<vmem>>
          %dma_wait3A_214 = tpu.memref_squeeze %dma_wait3A_213 : memref<1x128x80xf32, #tpu.memory_space<vmem>> -> memref<128x80xf32, #tpu.memory_space<vmem>>
          %dma_wait3A_215 = arith.constant 0 : i32
          %dma_wait3A_216 = tpu.memref_slice %arg9[%dma_wait3A_210, %dma_wait3A_215] : memref<2x128xi32, #tpu.memory_space<vmem>> -> memref<1x128xi32, #tpu.memory_space<vmem>>
          %dma_wait3A_217 = tpu.memref_squeeze %dma_wait3A_216 : memref<1x128xi32, #tpu.memory_space<vmem>> -> memref<128xi32, #tpu.memory_space<vmem>>
          %dma_wait3A_218 = arith.constant 0 : i32
          %dma_wait3A_219 = arith.constant 0 : i32
          %dma_wait3A_220 = tpu.memref_slice %arg12[%dma_wait3A_218, %dma_wait3A_219] : memref<10112x80xf32, #tpu.memory_space<vmem_shared>> -> memref<10112x80xf32, #tpu.memory_space<vmem_shared>>
          tpu.wait_indirect_dma semaphore(%arg16 : memref<!tpu.dma_semaphore, #tpu.memory_space<semaphore_mem>>) src(%dma_wait3A_214 : memref<128x80xf32, #tpu.memory_space<vmem>>) dst(%dma_wait3A_220 : memref<10112x80xf32, #tpu.memory_space<vmem_shared>>)
        } else {
        }
        %add3A_178 = arith.constant 1 : i32
        %add3A_179 = arith.addi %add3A_72, %add3A_178 : i32
        %scan3A_180 = arith.constant 0 : i32
        %scan3A_181 = arith.constant 8 : i32
        %scan3A_182 = arith.addi %scan3A_180, %scan3A_181 : i32
        %scan3A_183 = arith.constant 1 : i32
        scf.for %scan3A_209 = %scan3A_180 to %scan3A_182 step %scan3A_183  : i32 {
          %mul3A_210 = arith.constant 1 : i32
          %mul3A_211 = arith.muli %scan3A_209, %mul3A_210 : i32
          %add3A_212 = arith.constant 0 : i32
          %add3A_213 = arith.addi %add3A_212, %mul3A_211 : i32
          %mul3A_214 = arith.constant 16 : i32
          %mul3A_215 = arith.muli %add3A_213, %mul3A_214 : i32
          %get3A = arith.index_cast %add3A_179 : i32 to index
          %get3A_216 = arith.index_cast %mul3A_215 : i32 to index
          %get3A_217 = tpu.vector_load %arg7[%get3A, %get3A_216] {strides = array<i32>} : memref<80x128xi32, #tpu.memory_space<vmem>>, vector<1x16xi32>,
          %get3A_218 = vector.shape_cast %get3A_217 : vector<1x16xi32> to vector<16xi32>
          %and3A = arith.constant 16383 : i32
          %and3A_219 = vector.broadcast %and3A : i32 to vector<16xi32>
          %and3A_220 = arith.andi %get3A_218, %and3A_219 : vector<16xi32>
          %mul3A_221 = arith.constant 16 : i32
          %mul3A_222 = arith.muli %add3A_213, %mul3A_221 : i32
          %swap3A = arith.constant 1 : i32
          %swap3A_223 = arith.index_cast %swap3A : i32 to index
          %swap3A_224 = arith.index_cast %mul3A_222 : i32 to index
          %swap3A_225 = tpu.vector_load %arg8[%swap3A_223, %swap3A_224] {strides = array<i32>} : memref<2x128xi32, #tpu.memory_space<vmem>>, vector<1x16xi32>,
          %swap3A_226 = vector.shape_cast %swap3A_225 : vector<1x16xi32> to vector<16xi32>
          %swap3A_227 = vector.shape_cast %and3A_220 : vector<16xi32> to vector<1x16xi32>
          tpu.vector_store %arg8[%swap3A_223, %swap3A_224], %swap3A_227 {strides = array<i32>} : memref<2x128xi32, #tpu.memory_space<vmem>>, vector<1x16xi32>,
          %shift_right_arithmetic3A = arith.constant 14 : i32
          %shift_right_arithmetic3A_228 = vector.broadcast %shift_right_arithmetic3A : i32 to vector<16xi32>
          %shift_right_arithmetic3A_229 = arith.shrsi %get3A_218, %shift_right_arithmetic3A_228 : vector<16xi32>
          %mul3A_230 = arith.constant 16 : i32
          %mul3A_231 = arith.muli %add3A_213, %mul3A_230 : i32
          %swap3A_232 = arith.constant 1 : i32
          %swap3A_233 = arith.index_cast %swap3A_232 : i32 to index
          %swap3A_234 = arith.index_cast %mul3A_231 : i32 to index
          %swap3A_235 = tpu.vector_load %arg9[%swap3A_233, %swap3A_234] {strides = array<i32>} : memref<2x128xi32, #tpu.memory_space<vmem>>, vector<1x16xi32>,
          %swap3A_236 = vector.shape_cast %swap3A_235 : vector<1x16xi32> to vector<16xi32>
          %swap3A_237 = vector.shape_cast %shift_right_arithmetic3A_229 : vector<16xi32> to vector<1x16xi32>
          tpu.vector_store %arg9[%swap3A_233, %swap3A_234], %swap3A_237 {strides = array<i32>} : memref<2x128xi32, #tpu.memory_space<vmem>>, vector<1x16xi32>,
        }
        %scan3A_184 = arith.constant 8 : i32
        %dma_start3A_185 = arith.constant 1 : i32
        %dma_start3A_186 = arith.constant 1 : i32
        %dma_start3A_187 = arith.constant 0 : i32
        %dma_start3A_188 = arith.constant 0 : i32
        %dma_start3A_189 = tpu.memref_slice %arg11[%dma_start3A_186, %dma_start3A_187, %dma_start3A_188] : memref<2x128x80xf32, #tpu.memory_space<vmem>> -> memref<1x128x80xf32, #tpu.memory_space<vmem>>
        %dma_start3A_190 = tpu.memref_squeeze %dma_start3A_189 : memref<1x128x80xf32, #tpu.memory_space<vmem>> -> memref<128x80xf32, #tpu.memory_space<vmem>>
        %dma_start3A_191 = arith.constant 0 : i32
        %dma_start3A_192 = tpu.memref_slice %arg8[%dma_start3A_185, %dma_start3A_191] : memref<2x128xi32, #tpu.memory_space<vmem>> -> memref<1x128xi32, #tpu.memory_space<vmem>>
        %dma_start3A_193 = tpu.memref_squeeze %dma_start3A_192 : memref<1x128xi32, #tpu.memory_space<vmem>> -> memref<128xi32, #tpu.memory_space<vmem>>
        %dma_start3A_194 = arith.constant 0 : i32
        %dma_start3A_195 = arith.constant 0 : i32
        %dma_start3A_196 = tpu.memref_slice %arg3[%dma_start3A_194, %dma_start3A_195] : memref<10000x80xf32, #tpu.memory_space<hbm>> -> memref<10000x80xf32, #tpu.memory_space<hbm>>
        tpu.enqueue_indirect_dma source(%dma_start3A_196 : memref<10000x80xf32, #tpu.memory_space<hbm>>) target(%dma_start3A_190 : memref<128x80xf32, #tpu.memory_space<vmem>>) offsets(%dma_start3A_193 : memref<128xi32, #tpu.memory_space<vmem>>) semaphore(%arg14 : memref<!tpu.dma_semaphore, #tpu.memory_space<semaphore_mem>>)
        %dma_start3A_197 = arith.constant 1 : i32
        %dma_start3A_198 = arith.constant 1 : i32
        %dma_start3A_199 = arith.constant 0 : i32
        %dma_start3A_200 = arith.constant 0 : i32
        %dma_start3A_201 = tpu.memref_slice %arg10[%dma_start3A_198, %dma_start3A_199, %dma_start3A_200] : memref<2x128x16xf32, #tpu.memory_space<vmem>> -> memref<1x128x16xf32, #tpu.memory_space<vmem>>
        %dma_start3A_202 = tpu.memref_squeeze %dma_start3A_201 : memref<1x128x16xf32, #tpu.memory_space<vmem>> -> memref<128x16xf32, #tpu.memory_space<vmem>>
        %dma_start3A_203 = arith.constant 0 : i32
        %dma_start3A_204 = tpu.memref_slice %arg9[%dma_start3A_197, %dma_start3A_203] : memref<2x128xi32, #tpu.memory_space<vmem>> -> memref<1x128xi32, #tpu.memory_space<vmem>>
        %dma_start3A_205 = tpu.memref_squeeze %dma_start3A_204 : memref<1x128xi32, #tpu.memory_space<vmem>> -> memref<128xi32, #tpu.memory_space<vmem>>
        %dma_start3A_206 = arith.constant 0 : i32
        %dma_start3A_207 = arith.constant 0 : i32
        %dma_start3A_208 = tpu.memref_slice %arg4[%dma_start3A_206, %dma_start3A_207] : memref<10112x16xf32, #tpu.memory_space<hbm>> -> memref<10112x16xf32, #tpu.memory_space<hbm>>
        tpu.enqueue_indirect_dma source(%dma_start3A_208 : memref<10112x16xf32, #tpu.memory_space<hbm>>) target(%dma_start3A_202 : memref<128x16xf32, #tpu.memory_space<vmem>>) offsets(%dma_start3A_205 : memref<128xi32, #tpu.memory_space<vmem>>) semaphore(%arg14 : memref<!tpu.dma_semaphore, #tpu.memory_space<semaphore_mem>>)
      } else {
      }
      %scan3A_101 = arith.constant 0 : i32
      %scan3A_102 = arith.constant 0 : i32
      %scan3A_103 = arith.constant 0 : i32
      %scan3A_104 = arith.constant 128 : i32
      %scan3A_105 = arith.addi %scan3A_103, %scan3A_104 : i32
      %scan3A_106 = arith.constant 1 : i32
      scf.for %scan3A_174 = %scan3A_103 to %scan3A_105 step %scan3A_106  : i32 {
        %mul3A_175 = arith.constant 1 : i32
        %mul3A_176 = arith.muli %scan3A_174, %mul3A_175 : i32
        %add3A_177 = arith.constant 0 : i32
        %add3A_178 = arith.addi %add3A_177, %mul3A_176 : i32
        %get3A = arith.constant 0 : i32
        %get3A_179 = arith.constant 0 : i32
        %get3A_180 = tpu.memref_slice %arg11[%scan3A_101, %get3A, %get3A_179] : memref<2x128x80xf32, #tpu.memory_space<vmem>> -> memref<1x128x80xf32, #tpu.memory_space<vmem>>
        %get3A_181 = tpu.memref_squeeze %get3A_180 : memref<1x128x80xf32, #tpu.memory_space<vmem>> -> memref<128x80xf32, #tpu.memory_space<vmem>>
        %get3A_182 = arith.index_cast %add3A_178 : i32 to index
        %get3A_183 = arith.constant 64 : index
        %get3A_184 = tpu.vector_load %get3A_181[%get3A_182, %get3A_183] {strides = array<i32>} : memref<128x80xf32, #tpu.memory_space<vmem>>, vector<1x16xf32>,
        %get3A_185 = vector.shape_cast %get3A_184 : vector<1x16xf32> to vector<16xf32>
        %get3A_186 = arith.constant 0 : i32
        %get3A_187 = arith.constant 0 : i32
        %get3A_188 = tpu.memref_slice %arg10[%scan3A_102, %get3A_186, %get3A_187] : memref<2x128x16xf32, #tpu.memory_space<vmem>> -> memref<1x128x16xf32, #tpu.memory_space<vmem>>
        %get3A_189 = tpu.memref_squeeze %get3A_188 : memref<1x128x16xf32, #tpu.memory_space<vmem>> -> memref<128x16xf32, #tpu.memory_space<vmem>>
        %get3A_190 = arith.index_cast %add3A_178 : i32 to index
        %get3A_191 = arith.constant 0 : index
        %get3A_192 = tpu.vector_load %get3A_189[%get3A_190, %get3A_191] {strides = array<i32>} : memref<128x16xf32, #tpu.memory_space<vmem>>, vector<1x16xf32>,
        %get3A_193 = vector.shape_cast %get3A_192 : vector<1x16xf32> to vector<16xf32>
        %add3A_194 = arith.addf %get3A_185, %get3A_193 : vector<16xf32>
        %mul3A_195 = arith.constant 2.000000e-01 : f32
        %mul3A_196 = vector.broadcast %mul3A_195 : f32 to vector<16xf32>
        %mul3A_197 = arith.mulf %mul3A_196, %add3A_194 : vector<16xf32>
        %max3A = arith.maximumf %add3A_194, %mul3A_197 : vector<16xf32>
        %exp3A = math.exp %max3A : vector<16xf32>
        %swap3A = arith.constant 0 : i32
        %swap3A_198 = arith.constant 0 : i32
        %swap3A_199 = tpu.memref_slice %arg11[%scan3A_101, %swap3A, %swap3A_198] : memref<2x128x80xf32, #tpu.memory_space<vmem>> -> memref<1x128x80xf32, #tpu.memory_space<vmem>>
        %swap3A_200 = tpu.memref_squeeze %swap3A_199 : memref<1x128x80xf32, #tpu.memory_space<vmem>> -> memref<128x80xf32, #tpu.memory_space<vmem>>
        %swap3A_201 = arith.index_cast %add3A_178 : i32 to index
        %swap3A_202 = arith.constant 64 : index
        %swap3A_203 = tpu.vector_load %swap3A_200[%swap3A_201, %swap3A_202] {strides = array<i32>} : memref<128x80xf32, #tpu.memory_space<vmem>>, vector<1x16xf32>,
        %swap3A_204 = vector.shape_cast %swap3A_203 : vector<1x16xf32> to vector<16xf32>
        %swap3A_205 = vector.shape_cast %exp3A : vector<16xf32> to vector<1x16xf32>
        tpu.vector_store %swap3A_200[%swap3A_201, %swap3A_202], %swap3A_205 {strides = array<i32>} : memref<128x80xf32, #tpu.memory_space<vmem>>, vector<1x16xf32>,
        %broadcast_in_dim3A = arith.constant 0 : i32
        %broadcast_in_dim3A_206 = vector.broadcast %broadcast_in_dim3A : i32 to vector<16xi32>
        %broadcast_in_dim3A_207 = vector.shape_cast %broadcast_in_dim3A_206 : vector<16xi32> to vector<16x1xi32>
        %gather3A = vector.shape_cast %broadcast_in_dim3A_207 : vector<16x1xi32> to vector<16xi32>
        %gather3A_208 = tpu.dynamic_gather %exp3A[%gather3A] in [0] : vector<16xf32>, vector<16xi32> -> vector<16xf32>
        %get3A_209 = arith.constant 0 : i32
        %get3A_210 = arith.constant 0 : i32
        %get3A_211 = tpu.memref_slice %arg11[%scan3A_101, %get3A_209, %get3A_210] : memref<2x128x80xf32, #tpu.memory_space<vmem>> -> memref<1x128x80xf32, #tpu.memory_space<vmem>>
        %get3A_212 = tpu.memref_squeeze %get3A_211 : memref<1x128x80xf32, #tpu.memory_space<vmem>> -> memref<128x80xf32, #tpu.memory_space<vmem>>
        %get3A_213 = arith.index_cast %add3A_178 : i32 to index
        %get3A_214 = arith.constant 0 : index
        %get3A_215 = tpu.vector_load %get3A_212[%get3A_213, %get3A_214] {strides = array<i32>} : memref<128x80xf32, #tpu.memory_space<vmem>>, vector<1x16xf32>,
        %get3A_216 = vector.shape_cast %get3A_215 : vector<1x16xf32> to vector<16xf32>
        %mul3A_217 = arith.mulf %get3A_216, %gather3A_208 : vector<16xf32>
        %swap3A_218 = arith.constant 0 : i32
        %swap3A_219 = arith.constant 0 : i32
        %swap3A_220 = tpu.memref_slice %arg11[%scan3A_101, %swap3A_218, %swap3A_219] : memref<2x128x80xf32, #tpu.memory_space<vmem>> -> memref<1x128x80xf32, #tpu.memory_space<vmem>>
        %swap3A_221 = tpu.memref_squeeze %swap3A_220 : memref<1x128x80xf32, #tpu.memory_space<vmem>> -> memref<128x80xf32, #tpu.memory_space<vmem>>
        %swap3A_222 = arith.index_cast %add3A_178 : i32 to index
        %swap3A_223 = arith.constant 0 : index
        %swap3A_224 = tpu.vector_load %swap3A_221[%swap3A_222, %swap3A_223] {strides = array<i32>} : memref<128x80xf32, #tpu.memory_space<vmem>>, vector<1x16xf32>,
        %swap3A_225 = vector.shape_cast %swap3A_224 : vector<1x16xf32> to vector<16xf32>
        %swap3A_226 = vector.shape_cast %mul3A_217 : vector<16xf32> to vector<1x16xf32>
        tpu.vector_store %swap3A_221[%swap3A_222, %swap3A_223], %swap3A_226 {strides = array<i32>} : memref<128x80xf32, #tpu.memory_space<vmem>>, vector<1x16xf32>,
        %get3A_227 = arith.constant 0 : i32
        %get3A_228 = arith.constant 0 : i32
        %get3A_229 = tpu.memref_slice %arg11[%scan3A_101, %get3A_227, %get3A_228] : memref<2x128x80xf32, #tpu.memory_space<vmem>> -> memref<1x128x80xf32, #tpu.memory_space<vmem>>
        %get3A_230 = tpu.memref_squeeze %get3A_229 : memref<1x128x80xf32, #tpu.memory_space<vmem>> -> memref<128x80xf32, #tpu.memory_space<vmem>>
        %get3A_231 = arith.index_cast %add3A_178 : i32 to index
        %get3A_232 = arith.constant 16 : index
        %get3A_233 = tpu.vector_load %get3A_230[%get3A_231, %get3A_232] {strides = array<i32>} : memref<128x80xf32, #tpu.memory_space<vmem>>, vector<1x16xf32>,
        %get3A_234 = vector.shape_cast %get3A_233 : vector<1x16xf32> to vector<16xf32>
        %mul3A_235 = arith.mulf %get3A_234, %gather3A_208 : vector<16xf32>
        %swap3A_236 = arith.constant 0 : i32
        %swap3A_237 = arith.constant 0 : i32
        %swap3A_238 = tpu.memref_slice %arg11[%scan3A_101, %swap3A_236, %swap3A_237] : memref<2x128x80xf32, #tpu.memory_space<vmem>> -> memref<1x128x80xf32, #tpu.memory_space<vmem>>
        %swap3A_239 = tpu.memref_squeeze %swap3A_238 : memref<1x128x80xf32, #tpu.memory_space<vmem>> -> memref<128x80xf32, #tpu.memory_space<vmem>>
        %swap3A_240 = arith.index_cast %add3A_178 : i32 to index
        %swap3A_241 = arith.constant 16 : index
        %swap3A_242 = tpu.vector_load %swap3A_239[%swap3A_240, %swap3A_241] {strides = array<i32>} : memref<128x80xf32, #tpu.memory_space<vmem>>, vector<1x16xf32>,
        %swap3A_243 = vector.shape_cast %swap3A_242 : vector<1x16xf32> to vector<16xf32>
        %swap3A_244 = vector.shape_cast %mul3A_235 : vector<16xf32> to vector<1x16xf32>
        tpu.vector_store %swap3A_239[%swap3A_240, %swap3A_241], %swap3A_244 {strides = array<i32>} : memref<128x80xf32, #tpu.memory_space<vmem>>, vector<1x16xf32>,
        %get3A_245 = arith.constant 0 : i32
        %get3A_246 = arith.constant 0 : i32
        %get3A_247 = tpu.memref_slice %arg11[%scan3A_101, %get3A_245, %get3A_246] : memref<2x128x80xf32, #tpu.memory_space<vmem>> -> memref<1x128x80xf32, #tpu.memory_space<vmem>>
        %get3A_248 = tpu.memref_squeeze %get3A_247 : memref<1x128x80xf32, #tpu.memory_space<vmem>> -> memref<128x80xf32, #tpu.memory_space<vmem>>
        %get3A_249 = arith.index_cast %add3A_178 : i32 to index
        %get3A_250 = arith.constant 32 : index
        %get3A_251 = tpu.vector_load %get3A_248[%get3A_249, %get3A_250] {strides = array<i32>} : memref<128x80xf32, #tpu.memory_space<vmem>>, vector<1x16xf32>,
        %get3A_252 = vector.shape_cast %get3A_251 : vector<1x16xf32> to vector<16xf32>
        %mul3A_253 = arith.mulf %get3A_252, %gather3A_208 : vector<16xf32>
        %swap3A_254 = arith.constant 0 : i32
        %swap3A_255 = arith.constant 0 : i32
        %swap3A_256 = tpu.memref_slice %arg11[%scan3A_101, %swap3A_254, %swap3A_255] : memref<2x128x80xf32, #tpu.memory_space<vmem>> -> memref<1x128x80xf32, #tpu.memory_space<vmem>>
        %swap3A_257 = tpu.memref_squeeze %swap3A_256 : memref<1x128x80xf32, #tpu.memory_space<vmem>> -> memref<128x80xf32, #tpu.memory_space<vmem>>
        %swap3A_258 = arith.index_cast %add3A_178 : i32 to index
        %swap3A_259 = arith.constant 32 : index
        %swap3A_260 = tpu.vector_load %swap3A_257[%swap3A_258, %swap3A_259] {strides = array<i32>} : memref<128x80xf32, #tpu.memory_space<vmem>>, vector<1x16xf32>,
        %swap3A_261 = vector.shape_cast %swap3A_260 : vector<1x16xf32> to vector<16xf32>
        %swap3A_262 = vector.shape_cast %mul3A_253 : vector<16xf32> to vector<1x16xf32>
        tpu.vector_store %swap3A_257[%swap3A_258, %swap3A_259], %swap3A_262 {strides = array<i32>} : memref<128x80xf32, #tpu.memory_space<vmem>>, vector<1x16xf32>,
        %get3A_263 = arith.constant 0 : i32
        %get3A_264 = arith.constant 0 : i32
        %get3A_265 = tpu.memref_slice %arg11[%scan3A_101, %get3A_263, %get3A_264] : memref<2x128x80xf32, #tpu.memory_space<vmem>> -> memref<1x128x80xf32, #tpu.memory_space<vmem>>
        %get3A_266 = tpu.memref_squeeze %get3A_265 : memref<1x128x80xf32, #tpu.memory_space<vmem>> -> memref<128x80xf32, #tpu.memory_space<vmem>>
        %get3A_267 = arith.index_cast %add3A_178 : i32 to index
        %get3A_268 = arith.constant 48 : index
        %get3A_269 = tpu.vector_load %get3A_266[%get3A_267, %get3A_268] {strides = array<i32>} : memref<128x80xf32, #tpu.memory_space<vmem>>, vector<1x16xf32>,
        %get3A_270 = vector.shape_cast %get3A_269 : vector<1x16xf32> to vector<16xf32>
        %mul3A_271 = arith.mulf %get3A_270, %gather3A_208 : vector<16xf32>
        %swap3A_272 = arith.constant 0 : i32
        %swap3A_273 = arith.constant 0 : i32
        %swap3A_274 = tpu.memref_slice %arg11[%scan3A_101, %swap3A_272, %swap3A_273] : memref<2x128x80xf32, #tpu.memory_space<vmem>> -> memref<1x128x80xf32, #tpu.memory_space<vmem>>
        %swap3A_275 = tpu.memref_squeeze %swap3A_274 : memref<1x128x80xf32, #tpu.memory_space<vmem>> -> memref<128x80xf32, #tpu.memory_space<vmem>>
        %swap3A_276 = arith.index_cast %add3A_178 : i32 to index
        %swap3A_277 = arith.constant 48 : index
        %swap3A_278 = tpu.vector_load %swap3A_275[%swap3A_276, %swap3A_277] {strides = array<i32>} : memref<128x80xf32, #tpu.memory_space<vmem>>, vector<1x16xf32>,
        %swap3A_279 = vector.shape_cast %swap3A_278 : vector<1x16xf32> to vector<16xf32>
        %swap3A_280 = vector.shape_cast %mul3A_271 : vector<16xf32> to vector<1x16xf32>
        tpu.vector_store %swap3A_275[%swap3A_276, %swap3A_277], %swap3A_280 {strides = array<i32>} : memref<128x80xf32, #tpu.memory_space<vmem>>, vector<1x16xf32>,
      }
      %scan3A_107 = arith.constant 128 : i32
      %dma_start3A_108 = arith.constant 0 : i32
      %dma_start3A_109 = arith.constant 0 : i32
      %dma_start3A_110 = arith.constant 0 : i32
      %dma_start3A_111 = arith.constant 0 : i32
      %dma_start3A_112 = tpu.memref_slice %arg11[%dma_start3A_108, %dma_start3A_110, %dma_start3A_111] : memref<2x128x80xf32, #tpu.memory_space<vmem>> -> memref<1x128x80xf32, #tpu.memory_space<vmem>>
      %dma_start3A_113 = tpu.memref_squeeze %dma_start3A_112 : memref<1x128x80xf32, #tpu.memory_space<vmem>> -> memref<128x80xf32, #tpu.memory_space<vmem>>
      %dma_start3A_114 = arith.constant 0 : i32
      %dma_start3A_115 = tpu.memref_slice %arg9[%dma_start3A_109, %dma_start3A_114] : memref<2x128xi32, #tpu.memory_space<vmem>> -> memref<1x128xi32, #tpu.memory_space<vmem>>
      %dma_start3A_116 = tpu.memref_squeeze %dma_start3A_115 : memref<1x128xi32, #tpu.memory_space<vmem>> -> memref<128xi32, #tpu.memory_space<vmem>>
      %dma_start3A_117 = arith.constant 0 : i32
      %dma_start3A_118 = arith.constant 0 : i32
      %dma_start3A_119 = tpu.memref_slice %arg12[%dma_start3A_117, %dma_start3A_118] : memref<10112x80xf32, #tpu.memory_space<vmem_shared>> -> memref<10112x80xf32, #tpu.memory_space<vmem_shared>>
      tpu.enqueue_indirect_dma source(%dma_start3A_113 : memref<128x80xf32, #tpu.memory_space<vmem>>) target(%dma_start3A_119 : memref<10112x80xf32, #tpu.memory_space<vmem_shared>>) offsets(%dma_start3A_116 : memref<128xi32, #tpu.memory_space<vmem>>) semaphore(%arg15 : memref<!tpu.dma_semaphore, #tpu.memory_space<semaphore_mem>>) {add = true}
      %mul3A_120 = arith.constant 2 : i32
      %mul3A_121 = arith.muli %mul3A_120, %add3A_68 : i32
      %add3A_122 = arith.constant 1 : i32
      %add3A_123 = arith.addi %mul3A_121, %add3A_122 : i32
      %dma_wait3A_124 = arith.constant 1 : i32
      %dma_wait3A_125 = arith.constant 1 : i32
      %dma_wait3A_126 = arith.constant 0 : i32
      %dma_wait3A_127 = arith.constant 0 : i32
      %dma_wait3A_128 = tpu.memref_slice %arg11[%dma_wait3A_125, %dma_wait3A_126, %dma_wait3A_127] : memref<2x128x80xf32, #tpu.memory_space<vmem>> -> memref<1x128x80xf32, #tpu.memory_space<vmem>>
      %dma_wait3A_129 = tpu.memref_squeeze %dma_wait3A_128 : memref<1x128x80xf32, #tpu.memory_space<vmem>> -> memref<128x80xf32, #tpu.memory_space<vmem>>
      %dma_wait3A_130 = arith.constant 0 : i32
      %dma_wait3A_131 = tpu.memref_slice %arg8[%dma_wait3A_124, %dma_wait3A_130] : memref<2x128xi32, #tpu.memory_space<vmem>> -> memref<1x128xi32, #tpu.memory_space<vmem>>
      %dma_wait3A_132 = tpu.memref_squeeze %dma_wait3A_131 : memref<1x128xi32, #tpu.memory_space<vmem>> -> memref<128xi32, #tpu.memory_space<vmem>>
      %dma_wait3A_133 = arith.constant 0 : i32
      %dma_wait3A_134 = arith.constant 0 : i32
      %dma_wait3A_135 = tpu.memref_slice %arg3[%dma_wait3A_133, %dma_wait3A_134] : memref<10000x80xf32, #tpu.memory_space<hbm>> -> memref<10000x80xf32, #tpu.memory_space<hbm>>
      tpu.wait_indirect_dma semaphore(%arg14 : memref<!tpu.dma_semaphore, #tpu.memory_space<semaphore_mem>>) src(%dma_wait3A_135 : memref<10000x80xf32, #tpu.memory_space<hbm>>) dst(%dma_wait3A_129 : memref<128x80xf32, #tpu.memory_space<vmem>>)
      %dma_wait3A_136 = arith.constant 1 : i32
      %dma_wait3A_137 = arith.constant 1 : i32
      %dma_wait3A_138 = arith.constant 0 : i32
      %dma_wait3A_139 = arith.constant 0 : i32
      %dma_wait3A_140 = tpu.memref_slice %arg10[%dma_wait3A_137, %dma_wait3A_138, %dma_wait3A_139] : memref<2x128x16xf32, #tpu.memory_space<vmem>> -> memref<1x128x16xf32, #tpu.memory_space<vmem>>
      %dma_wait3A_141 = tpu.memref_squeeze %dma_wait3A_140 : memref<1x128x16xf32, #tpu.memory_space<vmem>> -> memref<128x16xf32, #tpu.memory_space<vmem>>
      %dma_wait3A_142 = arith.constant 0 : i32
      %dma_wait3A_143 = tpu.memref_slice %arg9[%dma_wait3A_136, %dma_wait3A_142] : memref<2x128xi32, #tpu.memory_space<vmem>> -> memref<1x128xi32, #tpu.memory_space<vmem>>
      %dma_wait3A_144 = tpu.memref_squeeze %dma_wait3A_143 : memref<1x128xi32, #tpu.memory_space<vmem>> -> memref<128xi32, #tpu.memory_space<vmem>>
      %dma_wait3A_145 = arith.constant 0 : i32
      %dma_wait3A_146 = arith.constant 0 : i32
      %dma_wait3A_147 = tpu.memref_slice %arg4[%dma_wait3A_145, %dma_wait3A_146] : memref<10112x16xf32, #tpu.memory_space<hbm>> -> memref<10112x16xf32, #tpu.memory_space<hbm>>
      tpu.wait_indirect_dma semaphore(%arg14 : memref<!tpu.dma_semaphore, #tpu.memory_space<semaphore_mem>>) src(%dma_wait3A_147 : memref<10112x16xf32, #tpu.memory_space<hbm>>) dst(%dma_wait3A_141 : memref<128x16xf32, #tpu.memory_space<vmem>>)
      %add3A_148 = arith.constant 1 : i32
      %add3A_149 = arith.addi %add3A_123, %add3A_148 : i32
      %lt3A_150 = arith.constant 80 : i32
      %lt3A_151 = arith.cmpi slt, %add3A_149, %lt3A_150 : i32
      %convert_element_type3A_152 = arith.extui %lt3A_151 : i1 to i32
      %cond3A_153 = arith.constant 0 : i32
      %cond3A_154 = arith.cmpi ne, %convert_element_type3A_152, %cond3A_153 : i32
      scf.if %cond3A_154 {
        %ge3A = arith.constant 1 : i32
        %ge3A_174 = arith.cmpi sge, %add3A_123, %ge3A : i32
        %convert_element_type3A_175 = arith.extui %ge3A_174 : i1 to i32
        %cond3A_176 = arith.constant 0 : i32
        %cond3A_177 = arith.cmpi ne, %convert_element_type3A_175, %cond3A_176 : i32
        scf.if %cond3A_177 {
          %dma_wait3A_209 = arith.constant 0 : i32
          %dma_wait3A_210 = arith.constant 0 : i32
          %dma_wait3A_211 = arith.constant 0 : i32
          %dma_wait3A_212 = arith.constant 0 : i32
          %dma_wait3A_213 = tpu.memref_slice %arg11[%dma_wait3A_209, %dma_wait3A_211, %dma_wait3A_212] : memref<2x128x80xf32, #tpu.memory_space<vmem>> -> memref<1x128x80xf32, #tpu.memory_space<vmem>>
          %dma_wait3A_214 = tpu.memref_squeeze %dma_wait3A_213 : memref<1x128x80xf32, #tpu.memory_space<vmem>> -> memref<128x80xf32, #tpu.memory_space<vmem>>
          %dma_wait3A_215 = arith.constant 0 : i32
          %dma_wait3A_216 = tpu.memref_slice %arg9[%dma_wait3A_210, %dma_wait3A_215] : memref<2x128xi32, #tpu.memory_space<vmem>> -> memref<1x128xi32, #tpu.memory_space<vmem>>
          %dma_wait3A_217 = tpu.memref_squeeze %dma_wait3A_216 : memref<1x128xi32, #tpu.memory_space<vmem>> -> memref<128xi32, #tpu.memory_space<vmem>>
          %dma_wait3A_218 = arith.constant 0 : i32
          %dma_wait3A_219 = arith.constant 0 : i32
          %dma_wait3A_220 = tpu.memref_slice %arg12[%dma_wait3A_218, %dma_wait3A_219] : memref<10112x80xf32, #tpu.memory_space<vmem_shared>> -> memref<10112x80xf32, #tpu.memory_space<vmem_shared>>
          tpu.wait_indirect_dma semaphore(%arg15 : memref<!tpu.dma_semaphore, #tpu.memory_space<semaphore_mem>>) src(%dma_wait3A_214 : memref<128x80xf32, #tpu.memory_space<vmem>>) dst(%dma_wait3A_220 : memref<10112x80xf32, #tpu.memory_space<vmem_shared>>)
        } else {
        }
        %add3A_178 = arith.constant 1 : i32
        %add3A_179 = arith.addi %add3A_123, %add3A_178 : i32
        %scan3A_180 = arith.constant 0 : i32
        %scan3A_181 = arith.constant 8 : i32
        %scan3A_182 = arith.addi %scan3A_180, %scan3A_181 : i32
        %scan3A_183 = arith.constant 1 : i32
        scf.for %scan3A_209 = %scan3A_180 to %scan3A_182 step %scan3A_183  : i32 {
          %mul3A_210 = arith.constant 1 : i32
          %mul3A_211 = arith.muli %scan3A_209, %mul3A_210 : i32
          %add3A_212 = arith.constant 0 : i32
          %add3A_213 = arith.addi %add3A_212, %mul3A_211 : i32
          %mul3A_214 = arith.constant 16 : i32
          %mul3A_215 = arith.muli %add3A_213, %mul3A_214 : i32
          %get3A = arith.index_cast %add3A_179 : i32 to index
          %get3A_216 = arith.index_cast %mul3A_215 : i32 to index
          %get3A_217 = tpu.vector_load %arg7[%get3A, %get3A_216] {strides = array<i32>} : memref<80x128xi32, #tpu.memory_space<vmem>>, vector<1x16xi32>,
          %get3A_218 = vector.shape_cast %get3A_217 : vector<1x16xi32> to vector<16xi32>
          %and3A = arith.constant 16383 : i32
          %and3A_219 = vector.broadcast %and3A : i32 to vector<16xi32>
          %and3A_220 = arith.andi %get3A_218, %and3A_219 : vector<16xi32>
          %mul3A_221 = arith.constant 16 : i32
          %mul3A_222 = arith.muli %add3A_213, %mul3A_221 : i32
          %swap3A = arith.constant 0 : i32
          %swap3A_223 = arith.index_cast %swap3A : i32 to index
          %swap3A_224 = arith.index_cast %mul3A_222 : i32 to index
          %swap3A_225 = tpu.vector_load %arg8[%swap3A_223, %swap3A_224] {strides = array<i32>} : memref<2x128xi32, #tpu.memory_space<vmem>>, vector<1x16xi32>,
          %swap3A_226 = vector.shape_cast %swap3A_225 : vector<1x16xi32> to vector<16xi32>
          %swap3A_227 = vector.shape_cast %and3A_220 : vector<16xi32> to vector<1x16xi32>
          tpu.vector_store %arg8[%swap3A_223, %swap3A_224], %swap3A_227 {strides = array<i32>} : memref<2x128xi32, #tpu.memory_space<vmem>>, vector<1x16xi32>,
          %shift_right_arithmetic3A = arith.constant 14 : i32
          %shift_right_arithmetic3A_228 = vector.broadcast %shift_right_arithmetic3A : i32 to vector<16xi32>
          %shift_right_arithmetic3A_229 = arith.shrsi %get3A_218, %shift_right_arithmetic3A_228 : vector<16xi32>
          %mul3A_230 = arith.constant 16 : i32
          %mul3A_231 = arith.muli %add3A_213, %mul3A_230 : i32
          %swap3A_232 = arith.constant 0 : i32
          %swap3A_233 = arith.index_cast %swap3A_232 : i32 to index
          %swap3A_234 = arith.index_cast %mul3A_231 : i32 to index
          %swap3A_235 = tpu.vector_load %arg9[%swap3A_233, %swap3A_234] {strides = array<i32>} : memref<2x128xi32, #tpu.memory_space<vmem>>, vector<1x16xi32>,
          %swap3A_236 = vector.shape_cast %swap3A_235 : vector<1x16xi32> to vector<16xi32>
          %swap3A_237 = vector.shape_cast %shift_right_arithmetic3A_229 : vector<16xi32> to vector<1x16xi32>
          tpu.vector_store %arg9[%swap3A_233, %swap3A_234], %swap3A_237 {strides = array<i32>} : memref<2x128xi32, #tpu.memory_space<vmem>>, vector<1x16xi32>,
        }
        %scan3A_184 = arith.constant 8 : i32
        %dma_start3A_185 = arith.constant 0 : i32
        %dma_start3A_186 = arith.constant 0 : i32
        %dma_start3A_187 = arith.constant 0 : i32
        %dma_start3A_188 = arith.constant 0 : i32
        %dma_start3A_189 = tpu.memref_slice %arg11[%dma_start3A_186, %dma_start3A_187, %dma_start3A_188] : memref<2x128x80xf32, #tpu.memory_space<vmem>> -> memref<1x128x80xf32, #tpu.memory_space<vmem>>
        %dma_start3A_190 = tpu.memref_squeeze %dma_start3A_189 : memref<1x128x80xf32, #tpu.memory_space<vmem>> -> memref<128x80xf32, #tpu.memory_space<vmem>>
        %dma_start3A_191 = arith.constant 0 : i32
        %dma_start3A_192 = tpu.memref_slice %arg8[%dma_start3A_185, %dma_start3A_191] : memref<2x128xi32, #tpu.memory_space<vmem>> -> memref<1x128xi32, #tpu.memory_space<vmem>>
        %dma_start3A_193 = tpu.memref_squeeze %dma_start3A_192 : memref<1x128xi32, #tpu.memory_space<vmem>> -> memref<128xi32, #tpu.memory_space<vmem>>
        %dma_start3A_194 = arith.constant 0 : i32
        %dma_start3A_195 = arith.constant 0 : i32
        %dma_start3A_196 = tpu.memref_slice %arg3[%dma_start3A_194, %dma_start3A_195] : memref<10000x80xf32, #tpu.memory_space<hbm>> -> memref<10000x80xf32, #tpu.memory_space<hbm>>
        tpu.enqueue_indirect_dma source(%dma_start3A_196 : memref<10000x80xf32, #tpu.memory_space<hbm>>) target(%dma_start3A_190 : memref<128x80xf32, #tpu.memory_space<vmem>>) offsets(%dma_start3A_193 : memref<128xi32, #tpu.memory_space<vmem>>) semaphore(%arg13 : memref<!tpu.dma_semaphore, #tpu.memory_space<semaphore_mem>>)
        %dma_start3A_197 = arith.constant 0 : i32
        %dma_start3A_198 = arith.constant 0 : i32
        %dma_start3A_199 = arith.constant 0 : i32
        %dma_start3A_200 = arith.constant 0 : i32
        %dma_start3A_201 = tpu.memref_slice %arg10[%dma_start3A_198, %dma_start3A_199, %dma_start3A_200] : memref<2x128x16xf32, #tpu.memory_space<vmem>> -> memref<1x128x16xf32, #tpu.memory_space<vmem>>
        %dma_start3A_202 = tpu.memref_squeeze %dma_start3A_201 : memref<1x128x16xf32, #tpu.memory_space<vmem>> -> memref<128x16xf32, #tpu.memory_space<vmem>>
        %dma_start3A_203 = arith.constant 0 : i32
        %dma_start3A_204 = tpu.memref_slice %arg9[%dma_start3A_197, %dma_start3A_203] : memref<2x128xi32, #tpu.memory_space<vmem>> -> memref<1x128xi32, #tpu.memory_space<vmem>>
        %dma_start3A_205 = tpu.memref_squeeze %dma_start3A_204 : memref<1x128xi32, #tpu.memory_space<vmem>> -> memref<128xi32, #tpu.memory_space<vmem>>
        %dma_start3A_206 = arith.constant 0 : i32
        %dma_start3A_207 = arith.constant 0 : i32
        %dma_start3A_208 = tpu.memref_slice %arg4[%dma_start3A_206, %dma_start3A_207] : memref<10112x16xf32, #tpu.memory_space<hbm>> -> memref<10112x16xf32, #tpu.memory_space<hbm>>
        tpu.enqueue_indirect_dma source(%dma_start3A_208 : memref<10112x16xf32, #tpu.memory_space<hbm>>) target(%dma_start3A_202 : memref<128x16xf32, #tpu.memory_space<vmem>>) offsets(%dma_start3A_205 : memref<128xi32, #tpu.memory_space<vmem>>) semaphore(%arg13 : memref<!tpu.dma_semaphore, #tpu.memory_space<semaphore_mem>>)
      } else {
      }
      %scan3A_155 = arith.constant 1 : i32
      %scan3A_156 = arith.constant 1 : i32
      %scan3A_157 = arith.constant 0 : i32
      %scan3A_158 = arith.constant 128 : i32
      %scan3A_159 = arith.addi %scan3A_157, %scan3A_158 : i32
      %scan3A_160 = arith.constant 1 : i32
      scf.for %scan3A_174 = %scan3A_157 to %scan3A_159 step %scan3A_160  : i32 {
        %mul3A_175 = arith.constant 1 : i32
        %mul3A_176 = arith.muli %scan3A_174, %mul3A_175 : i32
        %add3A_177 = arith.constant 0 : i32
        %add3A_178 = arith.addi %add3A_177, %mul3A_176 : i32
        %get3A = arith.constant 0 : i32
        %get3A_179 = arith.constant 0 : i32
        %get3A_180 = tpu.memref_slice %arg11[%scan3A_155, %get3A, %get3A_179] : memref<2x128x80xf32, #tpu.memory_space<vmem>> -> memref<1x128x80xf32, #tpu.memory_space<vmem>>
        %get3A_181 = tpu.memref_squeeze %get3A_180 : memref<1x128x80xf32, #tpu.memory_space<vmem>> -> memref<128x80xf32, #tpu.memory_space<vmem>>
        %get3A_182 = arith.index_cast %add3A_178 : i32 to index
        %get3A_183 = arith.constant 64 : index
        %get3A_184 = tpu.vector_load %get3A_181[%get3A_182, %get3A_183] {strides = array<i32>} : memref<128x80xf32, #tpu.memory_space<vmem>>, vector<1x16xf32>,
        %get3A_185 = vector.shape_cast %get3A_184 : vector<1x16xf32> to vector<16xf32>
        %get3A_186 = arith.constant 0 : i32
        %get3A_187 = arith.constant 0 : i32
        %get3A_188 = tpu.memref_slice %arg10[%scan3A_156, %get3A_186, %get3A_187] : memref<2x128x16xf32, #tpu.memory_space<vmem>> -> memref<1x128x16xf32, #tpu.memory_space<vmem>>
        %get3A_189 = tpu.memref_squeeze %get3A_188 : memref<1x128x16xf32, #tpu.memory_space<vmem>> -> memref<128x16xf32, #tpu.memory_space<vmem>>
        %get3A_190 = arith.index_cast %add3A_178 : i32 to index
        %get3A_191 = arith.constant 0 : index
        %get3A_192 = tpu.vector_load %get3A_189[%get3A_190, %get3A_191] {strides = array<i32>} : memref<128x16xf32, #tpu.memory_space<vmem>>, vector<1x16xf32>,
        %get3A_193 = vector.shape_cast %get3A_192 : vector<1x16xf32> to vector<16xf32>
        %add3A_194 = arith.addf %get3A_185, %get3A_193 : vector<16xf32>
        %mul3A_195 = arith.constant 2.000000e-01 : f32
        %mul3A_196 = vector.broadcast %mul3A_195 : f32 to vector<16xf32>
        %mul3A_197 = arith.mulf %mul3A_196, %add3A_194 : vector<16xf32>
        %max3A = arith.maximumf %add3A_194, %mul3A_197 : vector<16xf32>
        %exp3A = math.exp %max3A : vector<16xf32>
        %swap3A = arith.constant 0 : i32
        %swap3A_198 = arith.constant 0 : i32
        %swap3A_199 = tpu.memref_slice %arg11[%scan3A_155, %swap3A, %swap3A_198] : memref<2x128x80xf32, #tpu.memory_space<vmem>> -> memref<1x128x80xf32, #tpu.memory_space<vmem>>
        %swap3A_200 = tpu.memref_squeeze %swap3A_199 : memref<1x128x80xf32, #tpu.memory_space<vmem>> -> memref<128x80xf32, #tpu.memory_space<vmem>>
        %swap3A_201 = arith.index_cast %add3A_178 : i32 to index
        %swap3A_202 = arith.constant 64 : index
        %swap3A_203 = tpu.vector_load %swap3A_200[%swap3A_201, %swap3A_202] {strides = array<i32>} : memref<128x80xf32, #tpu.memory_space<vmem>>, vector<1x16xf32>,
        %swap3A_204 = vector.shape_cast %swap3A_203 : vector<1x16xf32> to vector<16xf32>
        %swap3A_205 = vector.shape_cast %exp3A : vector<16xf32> to vector<1x16xf32>
        tpu.vector_store %swap3A_200[%swap3A_201, %swap3A_202], %swap3A_205 {strides = array<i32>} : memref<128x80xf32, #tpu.memory_space<vmem>>, vector<1x16xf32>,
        %broadcast_in_dim3A = arith.constant 0 : i32
        %broadcast_in_dim3A_206 = vector.broadcast %broadcast_in_dim3A : i32 to vector<16xi32>
        %broadcast_in_dim3A_207 = vector.shape_cast %broadcast_in_dim3A_206 : vector<16xi32> to vector<16x1xi32>
        %gather3A = vector.shape_cast %broadcast_in_dim3A_207 : vector<16x1xi32> to vector<16xi32>
        %gather3A_208 = tpu.dynamic_gather %exp3A[%gather3A] in [0] : vector<16xf32>, vector<16xi32> -> vector<16xf32>
        %get3A_209 = arith.constant 0 : i32
        %get3A_210 = arith.constant 0 : i32
        %get3A_211 = tpu.memref_slice %arg11[%scan3A_155, %get3A_209, %get3A_210] : memref<2x128x80xf32, #tpu.memory_space<vmem>> -> memref<1x128x80xf32, #tpu.memory_space<vmem>>
        %get3A_212 = tpu.memref_squeeze %get3A_211 : memref<1x128x80xf32, #tpu.memory_space<vmem>> -> memref<128x80xf32, #tpu.memory_space<vmem>>
        %get3A_213 = arith.index_cast %add3A_178 : i32 to index
        %get3A_214 = arith.constant 0 : index
        %get3A_215 = tpu.vector_load %get3A_212[%get3A_213, %get3A_214] {strides = array<i32>} : memref<128x80xf32, #tpu.memory_space<vmem>>, vector<1x16xf32>,
        %get3A_216 = vector.shape_cast %get3A_215 : vector<1x16xf32> to vector<16xf32>
        %mul3A_217 = arith.mulf %get3A_216, %gather3A_208 : vector<16xf32>
        %swap3A_218 = arith.constant 0 : i32
        %swap3A_219 = arith.constant 0 : i32
        %swap3A_220 = tpu.memref_slice %arg11[%scan3A_155, %swap3A_218, %swap3A_219] : memref<2x128x80xf32, #tpu.memory_space<vmem>> -> memref<1x128x80xf32, #tpu.memory_space<vmem>>
        %swap3A_221 = tpu.memref_squeeze %swap3A_220 : memref<1x128x80xf32, #tpu.memory_space<vmem>> -> memref<128x80xf32, #tpu.memory_space<vmem>>
        %swap3A_222 = arith.index_cast %add3A_178 : i32 to index
        %swap3A_223 = arith.constant 0 : index
        %swap3A_224 = tpu.vector_load %swap3A_221[%swap3A_222, %swap3A_223] {strides = array<i32>} : memref<128x80xf32, #tpu.memory_space<vmem>>, vector<1x16xf32>,
        %swap3A_225 = vector.shape_cast %swap3A_224 : vector<1x16xf32> to vector<16xf32>
        %swap3A_226 = vector.shape_cast %mul3A_217 : vector<16xf32> to vector<1x16xf32>
        tpu.vector_store %swap3A_221[%swap3A_222, %swap3A_223], %swap3A_226 {strides = array<i32>} : memref<128x80xf32, #tpu.memory_space<vmem>>, vector<1x16xf32>,
        %get3A_227 = arith.constant 0 : i32
        %get3A_228 = arith.constant 0 : i32
        %get3A_229 = tpu.memref_slice %arg11[%scan3A_155, %get3A_227, %get3A_228] : memref<2x128x80xf32, #tpu.memory_space<vmem>> -> memref<1x128x80xf32, #tpu.memory_space<vmem>>
        %get3A_230 = tpu.memref_squeeze %get3A_229 : memref<1x128x80xf32, #tpu.memory_space<vmem>> -> memref<128x80xf32, #tpu.memory_space<vmem>>
        %get3A_231 = arith.index_cast %add3A_178 : i32 to index
        %get3A_232 = arith.constant 16 : index
        %get3A_233 = tpu.vector_load %get3A_230[%get3A_231, %get3A_232] {strides = array<i32>} : memref<128x80xf32, #tpu.memory_space<vmem>>, vector<1x16xf32>,
        %get3A_234 = vector.shape_cast %get3A_233 : vector<1x16xf32> to vector<16xf32>
        %mul3A_235 = arith.mulf %get3A_234, %gather3A_208 : vector<16xf32>
        %swap3A_236 = arith.constant 0 : i32
        %swap3A_237 = arith.constant 0 : i32
        %swap3A_238 = tpu.memref_slice %arg11[%scan3A_155, %swap3A_236, %swap3A_237] : memref<2x128x80xf32, #tpu.memory_space<vmem>> -> memref<1x128x80xf32, #tpu.memory_space<vmem>>
        %swap3A_239 = tpu.memref_squeeze %swap3A_238 : memref<1x128x80xf32, #tpu.memory_space<vmem>> -> memref<128x80xf32, #tpu.memory_space<vmem>>
        %swap3A_240 = arith.index_cast %add3A_178 : i32 to index
        %swap3A_241 = arith.constant 16 : index
        %swap3A_242 = tpu.vector_load %swap3A_239[%swap3A_240, %swap3A_241] {strides = array<i32>} : memref<128x80xf32, #tpu.memory_space<vmem>>, vector<1x16xf32>,
        %swap3A_243 = vector.shape_cast %swap3A_242 : vector<1x16xf32> to vector<16xf32>
        %swap3A_244 = vector.shape_cast %mul3A_235 : vector<16xf32> to vector<1x16xf32>
        tpu.vector_store %swap3A_239[%swap3A_240, %swap3A_241], %swap3A_244 {strides = array<i32>} : memref<128x80xf32, #tpu.memory_space<vmem>>, vector<1x16xf32>,
        %get3A_245 = arith.constant 0 : i32
        %get3A_246 = arith.constant 0 : i32
        %get3A_247 = tpu.memref_slice %arg11[%scan3A_155, %get3A_245, %get3A_246] : memref<2x128x80xf32, #tpu.memory_space<vmem>> -> memref<1x128x80xf32, #tpu.memory_space<vmem>>
        %get3A_248 = tpu.memref_squeeze %get3A_247 : memref<1x128x80xf32, #tpu.memory_space<vmem>> -> memref<128x80xf32, #tpu.memory_space<vmem>>
        %get3A_249 = arith.index_cast %add3A_178 : i32 to index
        %get3A_250 = arith.constant 32 : index
        %get3A_251 = tpu.vector_load %get3A_248[%get3A_249, %get3A_250] {strides = array<i32>} : memref<128x80xf32, #tpu.memory_space<vmem>>, vector<1x16xf32>,
        %get3A_252 = vector.shape_cast %get3A_251 : vector<1x16xf32> to vector<16xf32>
        %mul3A_253 = arith.mulf %get3A_252, %gather3A_208 : vector<16xf32>
        %swap3A_254 = arith.constant 0 : i32
        %swap3A_255 = arith.constant 0 : i32
        %swap3A_256 = tpu.memref_slice %arg11[%scan3A_155, %swap3A_254, %swap3A_255] : memref<2x128x80xf32, #tpu.memory_space<vmem>> -> memref<1x128x80xf32, #tpu.memory_space<vmem>>
        %swap3A_257 = tpu.memref_squeeze %swap3A_256 : memref<1x128x80xf32, #tpu.memory_space<vmem>> -> memref<128x80xf32, #tpu.memory_space<vmem>>
        %swap3A_258 = arith.index_cast %add3A_178 : i32 to index
        %swap3A_259 = arith.constant 32 : index
        %swap3A_260 = tpu.vector_load %swap3A_257[%swap3A_258, %swap3A_259] {strides = array<i32>} : memref<128x80xf32, #tpu.memory_space<vmem>>, vector<1x16xf32>,
        %swap3A_261 = vector.shape_cast %swap3A_260 : vector<1x16xf32> to vector<16xf32>
        %swap3A_262 = vector.shape_cast %mul3A_253 : vector<16xf32> to vector<1x16xf32>
        tpu.vector_store %swap3A_257[%swap3A_258, %swap3A_259], %swap3A_262 {strides = array<i32>} : memref<128x80xf32, #tpu.memory_space<vmem>>, vector<1x16xf32>,
        %get3A_263 = arith.constant 0 : i32
        %get3A_264 = arith.constant 0 : i32
        %get3A_265 = tpu.memref_slice %arg11[%scan3A_155, %get3A_263, %get3A_264] : memref<2x128x80xf32, #tpu.memory_space<vmem>> -> memref<1x128x80xf32, #tpu.memory_space<vmem>>
        %get3A_266 = tpu.memref_squeeze %get3A_265 : memref<1x128x80xf32, #tpu.memory_space<vmem>> -> memref<128x80xf32, #tpu.memory_space<vmem>>
        %get3A_267 = arith.index_cast %add3A_178 : i32 to index
        %get3A_268 = arith.constant 48 : index
        %get3A_269 = tpu.vector_load %get3A_266[%get3A_267, %get3A_268] {strides = array<i32>} : memref<128x80xf32, #tpu.memory_space<vmem>>, vector<1x16xf32>,
        %get3A_270 = vector.shape_cast %get3A_269 : vector<1x16xf32> to vector<16xf32>
        %mul3A_271 = arith.mulf %get3A_270, %gather3A_208 : vector<16xf32>
        %swap3A_272 = arith.constant 0 : i32
        %swap3A_273 = arith.constant 0 : i32
        %swap3A_274 = tpu.memref_slice %arg11[%scan3A_155, %swap3A_272, %swap3A_273] : memref<2x128x80xf32, #tpu.memory_space<vmem>> -> memref<1x128x80xf32, #tpu.memory_space<vmem>>
        %swap3A_275 = tpu.memref_squeeze %swap3A_274 : memref<1x128x80xf32, #tpu.memory_space<vmem>> -> memref<128x80xf32, #tpu.memory_space<vmem>>
        %swap3A_276 = arith.index_cast %add3A_178 : i32 to index
        %swap3A_277 = arith.constant 48 : index
        %swap3A_278 = tpu.vector_load %swap3A_275[%swap3A_276, %swap3A_277] {strides = array<i32>} : memref<128x80xf32, #tpu.memory_space<vmem>>, vector<1x16xf32>,
        %swap3A_279 = vector.shape_cast %swap3A_278 : vector<1x16xf32> to vector<16xf32>
        %swap3A_280 = vector.shape_cast %mul3A_271 : vector<16xf32> to vector<1x16xf32>
        tpu.vector_store %swap3A_275[%swap3A_276, %swap3A_277], %swap3A_280 {strides = array<i32>} : memref<128x80xf32, #tpu.memory_space<vmem>>, vector<1x16xf32>,
      }
      %scan3A_161 = arith.constant 128 : i32
      %dma_start3A_162 = arith.constant 1 : i32
      %dma_start3A_163 = arith.constant 1 : i32
      %dma_start3A_164 = arith.constant 0 : i32
      %dma_start3A_165 = arith.constant 0 : i32
      %dma_start3A_166 = tpu.memref_slice %arg11[%dma_start3A_162, %dma_start3A_164, %dma_start3A_165] : memref<2x128x80xf32, #tpu.memory_space<vmem>> -> memref<1x128x80xf32, #tpu.memory_space<vmem>>
      %dma_start3A_167 = tpu.memref_squeeze %dma_start3A_166 : memref<1x128x80xf32, #tpu.memory_space<vmem>> -> memref<128x80xf32, #tpu.memory_space<vmem>>
      %dma_start3A_168 = arith.constant 0 : i32
      %dma_start3A_169 = tpu.memref_slice %arg9[%dma_start3A_163, %dma_start3A_168] : memref<2x128xi32, #tpu.memory_space<vmem>> -> memref<1x128xi32, #tpu.memory_space<vmem>>
      %dma_start3A_170 = tpu.memref_squeeze %dma_start3A_169 : memref<1x128xi32, #tpu.memory_space<vmem>> -> memref<128xi32, #tpu.memory_space<vmem>>
      %dma_start3A_171 = arith.constant 0 : i32
      %dma_start3A_172 = arith.constant 0 : i32
      %dma_start3A_173 = tpu.memref_slice %arg12[%dma_start3A_171, %dma_start3A_172] : memref<10112x80xf32, #tpu.memory_space<vmem_shared>> -> memref<10112x80xf32, #tpu.memory_space<vmem_shared>>
      tpu.enqueue_indirect_dma source(%dma_start3A_167 : memref<128x80xf32, #tpu.memory_space<vmem>>) target(%dma_start3A_173 : memref<10112x80xf32, #tpu.memory_space<vmem_shared>>) offsets(%dma_start3A_170 : memref<128xi32, #tpu.memory_space<vmem>>) semaphore(%arg16 : memref<!tpu.dma_semaphore, #tpu.memory_space<semaphore_mem>>) {add = true}
    }
    %scan3A_36 = arith.constant 40 : i32
    %dma_wait3A = arith.constant 0 : i32
    %dma_wait3A_37 = arith.constant 0 : i32
    %dma_wait3A_38 = arith.constant 0 : i32
    %dma_wait3A_39 = arith.constant 0 : i32
    %dma_wait3A_40 = tpu.memref_slice %arg11[%dma_wait3A, %dma_wait3A_38, %dma_wait3A_39] : memref<2x128x80xf32, #tpu.memory_space<vmem>> -> memref<1x128x80xf32, #tpu.memory_space<vmem>>
    %dma_wait3A_41 = tpu.memref_squeeze %dma_wait3A_40 : memref<1x128x80xf32, #tpu.memory_space<vmem>> -> memref<128x80xf32, #tpu.memory_space<vmem>>
    %dma_wait3A_42 = arith.constant 0 : i32
    %dma_wait3A_43 = tpu.memref_slice %arg9[%dma_wait3A_37, %dma_wait3A_42] : memref<2x128xi32, #tpu.memory_space<vmem>> -> memref<1x128xi32, #tpu.memory_space<vmem>>
    %dma_wait3A_44 = tpu.memref_squeeze %dma_wait3A_43 : memref<1x128xi32, #tpu.memory_space<vmem>> -> memref<128xi32, #tpu.memory_space<vmem>>
    %dma_wait3A_45 = arith.constant 0 : i32
    %dma_wait3A_46 = arith.constant 0 : i32
    %dma_wait3A_47 = tpu.memref_slice %arg12[%dma_wait3A_45, %dma_wait3A_46] : memref<10112x80xf32, #tpu.memory_space<vmem_shared>> -> memref<10112x80xf32, #tpu.memory_space<vmem_shared>>
    tpu.wait_indirect_dma semaphore(%arg15 : memref<!tpu.dma_semaphore, #tpu.memory_space<semaphore_mem>>) src(%dma_wait3A_41 : memref<128x80xf32, #tpu.memory_space<vmem>>) dst(%dma_wait3A_47 : memref<10112x80xf32, #tpu.memory_space<vmem_shared>>)
    %dma_wait3A_48 = arith.constant 1 : i32
    %dma_wait3A_49 = arith.constant 1 : i32
    %dma_wait3A_50 = arith.constant 0 : i32
    %dma_wait3A_51 = arith.constant 0 : i32
    %dma_wait3A_52 = tpu.memref_slice %arg11[%dma_wait3A_48, %dma_wait3A_50, %dma_wait3A_51] : memref<2x128x80xf32, #tpu.memory_space<vmem>> -> memref<1x128x80xf32, #tpu.memory_space<vmem>>
    %dma_wait3A_53 = tpu.memref_squeeze %dma_wait3A_52 : memref<1x128x80xf32, #tpu.memory_space<vmem>> -> memref<128x80xf32, #tpu.memory_space<vmem>>
    %dma_wait3A_54 = arith.constant 0 : i32
    %dma_wait3A_55 = tpu.memref_slice %arg9[%dma_wait3A_49, %dma_wait3A_54] : memref<2x128xi32, #tpu.memory_space<vmem>> -> memref<1x128xi32, #tpu.memory_space<vmem>>
    %dma_wait3A_56 = tpu.memref_squeeze %dma_wait3A_55 : memref<1x128xi32, #tpu.memory_space<vmem>> -> memref<128xi32, #tpu.memory_space<vmem>>
    %dma_wait3A_57 = arith.constant 0 : i32
    %dma_wait3A_58 = arith.constant 0 : i32
    %dma_wait3A_59 = tpu.memref_slice %arg12[%dma_wait3A_57, %dma_wait3A_58] : memref<10112x80xf32, #tpu.memory_space<vmem_shared>> -> memref<10112x80xf32, #tpu.memory_space<vmem_shared>>
    tpu.wait_indirect_dma semaphore(%arg16 : memref<!tpu.dma_semaphore, #tpu.memory_space<semaphore_mem>>) src(%dma_wait3A_53 : memref<128x80xf32, #tpu.memory_space<vmem>>) dst(%dma_wait3A_59 : memref<10112x80xf32, #tpu.memory_space<vmem_shared>>)
    %barrier3A_60 = arith.constant 0 : index
    tpu.barrier barrier_id(%barrier3A_60)
    %mul3A_61 = arith.constant 10112 : i32
    %mul3A_62 = arith.muli %arg0, %mul3A_61 : i32
    %add3A_63 = arith.addi %mul3A_62, %mul3A_2 : i32
    "tpu.region"() ({
      %run_scoped3A = tpu.sem_alloc : memref<!tpu.dma_semaphore, #tpu.memory_space<semaphore_mem>>
      %dma_start3A_64 = arith.constant 0 : i32
      %dma_start3A_65 = tpu.memref_slice %arg6[%add3A_63, %dma_start3A_64] : memref<20224x80xf32, #tpu.memory_space<hbm>> -> memref<632x80xf32, #tpu.memory_space<hbm>>
      %dma_start3A_66 = arith.constant 0 : i32
      %dma_start3A_67 = tpu.memref_slice %arg12[%mul3A_2, %dma_start3A_66] : memref<10112x80xf32, #tpu.memory_space<vmem_shared>> -> memref<632x80xf32, #tpu.memory_space<vmem_shared>>
      tpu.enqueue_dma source(%dma_start3A_67 : memref<632x80xf32, #tpu.memory_space<vmem_shared>>) target(%dma_start3A_65 : memref<632x80xf32, #tpu.memory_space<hbm>>) target_semaphore(%run_scoped3A : memref<!tpu.dma_semaphore, #tpu.memory_space<semaphore_mem>>)
      %dma_wait3A_68 = arith.constant 0 : i32
      %dma_wait3A_69 = tpu.memref_slice %arg6[%add3A_63, %dma_wait3A_68] : memref<20224x80xf32, #tpu.memory_space<hbm>> -> memref<632x80xf32, #tpu.memory_space<hbm>>
      %dma_wait3A_70 = arith.constant 0 : i32
      %dma_wait3A_71 = tpu.memref_slice %arg12[%mul3A_2, %dma_wait3A_70] : memref<10112x80xf32, #tpu.memory_space<vmem_shared>> -> memref<632x80xf32, #tpu.memory_space<vmem_shared>>
      tpu.wait_dma2 semaphore(%run_scoped3A : memref<!tpu.dma_semaphore, #tpu.memory_space<semaphore_mem>>) src(%dma_wait3A_71 : memref<632x80xf32, #tpu.memory_space<vmem_shared>>) dst(%dma_wait3A_69 : memref<632x80xf32, #tpu.memory_space<hbm>>)
      tpu.yield
    }) : () -> ()
    return
  }
}

#map = affine_map<(d0, d1) -> (0, 0)>
module attributes {stable_mosaic.version = 14 : i64} {
  func.func @sc_kernel(%arg0: i32, %arg1: i32, %arg2: memref<4096x80xi32, #tpu.memory_space<hbm>>, %arg3: memref<10000x144xf32, #tpu.memory_space<hbm>>, %arg4: memref<10112x16xf32, #tpu.memory_space<hbm>>, %arg5: memref<10112x144xf32, #tpu.memory_space<hbm>>, %arg6: memref<20224x144xf32, #tpu.memory_space<hbm>>, %arg7: memref<128x80xi32, #tpu.memory_space<vmem>>, %arg8: memref<2x80xi32, #tpu.memory_space<vmem>>, %arg9: memref<2x80xi32, #tpu.memory_space<vmem>>, %arg10: memref<2x80x16xf32, #tpu.memory_space<vmem>>, %arg11: memref<2x80x144xf32, #tpu.memory_space<vmem>>, %arg12: memref<10112x144xf32, #tpu.memory_space<vmem_shared>>, %arg13: memref<!tpu.dma_semaphore, #tpu.memory_space<semaphore_mem>>, %arg14: memref<!tpu.dma_semaphore, #tpu.memory_space<semaphore_mem>>, %arg15: memref<!tpu.dma_semaphore, #tpu.memory_space<semaphore_mem>>, %arg16: memref<!tpu.dma_semaphore, #tpu.memory_space<semaphore_mem>>) attributes {dimension_semantics = [#tpu.dimension_semantics<core_parallel>, #tpu.dimension_semantics<subcore_parallel>], iteration_bounds = array<i64: 2, 16>, scalar_prefetch = 0 : i64, scratch_operands = 10 : i64, tpu.core_type = #tpu.core_type<sc_vector_subcore>, window_params = [{transform_indices = #map}, {transform_indices = #map}, {transform_indices = #map}, {transform_indices = #map}, {transform_indices = #map}]} {
    %mul3A = arith.constant 16 : i32
    %mul3A_0 = arith.muli %arg0, %mul3A : i32
    %add3A = arith.addi %mul3A_0, %arg1 : i32
    %mul3A_1 = arith.constant 632 : i32
    %mul3A_2 = arith.muli %arg1, %mul3A_1 : i32
    "tpu.region"() ({
      %run_scoped3A = tpu.sem_alloc : memref<!tpu.dma_semaphore, #tpu.memory_space<semaphore_mem>>
      %dma_start3A_64 = arith.constant 0 : i32
      %dma_start3A_65 = tpu.memref_slice %arg12[%mul3A_2, %dma_start3A_64] : memref<10112x144xf32, #tpu.memory_space<vmem_shared>> -> memref<632x144xf32, #tpu.memory_space<vmem_shared>>
      %dma_start3A_66 = arith.constant 0 : i32
      %dma_start3A_67 = tpu.memref_slice %arg5[%mul3A_2, %dma_start3A_66] : memref<10112x144xf32, #tpu.memory_space<hbm>> -> memref<632x144xf32, #tpu.memory_space<hbm>>
      tpu.enqueue_dma source(%dma_start3A_67 : memref<632x144xf32, #tpu.memory_space<hbm>>) target(%dma_start3A_65 : memref<632x144xf32, #tpu.memory_space<vmem_shared>>) target_semaphore(%run_scoped3A : memref<!tpu.dma_semaphore, #tpu.memory_space<semaphore_mem>>)
      %dma_wait3A_68 = arith.constant 0 : i32
      %dma_wait3A_69 = tpu.memref_slice %arg12[%mul3A_2, %dma_wait3A_68] : memref<10112x144xf32, #tpu.memory_space<vmem_shared>> -> memref<632x144xf32, #tpu.memory_space<vmem_shared>>
      %dma_wait3A_70 = arith.constant 0 : i32
      %dma_wait3A_71 = tpu.memref_slice %arg5[%mul3A_2, %dma_wait3A_70] : memref<10112x144xf32, #tpu.memory_space<hbm>> -> memref<632x144xf32, #tpu.memory_space<hbm>>
      tpu.wait_dma2 semaphore(%run_scoped3A : memref<!tpu.dma_semaphore, #tpu.memory_space<semaphore_mem>>) src(%dma_wait3A_71 : memref<632x144xf32, #tpu.memory_space<hbm>>) dst(%dma_wait3A_69 : memref<632x144xf32, #tpu.memory_space<vmem_shared>>)
      tpu.yield
    }) : () -> ()
    %barrier3A = arith.constant 0 : index
    tpu.barrier barrier_id(%barrier3A)
    %mul3A_3 = arith.constant 128 : i32
    %mul3A_4 = arith.muli %add3A, %mul3A_3 : i32
    "tpu.region"() ({
      %run_scoped3A = tpu.sem_alloc : memref<!tpu.dma_semaphore, #tpu.memory_space<semaphore_mem>>
      %dma_start3A_64 = arith.constant 0 : i32
      %dma_start3A_65 = tpu.memref_slice %arg2[%mul3A_4, %dma_start3A_64] : memref<4096x80xi32, #tpu.memory_space<hbm>> -> memref<128x80xi32, #tpu.memory_space<hbm>>
      %dma_start3A_66 = arith.constant 0 : i32
      %dma_start3A_67 = tpu.memref_slice %arg2[%mul3A_4, %dma_start3A_66] : memref<4096x80xi32, #tpu.memory_space<hbm>> -> memref<128x80xi32, #tpu.memory_space<hbm>>
      tpu.enqueue_dma source(%dma_start3A_67 : memref<128x80xi32, #tpu.memory_space<hbm>>) target(%arg7 : memref<128x80xi32, #tpu.memory_space<vmem>>) target_semaphore(%run_scoped3A : memref<!tpu.dma_semaphore, #tpu.memory_space<semaphore_mem>>)
      %dma_wait3A_68 = arith.constant 0 : i32
      %dma_wait3A_69 = tpu.memref_slice %arg2[%mul3A_4, %dma_wait3A_68] : memref<4096x80xi32, #tpu.memory_space<hbm>> -> memref<128x80xi32, #tpu.memory_space<hbm>>
      %dma_wait3A_70 = arith.constant 0 : i32
      %dma_wait3A_71 = tpu.memref_slice %arg2[%mul3A_4, %dma_wait3A_70] : memref<4096x80xi32, #tpu.memory_space<hbm>> -> memref<128x80xi32, #tpu.memory_space<hbm>>
      tpu.wait_dma2 semaphore(%run_scoped3A : memref<!tpu.dma_semaphore, #tpu.memory_space<semaphore_mem>>) src(%dma_wait3A_71 : memref<128x80xi32, #tpu.memory_space<hbm>>) dst(%arg7 : memref<128x80xi32, #tpu.memory_space<vmem>>)
      tpu.yield
    }) : () -> ()
    %scan3A = arith.constant 0 : i32
    %scan3A_5 = arith.constant 5 : i32
    %scan3A_6 = arith.addi %scan3A, %scan3A_5 : i32
    %scan3A_7 = arith.constant 1 : i32
    scf.for %scan3A_64 = %scan3A to %scan3A_6 step %scan3A_7  : i32 {
      %mul3A_65 = arith.constant 1 : i32
      %mul3A_66 = arith.muli %scan3A_64, %mul3A_65 : i32
      %add3A_67 = arith.constant 0 : i32
      %add3A_68 = arith.addi %add3A_67, %mul3A_66 : i32
      %mul3A_69 = arith.constant 16 : i32
      %mul3A_70 = arith.muli %add3A_68, %mul3A_69 : i32
      %get3A = arith.constant 0 : i32
      %get3A_71 = arith.index_cast %get3A : i32 to index
      %get3A_72 = arith.index_cast %mul3A_70 : i32 to index
      %get3A_73 = tpu.vector_load %arg7[%get3A_71, %get3A_72] {strides = array<i32>} : memref<128x80xi32, #tpu.memory_space<vmem>>, vector<1x16xi32>,
      %get3A_74 = vector.shape_cast %get3A_73 : vector<1x16xi32> to vector<16xi32>
      %and3A = arith.constant 16383 : i32
      %and3A_75 = vector.broadcast %and3A : i32 to vector<16xi32>
      %and3A_76 = arith.andi %get3A_74, %and3A_75 : vector<16xi32>
      %mul3A_77 = arith.constant 16 : i32
      %mul3A_78 = arith.muli %add3A_68, %mul3A_77 : i32
      %swap3A = arith.constant 0 : i32
      %swap3A_79 = arith.index_cast %swap3A : i32 to index
      %swap3A_80 = arith.index_cast %mul3A_78 : i32 to index
      %swap3A_81 = tpu.vector_load %arg8[%swap3A_79, %swap3A_80] {strides = array<i32>} : memref<2x80xi32, #tpu.memory_space<vmem>>, vector<1x16xi32>,
      %swap3A_82 = vector.shape_cast %swap3A_81 : vector<1x16xi32> to vector<16xi32>
      %swap3A_83 = vector.shape_cast %and3A_76 : vector<16xi32> to vector<1x16xi32>
      tpu.vector_store %arg8[%swap3A_79, %swap3A_80], %swap3A_83 {strides = array<i32>} : memref<2x80xi32, #tpu.memory_space<vmem>>, vector<1x16xi32>,
      %shift_right_arithmetic3A = arith.constant 14 : i32
      %shift_right_arithmetic3A_84 = vector.broadcast %shift_right_arithmetic3A : i32 to vector<16xi32>
      %shift_right_arithmetic3A_85 = arith.shrsi %get3A_74, %shift_right_arithmetic3A_84 : vector<16xi32>
      %mul3A_86 = arith.constant 16 : i32
      %mul3A_87 = arith.muli %add3A_68, %mul3A_86 : i32
      %swap3A_88 = arith.constant 0 : i32
      %swap3A_89 = arith.index_cast %swap3A_88 : i32 to index
      %swap3A_90 = arith.index_cast %mul3A_87 : i32 to index
      %swap3A_91 = tpu.vector_load %arg9[%swap3A_89, %swap3A_90] {strides = array<i32>} : memref<2x80xi32, #tpu.memory_space<vmem>>, vector<1x16xi32>,
      %swap3A_92 = vector.shape_cast %swap3A_91 : vector<1x16xi32> to vector<16xi32>
      %swap3A_93 = vector.shape_cast %shift_right_arithmetic3A_85 : vector<16xi32> to vector<1x16xi32>
      tpu.vector_store %arg9[%swap3A_89, %swap3A_90], %swap3A_93 {strides = array<i32>} : memref<2x80xi32, #tpu.memory_space<vmem>>, vector<1x16xi32>,
    }
    %scan3A_8 = arith.constant 5 : i32
    %dma_start3A = arith.constant 0 : i32
    %dma_start3A_9 = arith.constant 0 : i32
    %dma_start3A_10 = arith.constant 0 : i32
    %dma_start3A_11 = arith.constant 0 : i32
    %dma_start3A_12 = tpu.memref_slice %arg11[%dma_start3A_9, %dma_start3A_10, %dma_start3A_11] : memref<2x80x144xf32, #tpu.memory_space<vmem>> -> memref<1x80x144xf32, #tpu.memory_space<vmem>>
    %dma_start3A_13 = tpu.memref_squeeze %dma_start3A_12 : memref<1x80x144xf32, #tpu.memory_space<vmem>> -> memref<80x144xf32, #tpu.memory_space<vmem>>
    %dma_start3A_14 = arith.constant 0 : i32
    %dma_start3A_15 = tpu.memref_slice %arg8[%dma_start3A, %dma_start3A_14] : memref<2x80xi32, #tpu.memory_space<vmem>> -> memref<1x80xi32, #tpu.memory_space<vmem>>
    %dma_start3A_16 = tpu.memref_squeeze %dma_start3A_15 : memref<1x80xi32, #tpu.memory_space<vmem>> -> memref<80xi32, #tpu.memory_space<vmem>>
    %dma_start3A_17 = arith.constant 0 : i32
    %dma_start3A_18 = arith.constant 0 : i32
    %dma_start3A_19 = tpu.memref_slice %arg3[%dma_start3A_17, %dma_start3A_18] : memref<10000x144xf32, #tpu.memory_space<hbm>> -> memref<10000x144xf32, #tpu.memory_space<hbm>>
    tpu.enqueue_indirect_dma source(%dma_start3A_19 : memref<10000x144xf32, #tpu.memory_space<hbm>>) target(%dma_start3A_13 : memref<80x144xf32, #tpu.memory_space<vmem>>) offsets(%dma_start3A_16 : memref<80xi32, #tpu.memory_space<vmem>>) semaphore(%arg13 : memref<!tpu.dma_semaphore, #tpu.memory_space<semaphore_mem>>)
    %dma_start3A_20 = arith.constant 0 : i32
    %dma_start3A_21 = arith.constant 0 : i32
    %dma_start3A_22 = arith.constant 0 : i32
    %dma_start3A_23 = arith.constant 0 : i32
    %dma_start3A_24 = tpu.memref_slice %arg10[%dma_start3A_21, %dma_start3A_22, %dma_start3A_23] : memref<2x80x16xf32, #tpu.memory_space<vmem>> -> memref<1x80x16xf32, #tpu.memory_space<vmem>>
    %dma_start3A_25 = tpu.memref_squeeze %dma_start3A_24 : memref<1x80x16xf32, #tpu.memory_space<vmem>> -> memref<80x16xf32, #tpu.memory_space<vmem>>
    %dma_start3A_26 = arith.constant 0 : i32
    %dma_start3A_27 = tpu.memref_slice %arg9[%dma_start3A_20, %dma_start3A_26] : memref<2x80xi32, #tpu.memory_space<vmem>> -> memref<1x80xi32, #tpu.memory_space<vmem>>
    %dma_start3A_28 = tpu.memref_squeeze %dma_start3A_27 : memref<1x80xi32, #tpu.memory_space<vmem>> -> memref<80xi32, #tpu.memory_space<vmem>>
    %dma_start3A_29 = arith.constant 0 : i32
    %dma_start3A_30 = arith.constant 0 : i32
    %dma_start3A_31 = tpu.memref_slice %arg4[%dma_start3A_29, %dma_start3A_30] : memref<10112x16xf32, #tpu.memory_space<hbm>> -> memref<10112x16xf32, #tpu.memory_space<hbm>>
    tpu.enqueue_indirect_dma source(%dma_start3A_31 : memref<10112x16xf32, #tpu.memory_space<hbm>>) target(%dma_start3A_25 : memref<80x16xf32, #tpu.memory_space<vmem>>) offsets(%dma_start3A_28 : memref<80xi32, #tpu.memory_space<vmem>>) semaphore(%arg13 : memref<!tpu.dma_semaphore, #tpu.memory_space<semaphore_mem>>)
    %scan3A_32 = arith.constant 0 : i32
    %scan3A_33 = arith.constant 64 : i32
    %scan3A_34 = arith.addi %scan3A_32, %scan3A_33 : i32
    %scan3A_35 = arith.constant 1 : i32
    scf.for %scan3A_64 = %scan3A_32 to %scan3A_34 step %scan3A_35  : i32 {
      %mul3A_65 = arith.constant 1 : i32
      %mul3A_66 = arith.muli %scan3A_64, %mul3A_65 : i32
      %add3A_67 = arith.constant 0 : i32
      %add3A_68 = arith.addi %add3A_67, %mul3A_66 : i32
      %mul3A_69 = arith.constant 2 : i32
      %mul3A_70 = arith.muli %mul3A_69, %add3A_68 : i32
      %add3A_71 = arith.constant 0 : i32
      %add3A_72 = arith.addi %mul3A_70, %add3A_71 : i32
      %dma_wait3A_73 = arith.constant 0 : i32
      %dma_wait3A_74 = arith.constant 0 : i32
      %dma_wait3A_75 = arith.constant 0 : i32
      %dma_wait3A_76 = arith.constant 0 : i32
      %dma_wait3A_77 = tpu.memref_slice %arg11[%dma_wait3A_74, %dma_wait3A_75, %dma_wait3A_76] : memref<2x80x144xf32, #tpu.memory_space<vmem>> -> memref<1x80x144xf32, #tpu.memory_space<vmem>>
      %dma_wait3A_78 = tpu.memref_squeeze %dma_wait3A_77 : memref<1x80x144xf32, #tpu.memory_space<vmem>> -> memref<80x144xf32, #tpu.memory_space<vmem>>
      %dma_wait3A_79 = arith.constant 0 : i32
      %dma_wait3A_80 = tpu.memref_slice %arg8[%dma_wait3A_73, %dma_wait3A_79] : memref<2x80xi32, #tpu.memory_space<vmem>> -> memref<1x80xi32, #tpu.memory_space<vmem>>
      %dma_wait3A_81 = tpu.memref_squeeze %dma_wait3A_80 : memref<1x80xi32, #tpu.memory_space<vmem>> -> memref<80xi32, #tpu.memory_space<vmem>>
      %dma_wait3A_82 = arith.constant 0 : i32
      %dma_wait3A_83 = arith.constant 0 : i32
      %dma_wait3A_84 = tpu.memref_slice %arg3[%dma_wait3A_82, %dma_wait3A_83] : memref<10000x144xf32, #tpu.memory_space<hbm>> -> memref<10000x144xf32, #tpu.memory_space<hbm>>
      tpu.wait_indirect_dma semaphore(%arg13 : memref<!tpu.dma_semaphore, #tpu.memory_space<semaphore_mem>>) src(%dma_wait3A_84 : memref<10000x144xf32, #tpu.memory_space<hbm>>) dst(%dma_wait3A_78 : memref<80x144xf32, #tpu.memory_space<vmem>>)
      %dma_wait3A_85 = arith.constant 0 : i32
      %dma_wait3A_86 = arith.constant 0 : i32
      %dma_wait3A_87 = arith.constant 0 : i32
      %dma_wait3A_88 = arith.constant 0 : i32
      %dma_wait3A_89 = tpu.memref_slice %arg10[%dma_wait3A_86, %dma_wait3A_87, %dma_wait3A_88] : memref<2x80x16xf32, #tpu.memory_space<vmem>> -> memref<1x80x16xf32, #tpu.memory_space<vmem>>
      %dma_wait3A_90 = tpu.memref_squeeze %dma_wait3A_89 : memref<1x80x16xf32, #tpu.memory_space<vmem>> -> memref<80x16xf32, #tpu.memory_space<vmem>>
      %dma_wait3A_91 = arith.constant 0 : i32
      %dma_wait3A_92 = tpu.memref_slice %arg9[%dma_wait3A_85, %dma_wait3A_91] : memref<2x80xi32, #tpu.memory_space<vmem>> -> memref<1x80xi32, #tpu.memory_space<vmem>>
      %dma_wait3A_93 = tpu.memref_squeeze %dma_wait3A_92 : memref<1x80xi32, #tpu.memory_space<vmem>> -> memref<80xi32, #tpu.memory_space<vmem>>
      %dma_wait3A_94 = arith.constant 0 : i32
      %dma_wait3A_95 = arith.constant 0 : i32
      %dma_wait3A_96 = tpu.memref_slice %arg4[%dma_wait3A_94, %dma_wait3A_95] : memref<10112x16xf32, #tpu.memory_space<hbm>> -> memref<10112x16xf32, #tpu.memory_space<hbm>>
      tpu.wait_indirect_dma semaphore(%arg13 : memref<!tpu.dma_semaphore, #tpu.memory_space<semaphore_mem>>) src(%dma_wait3A_96 : memref<10112x16xf32, #tpu.memory_space<hbm>>) dst(%dma_wait3A_90 : memref<80x16xf32, #tpu.memory_space<vmem>>)
      %add3A_97 = arith.constant 1 : i32
      %add3A_98 = arith.addi %add3A_72, %add3A_97 : i32
      %lt3A = arith.constant 128 : i32
      %lt3A_99 = arith.cmpi slt, %add3A_98, %lt3A : i32
      %convert_element_type3A = arith.extui %lt3A_99 : i1 to i32
      %cond3A = arith.constant 0 : i32
      %cond3A_100 = arith.cmpi ne, %convert_element_type3A, %cond3A : i32
      scf.if %cond3A_100 {
        %ge3A = arith.constant 1 : i32
        %ge3A_174 = arith.cmpi sge, %add3A_72, %ge3A : i32
        %convert_element_type3A_175 = arith.extui %ge3A_174 : i1 to i32
        %cond3A_176 = arith.constant 0 : i32
        %cond3A_177 = arith.cmpi ne, %convert_element_type3A_175, %cond3A_176 : i32
        scf.if %cond3A_177 {
          %dma_wait3A_209 = arith.constant 1 : i32
          %dma_wait3A_210 = arith.constant 1 : i32
          %dma_wait3A_211 = arith.constant 0 : i32
          %dma_wait3A_212 = arith.constant 0 : i32
          %dma_wait3A_213 = tpu.memref_slice %arg11[%dma_wait3A_209, %dma_wait3A_211, %dma_wait3A_212] : memref<2x80x144xf32, #tpu.memory_space<vmem>> -> memref<1x80x144xf32, #tpu.memory_space<vmem>>
          %dma_wait3A_214 = tpu.memref_squeeze %dma_wait3A_213 : memref<1x80x144xf32, #tpu.memory_space<vmem>> -> memref<80x144xf32, #tpu.memory_space<vmem>>
          %dma_wait3A_215 = arith.constant 0 : i32
          %dma_wait3A_216 = tpu.memref_slice %arg9[%dma_wait3A_210, %dma_wait3A_215] : memref<2x80xi32, #tpu.memory_space<vmem>> -> memref<1x80xi32, #tpu.memory_space<vmem>>
          %dma_wait3A_217 = tpu.memref_squeeze %dma_wait3A_216 : memref<1x80xi32, #tpu.memory_space<vmem>> -> memref<80xi32, #tpu.memory_space<vmem>>
          %dma_wait3A_218 = arith.constant 0 : i32
          %dma_wait3A_219 = arith.constant 0 : i32
          %dma_wait3A_220 = tpu.memref_slice %arg12[%dma_wait3A_218, %dma_wait3A_219] : memref<10112x144xf32, #tpu.memory_space<vmem_shared>> -> memref<10112x144xf32, #tpu.memory_space<vmem_shared>>
          tpu.wait_indirect_dma semaphore(%arg16 : memref<!tpu.dma_semaphore, #tpu.memory_space<semaphore_mem>>) src(%dma_wait3A_214 : memref<80x144xf32, #tpu.memory_space<vmem>>) dst(%dma_wait3A_220 : memref<10112x144xf32, #tpu.memory_space<vmem_shared>>)
        } else {
        }
        %add3A_178 = arith.constant 1 : i32
        %add3A_179 = arith.addi %add3A_72, %add3A_178 : i32
        %scan3A_180 = arith.constant 0 : i32
        %scan3A_181 = arith.constant 5 : i32
        %scan3A_182 = arith.addi %scan3A_180, %scan3A_181 : i32
        %scan3A_183 = arith.constant 1 : i32
        scf.for %scan3A_209 = %scan3A_180 to %scan3A_182 step %scan3A_183  : i32 {
          %mul3A_210 = arith.constant 1 : i32
          %mul3A_211 = arith.muli %scan3A_209, %mul3A_210 : i32
          %add3A_212 = arith.constant 0 : i32
          %add3A_213 = arith.addi %add3A_212, %mul3A_211 : i32
          %mul3A_214 = arith.constant 16 : i32
          %mul3A_215 = arith.muli %add3A_213, %mul3A_214 : i32
          %get3A = arith.index_cast %add3A_179 : i32 to index
          %get3A_216 = arith.index_cast %mul3A_215 : i32 to index
          %get3A_217 = tpu.vector_load %arg7[%get3A, %get3A_216] {strides = array<i32>} : memref<128x80xi32, #tpu.memory_space<vmem>>, vector<1x16xi32>,
          %get3A_218 = vector.shape_cast %get3A_217 : vector<1x16xi32> to vector<16xi32>
          %and3A = arith.constant 16383 : i32
          %and3A_219 = vector.broadcast %and3A : i32 to vector<16xi32>
          %and3A_220 = arith.andi %get3A_218, %and3A_219 : vector<16xi32>
          %mul3A_221 = arith.constant 16 : i32
          %mul3A_222 = arith.muli %add3A_213, %mul3A_221 : i32
          %swap3A = arith.constant 1 : i32
          %swap3A_223 = arith.index_cast %swap3A : i32 to index
          %swap3A_224 = arith.index_cast %mul3A_222 : i32 to index
          %swap3A_225 = tpu.vector_load %arg8[%swap3A_223, %swap3A_224] {strides = array<i32>} : memref<2x80xi32, #tpu.memory_space<vmem>>, vector<1x16xi32>,
          %swap3A_226 = vector.shape_cast %swap3A_225 : vector<1x16xi32> to vector<16xi32>
          %swap3A_227 = vector.shape_cast %and3A_220 : vector<16xi32> to vector<1x16xi32>
          tpu.vector_store %arg8[%swap3A_223, %swap3A_224], %swap3A_227 {strides = array<i32>} : memref<2x80xi32, #tpu.memory_space<vmem>>, vector<1x16xi32>,
          %shift_right_arithmetic3A = arith.constant 14 : i32
          %shift_right_arithmetic3A_228 = vector.broadcast %shift_right_arithmetic3A : i32 to vector<16xi32>
          %shift_right_arithmetic3A_229 = arith.shrsi %get3A_218, %shift_right_arithmetic3A_228 : vector<16xi32>
          %mul3A_230 = arith.constant 16 : i32
          %mul3A_231 = arith.muli %add3A_213, %mul3A_230 : i32
          %swap3A_232 = arith.constant 1 : i32
          %swap3A_233 = arith.index_cast %swap3A_232 : i32 to index
          %swap3A_234 = arith.index_cast %mul3A_231 : i32 to index
          %swap3A_235 = tpu.vector_load %arg9[%swap3A_233, %swap3A_234] {strides = array<i32>} : memref<2x80xi32, #tpu.memory_space<vmem>>, vector<1x16xi32>,
          %swap3A_236 = vector.shape_cast %swap3A_235 : vector<1x16xi32> to vector<16xi32>
          %swap3A_237 = vector.shape_cast %shift_right_arithmetic3A_229 : vector<16xi32> to vector<1x16xi32>
          tpu.vector_store %arg9[%swap3A_233, %swap3A_234], %swap3A_237 {strides = array<i32>} : memref<2x80xi32, #tpu.memory_space<vmem>>, vector<1x16xi32>,
        }
        %scan3A_184 = arith.constant 5 : i32
        %dma_start3A_185 = arith.constant 1 : i32
        %dma_start3A_186 = arith.constant 1 : i32
        %dma_start3A_187 = arith.constant 0 : i32
        %dma_start3A_188 = arith.constant 0 : i32
        %dma_start3A_189 = tpu.memref_slice %arg11[%dma_start3A_186, %dma_start3A_187, %dma_start3A_188] : memref<2x80x144xf32, #tpu.memory_space<vmem>> -> memref<1x80x144xf32, #tpu.memory_space<vmem>>
        %dma_start3A_190 = tpu.memref_squeeze %dma_start3A_189 : memref<1x80x144xf32, #tpu.memory_space<vmem>> -> memref<80x144xf32, #tpu.memory_space<vmem>>
        %dma_start3A_191 = arith.constant 0 : i32
        %dma_start3A_192 = tpu.memref_slice %arg8[%dma_start3A_185, %dma_start3A_191] : memref<2x80xi32, #tpu.memory_space<vmem>> -> memref<1x80xi32, #tpu.memory_space<vmem>>
        %dma_start3A_193 = tpu.memref_squeeze %dma_start3A_192 : memref<1x80xi32, #tpu.memory_space<vmem>> -> memref<80xi32, #tpu.memory_space<vmem>>
        %dma_start3A_194 = arith.constant 0 : i32
        %dma_start3A_195 = arith.constant 0 : i32
        %dma_start3A_196 = tpu.memref_slice %arg3[%dma_start3A_194, %dma_start3A_195] : memref<10000x144xf32, #tpu.memory_space<hbm>> -> memref<10000x144xf32, #tpu.memory_space<hbm>>
        tpu.enqueue_indirect_dma source(%dma_start3A_196 : memref<10000x144xf32, #tpu.memory_space<hbm>>) target(%dma_start3A_190 : memref<80x144xf32, #tpu.memory_space<vmem>>) offsets(%dma_start3A_193 : memref<80xi32, #tpu.memory_space<vmem>>) semaphore(%arg14 : memref<!tpu.dma_semaphore, #tpu.memory_space<semaphore_mem>>)
        %dma_start3A_197 = arith.constant 1 : i32
        %dma_start3A_198 = arith.constant 1 : i32
        %dma_start3A_199 = arith.constant 0 : i32
        %dma_start3A_200 = arith.constant 0 : i32
        %dma_start3A_201 = tpu.memref_slice %arg10[%dma_start3A_198, %dma_start3A_199, %dma_start3A_200] : memref<2x80x16xf32, #tpu.memory_space<vmem>> -> memref<1x80x16xf32, #tpu.memory_space<vmem>>
        %dma_start3A_202 = tpu.memref_squeeze %dma_start3A_201 : memref<1x80x16xf32, #tpu.memory_space<vmem>> -> memref<80x16xf32, #tpu.memory_space<vmem>>
        %dma_start3A_203 = arith.constant 0 : i32
        %dma_start3A_204 = tpu.memref_slice %arg9[%dma_start3A_197, %dma_start3A_203] : memref<2x80xi32, #tpu.memory_space<vmem>> -> memref<1x80xi32, #tpu.memory_space<vmem>>
        %dma_start3A_205 = tpu.memref_squeeze %dma_start3A_204 : memref<1x80xi32, #tpu.memory_space<vmem>> -> memref<80xi32, #tpu.memory_space<vmem>>
        %dma_start3A_206 = arith.constant 0 : i32
        %dma_start3A_207 = arith.constant 0 : i32
        %dma_start3A_208 = tpu.memref_slice %arg4[%dma_start3A_206, %dma_start3A_207] : memref<10112x16xf32, #tpu.memory_space<hbm>> -> memref<10112x16xf32, #tpu.memory_space<hbm>>
        tpu.enqueue_indirect_dma source(%dma_start3A_208 : memref<10112x16xf32, #tpu.memory_space<hbm>>) target(%dma_start3A_202 : memref<80x16xf32, #tpu.memory_space<vmem>>) offsets(%dma_start3A_205 : memref<80xi32, #tpu.memory_space<vmem>>) semaphore(%arg14 : memref<!tpu.dma_semaphore, #tpu.memory_space<semaphore_mem>>)
      } else {
      }
      %scan3A_101 = arith.constant 0 : i32
      %scan3A_102 = arith.constant 0 : i32
      %scan3A_103 = arith.constant 0 : i32
      %scan3A_104 = arith.constant 80 : i32
      %scan3A_105 = arith.addi %scan3A_103, %scan3A_104 : i32
      %scan3A_106 = arith.constant 1 : i32
      scf.for %scan3A_174 = %scan3A_103 to %scan3A_105 step %scan3A_106  : i32 {
        %mul3A_175 = arith.constant 1 : i32
        %mul3A_176 = arith.muli %scan3A_174, %mul3A_175 : i32
        %add3A_177 = arith.constant 0 : i32
        %add3A_178 = arith.addi %add3A_177, %mul3A_176 : i32
        %get3A = arith.constant 0 : i32
        %get3A_179 = arith.constant 0 : i32
        %get3A_180 = tpu.memref_slice %arg11[%scan3A_101, %get3A, %get3A_179] : memref<2x80x144xf32, #tpu.memory_space<vmem>> -> memref<1x80x144xf32, #tpu.memory_space<vmem>>
        %get3A_181 = tpu.memref_squeeze %get3A_180 : memref<1x80x144xf32, #tpu.memory_space<vmem>> -> memref<80x144xf32, #tpu.memory_space<vmem>>
        %get3A_182 = arith.index_cast %add3A_178 : i32 to index
        %get3A_183 = arith.constant 128 : index
        %get3A_184 = tpu.vector_load %get3A_181[%get3A_182, %get3A_183] {strides = array<i32>} : memref<80x144xf32, #tpu.memory_space<vmem>>, vector<1x16xf32>,
        %get3A_185 = vector.shape_cast %get3A_184 : vector<1x16xf32> to vector<16xf32>
        %get3A_186 = arith.constant 0 : i32
        %get3A_187 = arith.constant 0 : i32
        %get3A_188 = tpu.memref_slice %arg10[%scan3A_102, %get3A_186, %get3A_187] : memref<2x80x16xf32, #tpu.memory_space<vmem>> -> memref<1x80x16xf32, #tpu.memory_space<vmem>>
        %get3A_189 = tpu.memref_squeeze %get3A_188 : memref<1x80x16xf32, #tpu.memory_space<vmem>> -> memref<80x16xf32, #tpu.memory_space<vmem>>
        %get3A_190 = arith.index_cast %add3A_178 : i32 to index
        %get3A_191 = arith.constant 0 : index
        %get3A_192 = tpu.vector_load %get3A_189[%get3A_190, %get3A_191] {strides = array<i32>} : memref<80x16xf32, #tpu.memory_space<vmem>>, vector<1x16xf32>,
        %get3A_193 = vector.shape_cast %get3A_192 : vector<1x16xf32> to vector<16xf32>
        %add3A_194 = arith.addf %get3A_185, %get3A_193 : vector<16xf32>
        %mul3A_195 = arith.constant 2.000000e-01 : f32
        %mul3A_196 = vector.broadcast %mul3A_195 : f32 to vector<16xf32>
        %mul3A_197 = arith.mulf %mul3A_196, %add3A_194 : vector<16xf32>
        %max3A = arith.maximumf %add3A_194, %mul3A_197 : vector<16xf32>
        %exp3A = math.exp %max3A : vector<16xf32>
        %swap3A = arith.constant 0 : i32
        %swap3A_198 = arith.constant 0 : i32
        %swap3A_199 = tpu.memref_slice %arg11[%scan3A_101, %swap3A, %swap3A_198] : memref<2x80x144xf32, #tpu.memory_space<vmem>> -> memref<1x80x144xf32, #tpu.memory_space<vmem>>
        %swap3A_200 = tpu.memref_squeeze %swap3A_199 : memref<1x80x144xf32, #tpu.memory_space<vmem>> -> memref<80x144xf32, #tpu.memory_space<vmem>>
        %swap3A_201 = arith.index_cast %add3A_178 : i32 to index
        %swap3A_202 = arith.constant 128 : index
        %swap3A_203 = tpu.vector_load %swap3A_200[%swap3A_201, %swap3A_202] {strides = array<i32>} : memref<80x144xf32, #tpu.memory_space<vmem>>, vector<1x16xf32>,
        %swap3A_204 = vector.shape_cast %swap3A_203 : vector<1x16xf32> to vector<16xf32>
        %swap3A_205 = vector.shape_cast %exp3A : vector<16xf32> to vector<1x16xf32>
        tpu.vector_store %swap3A_200[%swap3A_201, %swap3A_202], %swap3A_205 {strides = array<i32>} : memref<80x144xf32, #tpu.memory_space<vmem>>, vector<1x16xf32>,
        %broadcast_in_dim3A = arith.constant 0 : i32
        %broadcast_in_dim3A_206 = vector.broadcast %broadcast_in_dim3A : i32 to vector<16xi32>
        %broadcast_in_dim3A_207 = vector.shape_cast %broadcast_in_dim3A_206 : vector<16xi32> to vector<16x1xi32>
        %gather3A = vector.shape_cast %broadcast_in_dim3A_207 : vector<16x1xi32> to vector<16xi32>
        %gather3A_208 = tpu.dynamic_gather %exp3A[%gather3A] in [0] : vector<16xf32>, vector<16xi32> -> vector<16xf32>
        %get3A_209 = arith.constant 0 : i32
        %get3A_210 = arith.constant 0 : i32
        %get3A_211 = tpu.memref_slice %arg11[%scan3A_101, %get3A_209, %get3A_210] : memref<2x80x144xf32, #tpu.memory_space<vmem>> -> memref<1x80x144xf32, #tpu.memory_space<vmem>>
        %get3A_212 = tpu.memref_squeeze %get3A_211 : memref<1x80x144xf32, #tpu.memory_space<vmem>> -> memref<80x144xf32, #tpu.memory_space<vmem>>
        %get3A_213 = arith.index_cast %add3A_178 : i32 to index
        %get3A_214 = arith.constant 0 : index
        %get3A_215 = tpu.vector_load %get3A_212[%get3A_213, %get3A_214] {strides = array<i32>} : memref<80x144xf32, #tpu.memory_space<vmem>>, vector<1x16xf32>,
        %get3A_216 = vector.shape_cast %get3A_215 : vector<1x16xf32> to vector<16xf32>
        %mul3A_217 = arith.mulf %get3A_216, %gather3A_208 : vector<16xf32>
        %swap3A_218 = arith.constant 0 : i32
        %swap3A_219 = arith.constant 0 : i32
        %swap3A_220 = tpu.memref_slice %arg11[%scan3A_101, %swap3A_218, %swap3A_219] : memref<2x80x144xf32, #tpu.memory_space<vmem>> -> memref<1x80x144xf32, #tpu.memory_space<vmem>>
        %swap3A_221 = tpu.memref_squeeze %swap3A_220 : memref<1x80x144xf32, #tpu.memory_space<vmem>> -> memref<80x144xf32, #tpu.memory_space<vmem>>
        %swap3A_222 = arith.index_cast %add3A_178 : i32 to index
        %swap3A_223 = arith.constant 0 : index
        %swap3A_224 = tpu.vector_load %swap3A_221[%swap3A_222, %swap3A_223] {strides = array<i32>} : memref<80x144xf32, #tpu.memory_space<vmem>>, vector<1x16xf32>,
        %swap3A_225 = vector.shape_cast %swap3A_224 : vector<1x16xf32> to vector<16xf32>
        %swap3A_226 = vector.shape_cast %mul3A_217 : vector<16xf32> to vector<1x16xf32>
        tpu.vector_store %swap3A_221[%swap3A_222, %swap3A_223], %swap3A_226 {strides = array<i32>} : memref<80x144xf32, #tpu.memory_space<vmem>>, vector<1x16xf32>,
        %broadcast_in_dim3A_227 = arith.constant 1 : i32
        %broadcast_in_dim3A_228 = vector.broadcast %broadcast_in_dim3A_227 : i32 to vector<16xi32>
        %broadcast_in_dim3A_229 = vector.shape_cast %broadcast_in_dim3A_228 : vector<16xi32> to vector<16x1xi32>
        %gather3A_230 = vector.shape_cast %broadcast_in_dim3A_229 : vector<16x1xi32> to vector<16xi32>
        %gather3A_231 = tpu.dynamic_gather %exp3A[%gather3A_230] in [0] : vector<16xf32>, vector<16xi32> -> vector<16xf32>
        %get3A_232 = arith.constant 0 : i32
        %get3A_233 = arith.constant 0 : i32
        %get3A_234 = tpu.memref_slice %arg11[%scan3A_101, %get3A_232, %get3A_233] : memref<2x80x144xf32, #tpu.memory_space<vmem>> -> memref<1x80x144xf32, #tpu.memory_space<vmem>>
        %get3A_235 = tpu.memref_squeeze %get3A_234 : memref<1x80x144xf32, #tpu.memory_space<vmem>> -> memref<80x144xf32, #tpu.memory_space<vmem>>
        %get3A_236 = arith.index_cast %add3A_178 : i32 to index
        %get3A_237 = arith.constant 16 : index
        %get3A_238 = tpu.vector_load %get3A_235[%get3A_236, %get3A_237] {strides = array<i32>} : memref<80x144xf32, #tpu.memory_space<vmem>>, vector<1x16xf32>,
        %get3A_239 = vector.shape_cast %get3A_238 : vector<1x16xf32> to vector<16xf32>
        %mul3A_240 = arith.mulf %get3A_239, %gather3A_231 : vector<16xf32>
        %swap3A_241 = arith.constant 0 : i32
        %swap3A_242 = arith.constant 0 : i32
        %swap3A_243 = tpu.memref_slice %arg11[%scan3A_101, %swap3A_241, %swap3A_242] : memref<2x80x144xf32, #tpu.memory_space<vmem>> -> memref<1x80x144xf32, #tpu.memory_space<vmem>>
        %swap3A_244 = tpu.memref_squeeze %swap3A_243 : memref<1x80x144xf32, #tpu.memory_space<vmem>> -> memref<80x144xf32, #tpu.memory_space<vmem>>
        %swap3A_245 = arith.index_cast %add3A_178 : i32 to index
        %swap3A_246 = arith.constant 16 : index
        %swap3A_247 = tpu.vector_load %swap3A_244[%swap3A_245, %swap3A_246] {strides = array<i32>} : memref<80x144xf32, #tpu.memory_space<vmem>>, vector<1x16xf32>,
        %swap3A_248 = vector.shape_cast %swap3A_247 : vector<1x16xf32> to vector<16xf32>
        %swap3A_249 = vector.shape_cast %mul3A_240 : vector<16xf32> to vector<1x16xf32>
        tpu.vector_store %swap3A_244[%swap3A_245, %swap3A_246], %swap3A_249 {strides = array<i32>} : memref<80x144xf32, #tpu.memory_space<vmem>>, vector<1x16xf32>,
        %broadcast_in_dim3A_250 = arith.constant 2 : i32
        %broadcast_in_dim3A_251 = vector.broadcast %broadcast_in_dim3A_250 : i32 to vector<16xi32>
        %broadcast_in_dim3A_252 = vector.shape_cast %broadcast_in_dim3A_251 : vector<16xi32> to vector<16x1xi32>
        %gather3A_253 = vector.shape_cast %broadcast_in_dim3A_252 : vector<16x1xi32> to vector<16xi32>
        %gather3A_254 = tpu.dynamic_gather %exp3A[%gather3A_253] in [0] : vector<16xf32>, vector<16xi32> -> vector<16xf32>
        %get3A_255 = arith.constant 0 : i32
        %get3A_256 = arith.constant 0 : i32
        %get3A_257 = tpu.memref_slice %arg11[%scan3A_101, %get3A_255, %get3A_256] : memref<2x80x144xf32, #tpu.memory_space<vmem>> -> memref<1x80x144xf32, #tpu.memory_space<vmem>>
        %get3A_258 = tpu.memref_squeeze %get3A_257 : memref<1x80x144xf32, #tpu.memory_space<vmem>> -> memref<80x144xf32, #tpu.memory_space<vmem>>
        %get3A_259 = arith.index_cast %add3A_178 : i32 to index
        %get3A_260 = arith.constant 32 : index
        %get3A_261 = tpu.vector_load %get3A_258[%get3A_259, %get3A_260] {strides = array<i32>} : memref<80x144xf32, #tpu.memory_space<vmem>>, vector<1x16xf32>,
        %get3A_262 = vector.shape_cast %get3A_261 : vector<1x16xf32> to vector<16xf32>
        %mul3A_263 = arith.mulf %get3A_262, %gather3A_254 : vector<16xf32>
        %swap3A_264 = arith.constant 0 : i32
        %swap3A_265 = arith.constant 0 : i32
        %swap3A_266 = tpu.memref_slice %arg11[%scan3A_101, %swap3A_264, %swap3A_265] : memref<2x80x144xf32, #tpu.memory_space<vmem>> -> memref<1x80x144xf32, #tpu.memory_space<vmem>>
        %swap3A_267 = tpu.memref_squeeze %swap3A_266 : memref<1x80x144xf32, #tpu.memory_space<vmem>> -> memref<80x144xf32, #tpu.memory_space<vmem>>
        %swap3A_268 = arith.index_cast %add3A_178 : i32 to index
        %swap3A_269 = arith.constant 32 : index
        %swap3A_270 = tpu.vector_load %swap3A_267[%swap3A_268, %swap3A_269] {strides = array<i32>} : memref<80x144xf32, #tpu.memory_space<vmem>>, vector<1x16xf32>,
        %swap3A_271 = vector.shape_cast %swap3A_270 : vector<1x16xf32> to vector<16xf32>
        %swap3A_272 = vector.shape_cast %mul3A_263 : vector<16xf32> to vector<1x16xf32>
        tpu.vector_store %swap3A_267[%swap3A_268, %swap3A_269], %swap3A_272 {strides = array<i32>} : memref<80x144xf32, #tpu.memory_space<vmem>>, vector<1x16xf32>,
        %broadcast_in_dim3A_273 = arith.constant 3 : i32
        %broadcast_in_dim3A_274 = vector.broadcast %broadcast_in_dim3A_273 : i32 to vector<16xi32>
        %broadcast_in_dim3A_275 = vector.shape_cast %broadcast_in_dim3A_274 : vector<16xi32> to vector<16x1xi32>
        %gather3A_276 = vector.shape_cast %broadcast_in_dim3A_275 : vector<16x1xi32> to vector<16xi32>
        %gather3A_277 = tpu.dynamic_gather %exp3A[%gather3A_276] in [0] : vector<16xf32>, vector<16xi32> -> vector<16xf32>
        %get3A_278 = arith.constant 0 : i32
        %get3A_279 = arith.constant 0 : i32
        %get3A_280 = tpu.memref_slice %arg11[%scan3A_101, %get3A_278, %get3A_279] : memref<2x80x144xf32, #tpu.memory_space<vmem>> -> memref<1x80x144xf32, #tpu.memory_space<vmem>>
        %get3A_281 = tpu.memref_squeeze %get3A_280 : memref<1x80x144xf32, #tpu.memory_space<vmem>> -> memref<80x144xf32, #tpu.memory_space<vmem>>
        %get3A_282 = arith.index_cast %add3A_178 : i32 to index
        %get3A_283 = arith.constant 48 : index
        %get3A_284 = tpu.vector_load %get3A_281[%get3A_282, %get3A_283] {strides = array<i32>} : memref<80x144xf32, #tpu.memory_space<vmem>>, vector<1x16xf32>,
        %get3A_285 = vector.shape_cast %get3A_284 : vector<1x16xf32> to vector<16xf32>
        %mul3A_286 = arith.mulf %get3A_285, %gather3A_277 : vector<16xf32>
        %swap3A_287 = arith.constant 0 : i32
        %swap3A_288 = arith.constant 0 : i32
        %swap3A_289 = tpu.memref_slice %arg11[%scan3A_101, %swap3A_287, %swap3A_288] : memref<2x80x144xf32, #tpu.memory_space<vmem>> -> memref<1x80x144xf32, #tpu.memory_space<vmem>>
        %swap3A_290 = tpu.memref_squeeze %swap3A_289 : memref<1x80x144xf32, #tpu.memory_space<vmem>> -> memref<80x144xf32, #tpu.memory_space<vmem>>
        %swap3A_291 = arith.index_cast %add3A_178 : i32 to index
        %swap3A_292 = arith.constant 48 : index
        %swap3A_293 = tpu.vector_load %swap3A_290[%swap3A_291, %swap3A_292] {strides = array<i32>} : memref<80x144xf32, #tpu.memory_space<vmem>>, vector<1x16xf32>,
        %swap3A_294 = vector.shape_cast %swap3A_293 : vector<1x16xf32> to vector<16xf32>
        %swap3A_295 = vector.shape_cast %mul3A_286 : vector<16xf32> to vector<1x16xf32>
        tpu.vector_store %swap3A_290[%swap3A_291, %swap3A_292], %swap3A_295 {strides = array<i32>} : memref<80x144xf32, #tpu.memory_space<vmem>>, vector<1x16xf32>,
        %broadcast_in_dim3A_296 = arith.constant 4 : i32
        %broadcast_in_dim3A_297 = vector.broadcast %broadcast_in_dim3A_296 : i32 to vector<16xi32>
        %broadcast_in_dim3A_298 = vector.shape_cast %broadcast_in_dim3A_297 : vector<16xi32> to vector<16x1xi32>
        %gather3A_299 = vector.shape_cast %broadcast_in_dim3A_298 : vector<16x1xi32> to vector<16xi32>
        %gather3A_300 = tpu.dynamic_gather %exp3A[%gather3A_299] in [0] : vector<16xf32>, vector<16xi32> -> vector<16xf32>
        %get3A_301 = arith.constant 0 : i32
        %get3A_302 = arith.constant 0 : i32
        %get3A_303 = tpu.memref_slice %arg11[%scan3A_101, %get3A_301, %get3A_302] : memref<2x80x144xf32, #tpu.memory_space<vmem>> -> memref<1x80x144xf32, #tpu.memory_space<vmem>>
        %get3A_304 = tpu.memref_squeeze %get3A_303 : memref<1x80x144xf32, #tpu.memory_space<vmem>> -> memref<80x144xf32, #tpu.memory_space<vmem>>
        %get3A_305 = arith.index_cast %add3A_178 : i32 to index
        %get3A_306 = arith.constant 64 : index
        %get3A_307 = tpu.vector_load %get3A_304[%get3A_305, %get3A_306] {strides = array<i32>} : memref<80x144xf32, #tpu.memory_space<vmem>>, vector<1x16xf32>,
        %get3A_308 = vector.shape_cast %get3A_307 : vector<1x16xf32> to vector<16xf32>
        %mul3A_309 = arith.mulf %get3A_308, %gather3A_300 : vector<16xf32>
        %swap3A_310 = arith.constant 0 : i32
        %swap3A_311 = arith.constant 0 : i32
        %swap3A_312 = tpu.memref_slice %arg11[%scan3A_101, %swap3A_310, %swap3A_311] : memref<2x80x144xf32, #tpu.memory_space<vmem>> -> memref<1x80x144xf32, #tpu.memory_space<vmem>>
        %swap3A_313 = tpu.memref_squeeze %swap3A_312 : memref<1x80x144xf32, #tpu.memory_space<vmem>> -> memref<80x144xf32, #tpu.memory_space<vmem>>
        %swap3A_314 = arith.index_cast %add3A_178 : i32 to index
        %swap3A_315 = arith.constant 64 : index
        %swap3A_316 = tpu.vector_load %swap3A_313[%swap3A_314, %swap3A_315] {strides = array<i32>} : memref<80x144xf32, #tpu.memory_space<vmem>>, vector<1x16xf32>,
        %swap3A_317 = vector.shape_cast %swap3A_316 : vector<1x16xf32> to vector<16xf32>
        %swap3A_318 = vector.shape_cast %mul3A_309 : vector<16xf32> to vector<1x16xf32>
        tpu.vector_store %swap3A_313[%swap3A_314, %swap3A_315], %swap3A_318 {strides = array<i32>} : memref<80x144xf32, #tpu.memory_space<vmem>>, vector<1x16xf32>,
        %broadcast_in_dim3A_319 = arith.constant 5 : i32
        %broadcast_in_dim3A_320 = vector.broadcast %broadcast_in_dim3A_319 : i32 to vector<16xi32>
        %broadcast_in_dim3A_321 = vector.shape_cast %broadcast_in_dim3A_320 : vector<16xi32> to vector<16x1xi32>
        %gather3A_322 = vector.shape_cast %broadcast_in_dim3A_321 : vector<16x1xi32> to vector<16xi32>
        %gather3A_323 = tpu.dynamic_gather %exp3A[%gather3A_322] in [0] : vector<16xf32>, vector<16xi32> -> vector<16xf32>
        %get3A_324 = arith.constant 0 : i32
        %get3A_325 = arith.constant 0 : i32
        %get3A_326 = tpu.memref_slice %arg11[%scan3A_101, %get3A_324, %get3A_325] : memref<2x80x144xf32, #tpu.memory_space<vmem>> -> memref<1x80x144xf32, #tpu.memory_space<vmem>>
        %get3A_327 = tpu.memref_squeeze %get3A_326 : memref<1x80x144xf32, #tpu.memory_space<vmem>> -> memref<80x144xf32, #tpu.memory_space<vmem>>
        %get3A_328 = arith.index_cast %add3A_178 : i32 to index
        %get3A_329 = arith.constant 80 : index
        %get3A_330 = tpu.vector_load %get3A_327[%get3A_328, %get3A_329] {strides = array<i32>} : memref<80x144xf32, #tpu.memory_space<vmem>>, vector<1x16xf32>,
        %get3A_331 = vector.shape_cast %get3A_330 : vector<1x16xf32> to vector<16xf32>
        %mul3A_332 = arith.mulf %get3A_331, %gather3A_323 : vector<16xf32>
        %swap3A_333 = arith.constant 0 : i32
        %swap3A_334 = arith.constant 0 : i32
        %swap3A_335 = tpu.memref_slice %arg11[%scan3A_101, %swap3A_333, %swap3A_334] : memref<2x80x144xf32, #tpu.memory_space<vmem>> -> memref<1x80x144xf32, #tpu.memory_space<vmem>>
        %swap3A_336 = tpu.memref_squeeze %swap3A_335 : memref<1x80x144xf32, #tpu.memory_space<vmem>> -> memref<80x144xf32, #tpu.memory_space<vmem>>
        %swap3A_337 = arith.index_cast %add3A_178 : i32 to index
        %swap3A_338 = arith.constant 80 : index
        %swap3A_339 = tpu.vector_load %swap3A_336[%swap3A_337, %swap3A_338] {strides = array<i32>} : memref<80x144xf32, #tpu.memory_space<vmem>>, vector<1x16xf32>,
        %swap3A_340 = vector.shape_cast %swap3A_339 : vector<1x16xf32> to vector<16xf32>
        %swap3A_341 = vector.shape_cast %mul3A_332 : vector<16xf32> to vector<1x16xf32>
        tpu.vector_store %swap3A_336[%swap3A_337, %swap3A_338], %swap3A_341 {strides = array<i32>} : memref<80x144xf32, #tpu.memory_space<vmem>>, vector<1x16xf32>,
        %broadcast_in_dim3A_342 = arith.constant 6 : i32
        %broadcast_in_dim3A_343 = vector.broadcast %broadcast_in_dim3A_342 : i32 to vector<16xi32>
        %broadcast_in_dim3A_344 = vector.shape_cast %broadcast_in_dim3A_343 : vector<16xi32> to vector<16x1xi32>
        %gather3A_345 = vector.shape_cast %broadcast_in_dim3A_344 : vector<16x1xi32> to vector<16xi32>
        %gather3A_346 = tpu.dynamic_gather %exp3A[%gather3A_345] in [0] : vector<16xf32>, vector<16xi32> -> vector<16xf32>
        %get3A_347 = arith.constant 0 : i32
        %get3A_348 = arith.constant 0 : i32
        %get3A_349 = tpu.memref_slice %arg11[%scan3A_101, %get3A_347, %get3A_348] : memref<2x80x144xf32, #tpu.memory_space<vmem>> -> memref<1x80x144xf32, #tpu.memory_space<vmem>>
        %get3A_350 = tpu.memref_squeeze %get3A_349 : memref<1x80x144xf32, #tpu.memory_space<vmem>> -> memref<80x144xf32, #tpu.memory_space<vmem>>
        %get3A_351 = arith.index_cast %add3A_178 : i32 to index
        %get3A_352 = arith.constant 96 : index
        %get3A_353 = tpu.vector_load %get3A_350[%get3A_351, %get3A_352] {strides = array<i32>} : memref<80x144xf32, #tpu.memory_space<vmem>>, vector<1x16xf32>,
        %get3A_354 = vector.shape_cast %get3A_353 : vector<1x16xf32> to vector<16xf32>
        %mul3A_355 = arith.mulf %get3A_354, %gather3A_346 : vector<16xf32>
        %swap3A_356 = arith.constant 0 : i32
        %swap3A_357 = arith.constant 0 : i32
        %swap3A_358 = tpu.memref_slice %arg11[%scan3A_101, %swap3A_356, %swap3A_357] : memref<2x80x144xf32, #tpu.memory_space<vmem>> -> memref<1x80x144xf32, #tpu.memory_space<vmem>>
        %swap3A_359 = tpu.memref_squeeze %swap3A_358 : memref<1x80x144xf32, #tpu.memory_space<vmem>> -> memref<80x144xf32, #tpu.memory_space<vmem>>
        %swap3A_360 = arith.index_cast %add3A_178 : i32 to index
        %swap3A_361 = arith.constant 96 : index
        %swap3A_362 = tpu.vector_load %swap3A_359[%swap3A_360, %swap3A_361] {strides = array<i32>} : memref<80x144xf32, #tpu.memory_space<vmem>>, vector<1x16xf32>,
        %swap3A_363 = vector.shape_cast %swap3A_362 : vector<1x16xf32> to vector<16xf32>
        %swap3A_364 = vector.shape_cast %mul3A_355 : vector<16xf32> to vector<1x16xf32>
        tpu.vector_store %swap3A_359[%swap3A_360, %swap3A_361], %swap3A_364 {strides = array<i32>} : memref<80x144xf32, #tpu.memory_space<vmem>>, vector<1x16xf32>,
        %broadcast_in_dim3A_365 = arith.constant 7 : i32
        %broadcast_in_dim3A_366 = vector.broadcast %broadcast_in_dim3A_365 : i32 to vector<16xi32>
        %broadcast_in_dim3A_367 = vector.shape_cast %broadcast_in_dim3A_366 : vector<16xi32> to vector<16x1xi32>
        %gather3A_368 = vector.shape_cast %broadcast_in_dim3A_367 : vector<16x1xi32> to vector<16xi32>
        %gather3A_369 = tpu.dynamic_gather %exp3A[%gather3A_368] in [0] : vector<16xf32>, vector<16xi32> -> vector<16xf32>
        %get3A_370 = arith.constant 0 : i32
        %get3A_371 = arith.constant 0 : i32
        %get3A_372 = tpu.memref_slice %arg11[%scan3A_101, %get3A_370, %get3A_371] : memref<2x80x144xf32, #tpu.memory_space<vmem>> -> memref<1x80x144xf32, #tpu.memory_space<vmem>>
        %get3A_373 = tpu.memref_squeeze %get3A_372 : memref<1x80x144xf32, #tpu.memory_space<vmem>> -> memref<80x144xf32, #tpu.memory_space<vmem>>
        %get3A_374 = arith.index_cast %add3A_178 : i32 to index
        %get3A_375 = arith.constant 112 : index
        %get3A_376 = tpu.vector_load %get3A_373[%get3A_374, %get3A_375] {strides = array<i32>} : memref<80x144xf32, #tpu.memory_space<vmem>>, vector<1x16xf32>,
        %get3A_377 = vector.shape_cast %get3A_376 : vector<1x16xf32> to vector<16xf32>
        %mul3A_378 = arith.mulf %get3A_377, %gather3A_369 : vector<16xf32>
        %swap3A_379 = arith.constant 0 : i32
        %swap3A_380 = arith.constant 0 : i32
        %swap3A_381 = tpu.memref_slice %arg11[%scan3A_101, %swap3A_379, %swap3A_380] : memref<2x80x144xf32, #tpu.memory_space<vmem>> -> memref<1x80x144xf32, #tpu.memory_space<vmem>>
        %swap3A_382 = tpu.memref_squeeze %swap3A_381 : memref<1x80x144xf32, #tpu.memory_space<vmem>> -> memref<80x144xf32, #tpu.memory_space<vmem>>
        %swap3A_383 = arith.index_cast %add3A_178 : i32 to index
        %swap3A_384 = arith.constant 112 : index
        %swap3A_385 = tpu.vector_load %swap3A_382[%swap3A_383, %swap3A_384] {strides = array<i32>} : memref<80x144xf32, #tpu.memory_space<vmem>>, vector<1x16xf32>,
        %swap3A_386 = vector.shape_cast %swap3A_385 : vector<1x16xf32> to vector<16xf32>
        %swap3A_387 = vector.shape_cast %mul3A_378 : vector<16xf32> to vector<1x16xf32>
        tpu.vector_store %swap3A_382[%swap3A_383, %swap3A_384], %swap3A_387 {strides = array<i32>} : memref<80x144xf32, #tpu.memory_space<vmem>>, vector<1x16xf32>,
      }
      %scan3A_107 = arith.constant 80 : i32
      %dma_start3A_108 = arith.constant 0 : i32
      %dma_start3A_109 = arith.constant 0 : i32
      %dma_start3A_110 = arith.constant 0 : i32
      %dma_start3A_111 = arith.constant 0 : i32
      %dma_start3A_112 = tpu.memref_slice %arg11[%dma_start3A_108, %dma_start3A_110, %dma_start3A_111] : memref<2x80x144xf32, #tpu.memory_space<vmem>> -> memref<1x80x144xf32, #tpu.memory_space<vmem>>
      %dma_start3A_113 = tpu.memref_squeeze %dma_start3A_112 : memref<1x80x144xf32, #tpu.memory_space<vmem>> -> memref<80x144xf32, #tpu.memory_space<vmem>>
      %dma_start3A_114 = arith.constant 0 : i32
      %dma_start3A_115 = tpu.memref_slice %arg9[%dma_start3A_109, %dma_start3A_114] : memref<2x80xi32, #tpu.memory_space<vmem>> -> memref<1x80xi32, #tpu.memory_space<vmem>>
      %dma_start3A_116 = tpu.memref_squeeze %dma_start3A_115 : memref<1x80xi32, #tpu.memory_space<vmem>> -> memref<80xi32, #tpu.memory_space<vmem>>
      %dma_start3A_117 = arith.constant 0 : i32
      %dma_start3A_118 = arith.constant 0 : i32
      %dma_start3A_119 = tpu.memref_slice %arg12[%dma_start3A_117, %dma_start3A_118] : memref<10112x144xf32, #tpu.memory_space<vmem_shared>> -> memref<10112x144xf32, #tpu.memory_space<vmem_shared>>
      tpu.enqueue_indirect_dma source(%dma_start3A_113 : memref<80x144xf32, #tpu.memory_space<vmem>>) target(%dma_start3A_119 : memref<10112x144xf32, #tpu.memory_space<vmem_shared>>) offsets(%dma_start3A_116 : memref<80xi32, #tpu.memory_space<vmem>>) semaphore(%arg15 : memref<!tpu.dma_semaphore, #tpu.memory_space<semaphore_mem>>) {add = true}
      %mul3A_120 = arith.constant 2 : i32
      %mul3A_121 = arith.muli %mul3A_120, %add3A_68 : i32
      %add3A_122 = arith.constant 1 : i32
      %add3A_123 = arith.addi %mul3A_121, %add3A_122 : i32
      %dma_wait3A_124 = arith.constant 1 : i32
      %dma_wait3A_125 = arith.constant 1 : i32
      %dma_wait3A_126 = arith.constant 0 : i32
      %dma_wait3A_127 = arith.constant 0 : i32
      %dma_wait3A_128 = tpu.memref_slice %arg11[%dma_wait3A_125, %dma_wait3A_126, %dma_wait3A_127] : memref<2x80x144xf32, #tpu.memory_space<vmem>> -> memref<1x80x144xf32, #tpu.memory_space<vmem>>
      %dma_wait3A_129 = tpu.memref_squeeze %dma_wait3A_128 : memref<1x80x144xf32, #tpu.memory_space<vmem>> -> memref<80x144xf32, #tpu.memory_space<vmem>>
      %dma_wait3A_130 = arith.constant 0 : i32
      %dma_wait3A_131 = tpu.memref_slice %arg8[%dma_wait3A_124, %dma_wait3A_130] : memref<2x80xi32, #tpu.memory_space<vmem>> -> memref<1x80xi32, #tpu.memory_space<vmem>>
      %dma_wait3A_132 = tpu.memref_squeeze %dma_wait3A_131 : memref<1x80xi32, #tpu.memory_space<vmem>> -> memref<80xi32, #tpu.memory_space<vmem>>
      %dma_wait3A_133 = arith.constant 0 : i32
      %dma_wait3A_134 = arith.constant 0 : i32
      %dma_wait3A_135 = tpu.memref_slice %arg3[%dma_wait3A_133, %dma_wait3A_134] : memref<10000x144xf32, #tpu.memory_space<hbm>> -> memref<10000x144xf32, #tpu.memory_space<hbm>>
      tpu.wait_indirect_dma semaphore(%arg14 : memref<!tpu.dma_semaphore, #tpu.memory_space<semaphore_mem>>) src(%dma_wait3A_135 : memref<10000x144xf32, #tpu.memory_space<hbm>>) dst(%dma_wait3A_129 : memref<80x144xf32, #tpu.memory_space<vmem>>)
      %dma_wait3A_136 = arith.constant 1 : i32
      %dma_wait3A_137 = arith.constant 1 : i32
      %dma_wait3A_138 = arith.constant 0 : i32
      %dma_wait3A_139 = arith.constant 0 : i32
      %dma_wait3A_140 = tpu.memref_slice %arg10[%dma_wait3A_137, %dma_wait3A_138, %dma_wait3A_139] : memref<2x80x16xf32, #tpu.memory_space<vmem>> -> memref<1x80x16xf32, #tpu.memory_space<vmem>>
      %dma_wait3A_141 = tpu.memref_squeeze %dma_wait3A_140 : memref<1x80x16xf32, #tpu.memory_space<vmem>> -> memref<80x16xf32, #tpu.memory_space<vmem>>
      %dma_wait3A_142 = arith.constant 0 : i32
      %dma_wait3A_143 = tpu.memref_slice %arg9[%dma_wait3A_136, %dma_wait3A_142] : memref<2x80xi32, #tpu.memory_space<vmem>> -> memref<1x80xi32, #tpu.memory_space<vmem>>
      %dma_wait3A_144 = tpu.memref_squeeze %dma_wait3A_143 : memref<1x80xi32, #tpu.memory_space<vmem>> -> memref<80xi32, #tpu.memory_space<vmem>>
      %dma_wait3A_145 = arith.constant 0 : i32
      %dma_wait3A_146 = arith.constant 0 : i32
      %dma_wait3A_147 = tpu.memref_slice %arg4[%dma_wait3A_145, %dma_wait3A_146] : memref<10112x16xf32, #tpu.memory_space<hbm>> -> memref<10112x16xf32, #tpu.memory_space<hbm>>
      tpu.wait_indirect_dma semaphore(%arg14 : memref<!tpu.dma_semaphore, #tpu.memory_space<semaphore_mem>>) src(%dma_wait3A_147 : memref<10112x16xf32, #tpu.memory_space<hbm>>) dst(%dma_wait3A_141 : memref<80x16xf32, #tpu.memory_space<vmem>>)
      %add3A_148 = arith.constant 1 : i32
      %add3A_149 = arith.addi %add3A_123, %add3A_148 : i32
      %lt3A_150 = arith.constant 128 : i32
      %lt3A_151 = arith.cmpi slt, %add3A_149, %lt3A_150 : i32
      %convert_element_type3A_152 = arith.extui %lt3A_151 : i1 to i32
      %cond3A_153 = arith.constant 0 : i32
      %cond3A_154 = arith.cmpi ne, %convert_element_type3A_152, %cond3A_153 : i32
      scf.if %cond3A_154 {
        %ge3A = arith.constant 1 : i32
        %ge3A_174 = arith.cmpi sge, %add3A_123, %ge3A : i32
        %convert_element_type3A_175 = arith.extui %ge3A_174 : i1 to i32
        %cond3A_176 = arith.constant 0 : i32
        %cond3A_177 = arith.cmpi ne, %convert_element_type3A_175, %cond3A_176 : i32
        scf.if %cond3A_177 {
          %dma_wait3A_209 = arith.constant 0 : i32
          %dma_wait3A_210 = arith.constant 0 : i32
          %dma_wait3A_211 = arith.constant 0 : i32
          %dma_wait3A_212 = arith.constant 0 : i32
          %dma_wait3A_213 = tpu.memref_slice %arg11[%dma_wait3A_209, %dma_wait3A_211, %dma_wait3A_212] : memref<2x80x144xf32, #tpu.memory_space<vmem>> -> memref<1x80x144xf32, #tpu.memory_space<vmem>>
          %dma_wait3A_214 = tpu.memref_squeeze %dma_wait3A_213 : memref<1x80x144xf32, #tpu.memory_space<vmem>> -> memref<80x144xf32, #tpu.memory_space<vmem>>
          %dma_wait3A_215 = arith.constant 0 : i32
          %dma_wait3A_216 = tpu.memref_slice %arg9[%dma_wait3A_210, %dma_wait3A_215] : memref<2x80xi32, #tpu.memory_space<vmem>> -> memref<1x80xi32, #tpu.memory_space<vmem>>
          %dma_wait3A_217 = tpu.memref_squeeze %dma_wait3A_216 : memref<1x80xi32, #tpu.memory_space<vmem>> -> memref<80xi32, #tpu.memory_space<vmem>>
          %dma_wait3A_218 = arith.constant 0 : i32
          %dma_wait3A_219 = arith.constant 0 : i32
          %dma_wait3A_220 = tpu.memref_slice %arg12[%dma_wait3A_218, %dma_wait3A_219] : memref<10112x144xf32, #tpu.memory_space<vmem_shared>> -> memref<10112x144xf32, #tpu.memory_space<vmem_shared>>
          tpu.wait_indirect_dma semaphore(%arg15 : memref<!tpu.dma_semaphore, #tpu.memory_space<semaphore_mem>>) src(%dma_wait3A_214 : memref<80x144xf32, #tpu.memory_space<vmem>>) dst(%dma_wait3A_220 : memref<10112x144xf32, #tpu.memory_space<vmem_shared>>)
        } else {
        }
        %add3A_178 = arith.constant 1 : i32
        %add3A_179 = arith.addi %add3A_123, %add3A_178 : i32
        %scan3A_180 = arith.constant 0 : i32
        %scan3A_181 = arith.constant 5 : i32
        %scan3A_182 = arith.addi %scan3A_180, %scan3A_181 : i32
        %scan3A_183 = arith.constant 1 : i32
        scf.for %scan3A_209 = %scan3A_180 to %scan3A_182 step %scan3A_183  : i32 {
          %mul3A_210 = arith.constant 1 : i32
          %mul3A_211 = arith.muli %scan3A_209, %mul3A_210 : i32
          %add3A_212 = arith.constant 0 : i32
          %add3A_213 = arith.addi %add3A_212, %mul3A_211 : i32
          %mul3A_214 = arith.constant 16 : i32
          %mul3A_215 = arith.muli %add3A_213, %mul3A_214 : i32
          %get3A = arith.index_cast %add3A_179 : i32 to index
          %get3A_216 = arith.index_cast %mul3A_215 : i32 to index
          %get3A_217 = tpu.vector_load %arg7[%get3A, %get3A_216] {strides = array<i32>} : memref<128x80xi32, #tpu.memory_space<vmem>>, vector<1x16xi32>,
          %get3A_218 = vector.shape_cast %get3A_217 : vector<1x16xi32> to vector<16xi32>
          %and3A = arith.constant 16383 : i32
          %and3A_219 = vector.broadcast %and3A : i32 to vector<16xi32>
          %and3A_220 = arith.andi %get3A_218, %and3A_219 : vector<16xi32>
          %mul3A_221 = arith.constant 16 : i32
          %mul3A_222 = arith.muli %add3A_213, %mul3A_221 : i32
          %swap3A = arith.constant 0 : i32
          %swap3A_223 = arith.index_cast %swap3A : i32 to index
          %swap3A_224 = arith.index_cast %mul3A_222 : i32 to index
          %swap3A_225 = tpu.vector_load %arg8[%swap3A_223, %swap3A_224] {strides = array<i32>} : memref<2x80xi32, #tpu.memory_space<vmem>>, vector<1x16xi32>,
          %swap3A_226 = vector.shape_cast %swap3A_225 : vector<1x16xi32> to vector<16xi32>
          %swap3A_227 = vector.shape_cast %and3A_220 : vector<16xi32> to vector<1x16xi32>
          tpu.vector_store %arg8[%swap3A_223, %swap3A_224], %swap3A_227 {strides = array<i32>} : memref<2x80xi32, #tpu.memory_space<vmem>>, vector<1x16xi32>,
          %shift_right_arithmetic3A = arith.constant 14 : i32
          %shift_right_arithmetic3A_228 = vector.broadcast %shift_right_arithmetic3A : i32 to vector<16xi32>
          %shift_right_arithmetic3A_229 = arith.shrsi %get3A_218, %shift_right_arithmetic3A_228 : vector<16xi32>
          %mul3A_230 = arith.constant 16 : i32
          %mul3A_231 = arith.muli %add3A_213, %mul3A_230 : i32
          %swap3A_232 = arith.constant 0 : i32
          %swap3A_233 = arith.index_cast %swap3A_232 : i32 to index
          %swap3A_234 = arith.index_cast %mul3A_231 : i32 to index
          %swap3A_235 = tpu.vector_load %arg9[%swap3A_233, %swap3A_234] {strides = array<i32>} : memref<2x80xi32, #tpu.memory_space<vmem>>, vector<1x16xi32>,
          %swap3A_236 = vector.shape_cast %swap3A_235 : vector<1x16xi32> to vector<16xi32>
          %swap3A_237 = vector.shape_cast %shift_right_arithmetic3A_229 : vector<16xi32> to vector<1x16xi32>
          tpu.vector_store %arg9[%swap3A_233, %swap3A_234], %swap3A_237 {strides = array<i32>} : memref<2x80xi32, #tpu.memory_space<vmem>>, vector<1x16xi32>,
        }
        %scan3A_184 = arith.constant 5 : i32
        %dma_start3A_185 = arith.constant 0 : i32
        %dma_start3A_186 = arith.constant 0 : i32
        %dma_start3A_187 = arith.constant 0 : i32
        %dma_start3A_188 = arith.constant 0 : i32
        %dma_start3A_189 = tpu.memref_slice %arg11[%dma_start3A_186, %dma_start3A_187, %dma_start3A_188] : memref<2x80x144xf32, #tpu.memory_space<vmem>> -> memref<1x80x144xf32, #tpu.memory_space<vmem>>
        %dma_start3A_190 = tpu.memref_squeeze %dma_start3A_189 : memref<1x80x144xf32, #tpu.memory_space<vmem>> -> memref<80x144xf32, #tpu.memory_space<vmem>>
        %dma_start3A_191 = arith.constant 0 : i32
        %dma_start3A_192 = tpu.memref_slice %arg8[%dma_start3A_185, %dma_start3A_191] : memref<2x80xi32, #tpu.memory_space<vmem>> -> memref<1x80xi32, #tpu.memory_space<vmem>>
        %dma_start3A_193 = tpu.memref_squeeze %dma_start3A_192 : memref<1x80xi32, #tpu.memory_space<vmem>> -> memref<80xi32, #tpu.memory_space<vmem>>
        %dma_start3A_194 = arith.constant 0 : i32
        %dma_start3A_195 = arith.constant 0 : i32
        %dma_start3A_196 = tpu.memref_slice %arg3[%dma_start3A_194, %dma_start3A_195] : memref<10000x144xf32, #tpu.memory_space<hbm>> -> memref<10000x144xf32, #tpu.memory_space<hbm>>
        tpu.enqueue_indirect_dma source(%dma_start3A_196 : memref<10000x144xf32, #tpu.memory_space<hbm>>) target(%dma_start3A_190 : memref<80x144xf32, #tpu.memory_space<vmem>>) offsets(%dma_start3A_193 : memref<80xi32, #tpu.memory_space<vmem>>) semaphore(%arg13 : memref<!tpu.dma_semaphore, #tpu.memory_space<semaphore_mem>>)
        %dma_start3A_197 = arith.constant 0 : i32
        %dma_start3A_198 = arith.constant 0 : i32
        %dma_start3A_199 = arith.constant 0 : i32
        %dma_start3A_200 = arith.constant 0 : i32
        %dma_start3A_201 = tpu.memref_slice %arg10[%dma_start3A_198, %dma_start3A_199, %dma_start3A_200] : memref<2x80x16xf32, #tpu.memory_space<vmem>> -> memref<1x80x16xf32, #tpu.memory_space<vmem>>
        %dma_start3A_202 = tpu.memref_squeeze %dma_start3A_201 : memref<1x80x16xf32, #tpu.memory_space<vmem>> -> memref<80x16xf32, #tpu.memory_space<vmem>>
        %dma_start3A_203 = arith.constant 0 : i32
        %dma_start3A_204 = tpu.memref_slice %arg9[%dma_start3A_197, %dma_start3A_203] : memref<2x80xi32, #tpu.memory_space<vmem>> -> memref<1x80xi32, #tpu.memory_space<vmem>>
        %dma_start3A_205 = tpu.memref_squeeze %dma_start3A_204 : memref<1x80xi32, #tpu.memory_space<vmem>> -> memref<80xi32, #tpu.memory_space<vmem>>
        %dma_start3A_206 = arith.constant 0 : i32
        %dma_start3A_207 = arith.constant 0 : i32
        %dma_start3A_208 = tpu.memref_slice %arg4[%dma_start3A_206, %dma_start3A_207] : memref<10112x16xf32, #tpu.memory_space<hbm>> -> memref<10112x16xf32, #tpu.memory_space<hbm>>
        tpu.enqueue_indirect_dma source(%dma_start3A_208 : memref<10112x16xf32, #tpu.memory_space<hbm>>) target(%dma_start3A_202 : memref<80x16xf32, #tpu.memory_space<vmem>>) offsets(%dma_start3A_205 : memref<80xi32, #tpu.memory_space<vmem>>) semaphore(%arg13 : memref<!tpu.dma_semaphore, #tpu.memory_space<semaphore_mem>>)
      } else {
      }
      %scan3A_155 = arith.constant 1 : i32
      %scan3A_156 = arith.constant 1 : i32
      %scan3A_157 = arith.constant 0 : i32
      %scan3A_158 = arith.constant 80 : i32
      %scan3A_159 = arith.addi %scan3A_157, %scan3A_158 : i32
      %scan3A_160 = arith.constant 1 : i32
      scf.for %scan3A_174 = %scan3A_157 to %scan3A_159 step %scan3A_160  : i32 {
        %mul3A_175 = arith.constant 1 : i32
        %mul3A_176 = arith.muli %scan3A_174, %mul3A_175 : i32
        %add3A_177 = arith.constant 0 : i32
        %add3A_178 = arith.addi %add3A_177, %mul3A_176 : i32
        %get3A = arith.constant 0 : i32
        %get3A_179 = arith.constant 0 : i32
        %get3A_180 = tpu.memref_slice %arg11[%scan3A_155, %get3A, %get3A_179] : memref<2x80x144xf32, #tpu.memory_space<vmem>> -> memref<1x80x144xf32, #tpu.memory_space<vmem>>
        %get3A_181 = tpu.memref_squeeze %get3A_180 : memref<1x80x144xf32, #tpu.memory_space<vmem>> -> memref<80x144xf32, #tpu.memory_space<vmem>>
        %get3A_182 = arith.index_cast %add3A_178 : i32 to index
        %get3A_183 = arith.constant 128 : index
        %get3A_184 = tpu.vector_load %get3A_181[%get3A_182, %get3A_183] {strides = array<i32>} : memref<80x144xf32, #tpu.memory_space<vmem>>, vector<1x16xf32>,
        %get3A_185 = vector.shape_cast %get3A_184 : vector<1x16xf32> to vector<16xf32>
        %get3A_186 = arith.constant 0 : i32
        %get3A_187 = arith.constant 0 : i32
        %get3A_188 = tpu.memref_slice %arg10[%scan3A_156, %get3A_186, %get3A_187] : memref<2x80x16xf32, #tpu.memory_space<vmem>> -> memref<1x80x16xf32, #tpu.memory_space<vmem>>
        %get3A_189 = tpu.memref_squeeze %get3A_188 : memref<1x80x16xf32, #tpu.memory_space<vmem>> -> memref<80x16xf32, #tpu.memory_space<vmem>>
        %get3A_190 = arith.index_cast %add3A_178 : i32 to index
        %get3A_191 = arith.constant 0 : index
        %get3A_192 = tpu.vector_load %get3A_189[%get3A_190, %get3A_191] {strides = array<i32>} : memref<80x16xf32, #tpu.memory_space<vmem>>, vector<1x16xf32>,
        %get3A_193 = vector.shape_cast %get3A_192 : vector<1x16xf32> to vector<16xf32>
        %add3A_194 = arith.addf %get3A_185, %get3A_193 : vector<16xf32>
        %mul3A_195 = arith.constant 2.000000e-01 : f32
        %mul3A_196 = vector.broadcast %mul3A_195 : f32 to vector<16xf32>
        %mul3A_197 = arith.mulf %mul3A_196, %add3A_194 : vector<16xf32>
        %max3A = arith.maximumf %add3A_194, %mul3A_197 : vector<16xf32>
        %exp3A = math.exp %max3A : vector<16xf32>
        %swap3A = arith.constant 0 : i32
        %swap3A_198 = arith.constant 0 : i32
        %swap3A_199 = tpu.memref_slice %arg11[%scan3A_155, %swap3A, %swap3A_198] : memref<2x80x144xf32, #tpu.memory_space<vmem>> -> memref<1x80x144xf32, #tpu.memory_space<vmem>>
        %swap3A_200 = tpu.memref_squeeze %swap3A_199 : memref<1x80x144xf32, #tpu.memory_space<vmem>> -> memref<80x144xf32, #tpu.memory_space<vmem>>
        %swap3A_201 = arith.index_cast %add3A_178 : i32 to index
        %swap3A_202 = arith.constant 128 : index
        %swap3A_203 = tpu.vector_load %swap3A_200[%swap3A_201, %swap3A_202] {strides = array<i32>} : memref<80x144xf32, #tpu.memory_space<vmem>>, vector<1x16xf32>,
        %swap3A_204 = vector.shape_cast %swap3A_203 : vector<1x16xf32> to vector<16xf32>
        %swap3A_205 = vector.shape_cast %exp3A : vector<16xf32> to vector<1x16xf32>
        tpu.vector_store %swap3A_200[%swap3A_201, %swap3A_202], %swap3A_205 {strides = array<i32>} : memref<80x144xf32, #tpu.memory_space<vmem>>, vector<1x16xf32>,
        %broadcast_in_dim3A = arith.constant 0 : i32
        %broadcast_in_dim3A_206 = vector.broadcast %broadcast_in_dim3A : i32 to vector<16xi32>
        %broadcast_in_dim3A_207 = vector.shape_cast %broadcast_in_dim3A_206 : vector<16xi32> to vector<16x1xi32>
        %gather3A = vector.shape_cast %broadcast_in_dim3A_207 : vector<16x1xi32> to vector<16xi32>
        %gather3A_208 = tpu.dynamic_gather %exp3A[%gather3A] in [0] : vector<16xf32>, vector<16xi32> -> vector<16xf32>
        %get3A_209 = arith.constant 0 : i32
        %get3A_210 = arith.constant 0 : i32
        %get3A_211 = tpu.memref_slice %arg11[%scan3A_155, %get3A_209, %get3A_210] : memref<2x80x144xf32, #tpu.memory_space<vmem>> -> memref<1x80x144xf32, #tpu.memory_space<vmem>>
        %get3A_212 = tpu.memref_squeeze %get3A_211 : memref<1x80x144xf32, #tpu.memory_space<vmem>> -> memref<80x144xf32, #tpu.memory_space<vmem>>
        %get3A_213 = arith.index_cast %add3A_178 : i32 to index
        %get3A_214 = arith.constant 0 : index
        %get3A_215 = tpu.vector_load %get3A_212[%get3A_213, %get3A_214] {strides = array<i32>} : memref<80x144xf32, #tpu.memory_space<vmem>>, vector<1x16xf32>,
        %get3A_216 = vector.shape_cast %get3A_215 : vector<1x16xf32> to vector<16xf32>
        %mul3A_217 = arith.mulf %get3A_216, %gather3A_208 : vector<16xf32>
        %swap3A_218 = arith.constant 0 : i32
        %swap3A_219 = arith.constant 0 : i32
        %swap3A_220 = tpu.memref_slice %arg11[%scan3A_155, %swap3A_218, %swap3A_219] : memref<2x80x144xf32, #tpu.memory_space<vmem>> -> memref<1x80x144xf32, #tpu.memory_space<vmem>>
        %swap3A_221 = tpu.memref_squeeze %swap3A_220 : memref<1x80x144xf32, #tpu.memory_space<vmem>> -> memref<80x144xf32, #tpu.memory_space<vmem>>
        %swap3A_222 = arith.index_cast %add3A_178 : i32 to index
        %swap3A_223 = arith.constant 0 : index
        %swap3A_224 = tpu.vector_load %swap3A_221[%swap3A_222, %swap3A_223] {strides = array<i32>} : memref<80x144xf32, #tpu.memory_space<vmem>>, vector<1x16xf32>,
        %swap3A_225 = vector.shape_cast %swap3A_224 : vector<1x16xf32> to vector<16xf32>
        %swap3A_226 = vector.shape_cast %mul3A_217 : vector<16xf32> to vector<1x16xf32>
        tpu.vector_store %swap3A_221[%swap3A_222, %swap3A_223], %swap3A_226 {strides = array<i32>} : memref<80x144xf32, #tpu.memory_space<vmem>>, vector<1x16xf32>,
        %broadcast_in_dim3A_227 = arith.constant 1 : i32
        %broadcast_in_dim3A_228 = vector.broadcast %broadcast_in_dim3A_227 : i32 to vector<16xi32>
        %broadcast_in_dim3A_229 = vector.shape_cast %broadcast_in_dim3A_228 : vector<16xi32> to vector<16x1xi32>
        %gather3A_230 = vector.shape_cast %broadcast_in_dim3A_229 : vector<16x1xi32> to vector<16xi32>
        %gather3A_231 = tpu.dynamic_gather %exp3A[%gather3A_230] in [0] : vector<16xf32>, vector<16xi32> -> vector<16xf32>
        %get3A_232 = arith.constant 0 : i32
        %get3A_233 = arith.constant 0 : i32
        %get3A_234 = tpu.memref_slice %arg11[%scan3A_155, %get3A_232, %get3A_233] : memref<2x80x144xf32, #tpu.memory_space<vmem>> -> memref<1x80x144xf32, #tpu.memory_space<vmem>>
        %get3A_235 = tpu.memref_squeeze %get3A_234 : memref<1x80x144xf32, #tpu.memory_space<vmem>> -> memref<80x144xf32, #tpu.memory_space<vmem>>
        %get3A_236 = arith.index_cast %add3A_178 : i32 to index
        %get3A_237 = arith.constant 16 : index
        %get3A_238 = tpu.vector_load %get3A_235[%get3A_236, %get3A_237] {strides = array<i32>} : memref<80x144xf32, #tpu.memory_space<vmem>>, vector<1x16xf32>,
        %get3A_239 = vector.shape_cast %get3A_238 : vector<1x16xf32> to vector<16xf32>
        %mul3A_240 = arith.mulf %get3A_239, %gather3A_231 : vector<16xf32>
        %swap3A_241 = arith.constant 0 : i32
        %swap3A_242 = arith.constant 0 : i32
        %swap3A_243 = tpu.memref_slice %arg11[%scan3A_155, %swap3A_241, %swap3A_242] : memref<2x80x144xf32, #tpu.memory_space<vmem>> -> memref<1x80x144xf32, #tpu.memory_space<vmem>>
        %swap3A_244 = tpu.memref_squeeze %swap3A_243 : memref<1x80x144xf32, #tpu.memory_space<vmem>> -> memref<80x144xf32, #tpu.memory_space<vmem>>
        %swap3A_245 = arith.index_cast %add3A_178 : i32 to index
        %swap3A_246 = arith.constant 16 : index
        %swap3A_247 = tpu.vector_load %swap3A_244[%swap3A_245, %swap3A_246] {strides = array<i32>} : memref<80x144xf32, #tpu.memory_space<vmem>>, vector<1x16xf32>,
        %swap3A_248 = vector.shape_cast %swap3A_247 : vector<1x16xf32> to vector<16xf32>
        %swap3A_249 = vector.shape_cast %mul3A_240 : vector<16xf32> to vector<1x16xf32>
        tpu.vector_store %swap3A_244[%swap3A_245, %swap3A_246], %swap3A_249 {strides = array<i32>} : memref<80x144xf32, #tpu.memory_space<vmem>>, vector<1x16xf32>,
        %broadcast_in_dim3A_250 = arith.constant 2 : i32
        %broadcast_in_dim3A_251 = vector.broadcast %broadcast_in_dim3A_250 : i32 to vector<16xi32>
        %broadcast_in_dim3A_252 = vector.shape_cast %broadcast_in_dim3A_251 : vector<16xi32> to vector<16x1xi32>
        %gather3A_253 = vector.shape_cast %broadcast_in_dim3A_252 : vector<16x1xi32> to vector<16xi32>
        %gather3A_254 = tpu.dynamic_gather %exp3A[%gather3A_253] in [0] : vector<16xf32>, vector<16xi32> -> vector<16xf32>
        %get3A_255 = arith.constant 0 : i32
        %get3A_256 = arith.constant 0 : i32
        %get3A_257 = tpu.memref_slice %arg11[%scan3A_155, %get3A_255, %get3A_256] : memref<2x80x144xf32, #tpu.memory_space<vmem>> -> memref<1x80x144xf32, #tpu.memory_space<vmem>>
        %get3A_258 = tpu.memref_squeeze %get3A_257 : memref<1x80x144xf32, #tpu.memory_space<vmem>> -> memref<80x144xf32, #tpu.memory_space<vmem>>
        %get3A_259 = arith.index_cast %add3A_178 : i32 to index
        %get3A_260 = arith.constant 32 : index
        %get3A_261 = tpu.vector_load %get3A_258[%get3A_259, %get3A_260] {strides = array<i32>} : memref<80x144xf32, #tpu.memory_space<vmem>>, vector<1x16xf32>,
        %get3A_262 = vector.shape_cast %get3A_261 : vector<1x16xf32> to vector<16xf32>
        %mul3A_263 = arith.mulf %get3A_262, %gather3A_254 : vector<16xf32>
        %swap3A_264 = arith.constant 0 : i32
        %swap3A_265 = arith.constant 0 : i32
        %swap3A_266 = tpu.memref_slice %arg11[%scan3A_155, %swap3A_264, %swap3A_265] : memref<2x80x144xf32, #tpu.memory_space<vmem>> -> memref<1x80x144xf32, #tpu.memory_space<vmem>>
        %swap3A_267 = tpu.memref_squeeze %swap3A_266 : memref<1x80x144xf32, #tpu.memory_space<vmem>> -> memref<80x144xf32, #tpu.memory_space<vmem>>
        %swap3A_268 = arith.index_cast %add3A_178 : i32 to index
        %swap3A_269 = arith.constant 32 : index
        %swap3A_270 = tpu.vector_load %swap3A_267[%swap3A_268, %swap3A_269] {strides = array<i32>} : memref<80x144xf32, #tpu.memory_space<vmem>>, vector<1x16xf32>,
        %swap3A_271 = vector.shape_cast %swap3A_270 : vector<1x16xf32> to vector<16xf32>
        %swap3A_272 = vector.shape_cast %mul3A_263 : vector<16xf32> to vector<1x16xf32>
        tpu.vector_store %swap3A_267[%swap3A_268, %swap3A_269], %swap3A_272 {strides = array<i32>} : memref<80x144xf32, #tpu.memory_space<vmem>>, vector<1x16xf32>,
        %broadcast_in_dim3A_273 = arith.constant 3 : i32
        %broadcast_in_dim3A_274 = vector.broadcast %broadcast_in_dim3A_273 : i32 to vector<16xi32>
        %broadcast_in_dim3A_275 = vector.shape_cast %broadcast_in_dim3A_274 : vector<16xi32> to vector<16x1xi32>
        %gather3A_276 = vector.shape_cast %broadcast_in_dim3A_275 : vector<16x1xi32> to vector<16xi32>
        %gather3A_277 = tpu.dynamic_gather %exp3A[%gather3A_276] in [0] : vector<16xf32>, vector<16xi32> -> vector<16xf32>
        %get3A_278 = arith.constant 0 : i32
        %get3A_279 = arith.constant 0 : i32
        %get3A_280 = tpu.memref_slice %arg11[%scan3A_155, %get3A_278, %get3A_279] : memref<2x80x144xf32, #tpu.memory_space<vmem>> -> memref<1x80x144xf32, #tpu.memory_space<vmem>>
        %get3A_281 = tpu.memref_squeeze %get3A_280 : memref<1x80x144xf32, #tpu.memory_space<vmem>> -> memref<80x144xf32, #tpu.memory_space<vmem>>
        %get3A_282 = arith.index_cast %add3A_178 : i32 to index
        %get3A_283 = arith.constant 48 : index
        %get3A_284 = tpu.vector_load %get3A_281[%get3A_282, %get3A_283] {strides = array<i32>} : memref<80x144xf32, #tpu.memory_space<vmem>>, vector<1x16xf32>,
        %get3A_285 = vector.shape_cast %get3A_284 : vector<1x16xf32> to vector<16xf32>
        %mul3A_286 = arith.mulf %get3A_285, %gather3A_277 : vector<16xf32>
        %swap3A_287 = arith.constant 0 : i32
        %swap3A_288 = arith.constant 0 : i32
        %swap3A_289 = tpu.memref_slice %arg11[%scan3A_155, %swap3A_287, %swap3A_288] : memref<2x80x144xf32, #tpu.memory_space<vmem>> -> memref<1x80x144xf32, #tpu.memory_space<vmem>>
        %swap3A_290 = tpu.memref_squeeze %swap3A_289 : memref<1x80x144xf32, #tpu.memory_space<vmem>> -> memref<80x144xf32, #tpu.memory_space<vmem>>
        %swap3A_291 = arith.index_cast %add3A_178 : i32 to index
        %swap3A_292 = arith.constant 48 : index
        %swap3A_293 = tpu.vector_load %swap3A_290[%swap3A_291, %swap3A_292] {strides = array<i32>} : memref<80x144xf32, #tpu.memory_space<vmem>>, vector<1x16xf32>,
        %swap3A_294 = vector.shape_cast %swap3A_293 : vector<1x16xf32> to vector<16xf32>
        %swap3A_295 = vector.shape_cast %mul3A_286 : vector<16xf32> to vector<1x16xf32>
        tpu.vector_store %swap3A_290[%swap3A_291, %swap3A_292], %swap3A_295 {strides = array<i32>} : memref<80x144xf32, #tpu.memory_space<vmem>>, vector<1x16xf32>,
        %broadcast_in_dim3A_296 = arith.constant 4 : i32
        %broadcast_in_dim3A_297 = vector.broadcast %broadcast_in_dim3A_296 : i32 to vector<16xi32>
        %broadcast_in_dim3A_298 = vector.shape_cast %broadcast_in_dim3A_297 : vector<16xi32> to vector<16x1xi32>
        %gather3A_299 = vector.shape_cast %broadcast_in_dim3A_298 : vector<16x1xi32> to vector<16xi32>
        %gather3A_300 = tpu.dynamic_gather %exp3A[%gather3A_299] in [0] : vector<16xf32>, vector<16xi32> -> vector<16xf32>
        %get3A_301 = arith.constant 0 : i32
        %get3A_302 = arith.constant 0 : i32
        %get3A_303 = tpu.memref_slice %arg11[%scan3A_155, %get3A_301, %get3A_302] : memref<2x80x144xf32, #tpu.memory_space<vmem>> -> memref<1x80x144xf32, #tpu.memory_space<vmem>>
        %get3A_304 = tpu.memref_squeeze %get3A_303 : memref<1x80x144xf32, #tpu.memory_space<vmem>> -> memref<80x144xf32, #tpu.memory_space<vmem>>
        %get3A_305 = arith.index_cast %add3A_178 : i32 to index
        %get3A_306 = arith.constant 64 : index
        %get3A_307 = tpu.vector_load %get3A_304[%get3A_305, %get3A_306] {strides = array<i32>} : memref<80x144xf32, #tpu.memory_space<vmem>>, vector<1x16xf32>,
        %get3A_308 = vector.shape_cast %get3A_307 : vector<1x16xf32> to vector<16xf32>
        %mul3A_309 = arith.mulf %get3A_308, %gather3A_300 : vector<16xf32>
        %swap3A_310 = arith.constant 0 : i32
        %swap3A_311 = arith.constant 0 : i32
        %swap3A_312 = tpu.memref_slice %arg11[%scan3A_155, %swap3A_310, %swap3A_311] : memref<2x80x144xf32, #tpu.memory_space<vmem>> -> memref<1x80x144xf32, #tpu.memory_space<vmem>>
        %swap3A_313 = tpu.memref_squeeze %swap3A_312 : memref<1x80x144xf32, #tpu.memory_space<vmem>> -> memref<80x144xf32, #tpu.memory_space<vmem>>
        %swap3A_314 = arith.index_cast %add3A_178 : i32 to index
        %swap3A_315 = arith.constant 64 : index
        %swap3A_316 = tpu.vector_load %swap3A_313[%swap3A_314, %swap3A_315] {strides = array<i32>} : memref<80x144xf32, #tpu.memory_space<vmem>>, vector<1x16xf32>,
        %swap3A_317 = vector.shape_cast %swap3A_316 : vector<1x16xf32> to vector<16xf32>
        %swap3A_318 = vector.shape_cast %mul3A_309 : vector<16xf32> to vector<1x16xf32>
        tpu.vector_store %swap3A_313[%swap3A_314, %swap3A_315], %swap3A_318 {strides = array<i32>} : memref<80x144xf32, #tpu.memory_space<vmem>>, vector<1x16xf32>,
        %broadcast_in_dim3A_319 = arith.constant 5 : i32
        %broadcast_in_dim3A_320 = vector.broadcast %broadcast_in_dim3A_319 : i32 to vector<16xi32>
        %broadcast_in_dim3A_321 = vector.shape_cast %broadcast_in_dim3A_320 : vector<16xi32> to vector<16x1xi32>
        %gather3A_322 = vector.shape_cast %broadcast_in_dim3A_321 : vector<16x1xi32> to vector<16xi32>
        %gather3A_323 = tpu.dynamic_gather %exp3A[%gather3A_322] in [0] : vector<16xf32>, vector<16xi32> -> vector<16xf32>
        %get3A_324 = arith.constant 0 : i32
        %get3A_325 = arith.constant 0 : i32
        %get3A_326 = tpu.memref_slice %arg11[%scan3A_155, %get3A_324, %get3A_325] : memref<2x80x144xf32, #tpu.memory_space<vmem>> -> memref<1x80x144xf32, #tpu.memory_space<vmem>>
        %get3A_327 = tpu.memref_squeeze %get3A_326 : memref<1x80x144xf32, #tpu.memory_space<vmem>> -> memref<80x144xf32, #tpu.memory_space<vmem>>
        %get3A_328 = arith.index_cast %add3A_178 : i32 to index
        %get3A_329 = arith.constant 80 : index
        %get3A_330 = tpu.vector_load %get3A_327[%get3A_328, %get3A_329] {strides = array<i32>} : memref<80x144xf32, #tpu.memory_space<vmem>>, vector<1x16xf32>,
        %get3A_331 = vector.shape_cast %get3A_330 : vector<1x16xf32> to vector<16xf32>
        %mul3A_332 = arith.mulf %get3A_331, %gather3A_323 : vector<16xf32>
        %swap3A_333 = arith.constant 0 : i32
        %swap3A_334 = arith.constant 0 : i32
        %swap3A_335 = tpu.memref_slice %arg11[%scan3A_155, %swap3A_333, %swap3A_334] : memref<2x80x144xf32, #tpu.memory_space<vmem>> -> memref<1x80x144xf32, #tpu.memory_space<vmem>>
        %swap3A_336 = tpu.memref_squeeze %swap3A_335 : memref<1x80x144xf32, #tpu.memory_space<vmem>> -> memref<80x144xf32, #tpu.memory_space<vmem>>
        %swap3A_337 = arith.index_cast %add3A_178 : i32 to index
        %swap3A_338 = arith.constant 80 : index
        %swap3A_339 = tpu.vector_load %swap3A_336[%swap3A_337, %swap3A_338] {strides = array<i32>} : memref<80x144xf32, #tpu.memory_space<vmem>>, vector<1x16xf32>,
        %swap3A_340 = vector.shape_cast %swap3A_339 : vector<1x16xf32> to vector<16xf32>
        %swap3A_341 = vector.shape_cast %mul3A_332 : vector<16xf32> to vector<1x16xf32>
        tpu.vector_store %swap3A_336[%swap3A_337, %swap3A_338], %swap3A_341 {strides = array<i32>} : memref<80x144xf32, #tpu.memory_space<vmem>>, vector<1x16xf32>,
        %broadcast_in_dim3A_342 = arith.constant 6 : i32
        %broadcast_in_dim3A_343 = vector.broadcast %broadcast_in_dim3A_342 : i32 to vector<16xi32>
        %broadcast_in_dim3A_344 = vector.shape_cast %broadcast_in_dim3A_343 : vector<16xi32> to vector<16x1xi32>
        %gather3A_345 = vector.shape_cast %broadcast_in_dim3A_344 : vector<16x1xi32> to vector<16xi32>
        %gather3A_346 = tpu.dynamic_gather %exp3A[%gather3A_345] in [0] : vector<16xf32>, vector<16xi32> -> vector<16xf32>
        %get3A_347 = arith.constant 0 : i32
        %get3A_348 = arith.constant 0 : i32
        %get3A_349 = tpu.memref_slice %arg11[%scan3A_155, %get3A_347, %get3A_348] : memref<2x80x144xf32, #tpu.memory_space<vmem>> -> memref<1x80x144xf32, #tpu.memory_space<vmem>>
        %get3A_350 = tpu.memref_squeeze %get3A_349 : memref<1x80x144xf32, #tpu.memory_space<vmem>> -> memref<80x144xf32, #tpu.memory_space<vmem>>
        %get3A_351 = arith.index_cast %add3A_178 : i32 to index
        %get3A_352 = arith.constant 96 : index
        %get3A_353 = tpu.vector_load %get3A_350[%get3A_351, %get3A_352] {strides = array<i32>} : memref<80x144xf32, #tpu.memory_space<vmem>>, vector<1x16xf32>,
        %get3A_354 = vector.shape_cast %get3A_353 : vector<1x16xf32> to vector<16xf32>
        %mul3A_355 = arith.mulf %get3A_354, %gather3A_346 : vector<16xf32>
        %swap3A_356 = arith.constant 0 : i32
        %swap3A_357 = arith.constant 0 : i32
        %swap3A_358 = tpu.memref_slice %arg11[%scan3A_155, %swap3A_356, %swap3A_357] : memref<2x80x144xf32, #tpu.memory_space<vmem>> -> memref<1x80x144xf32, #tpu.memory_space<vmem>>
        %swap3A_359 = tpu.memref_squeeze %swap3A_358 : memref<1x80x144xf32, #tpu.memory_space<vmem>> -> memref<80x144xf32, #tpu.memory_space<vmem>>
        %swap3A_360 = arith.index_cast %add3A_178 : i32 to index
        %swap3A_361 = arith.constant 96 : index
        %swap3A_362 = tpu.vector_load %swap3A_359[%swap3A_360, %swap3A_361] {strides = array<i32>} : memref<80x144xf32, #tpu.memory_space<vmem>>, vector<1x16xf32>,
        %swap3A_363 = vector.shape_cast %swap3A_362 : vector<1x16xf32> to vector<16xf32>
        %swap3A_364 = vector.shape_cast %mul3A_355 : vector<16xf32> to vector<1x16xf32>
        tpu.vector_store %swap3A_359[%swap3A_360, %swap3A_361], %swap3A_364 {strides = array<i32>} : memref<80x144xf32, #tpu.memory_space<vmem>>, vector<1x16xf32>,
        %broadcast_in_dim3A_365 = arith.constant 7 : i32
        %broadcast_in_dim3A_366 = vector.broadcast %broadcast_in_dim3A_365 : i32 to vector<16xi32>
        %broadcast_in_dim3A_367 = vector.shape_cast %broadcast_in_dim3A_366 : vector<16xi32> to vector<16x1xi32>
        %gather3A_368 = vector.shape_cast %broadcast_in_dim3A_367 : vector<16x1xi32> to vector<16xi32>
        %gather3A_369 = tpu.dynamic_gather %exp3A[%gather3A_368] in [0] : vector<16xf32>, vector<16xi32> -> vector<16xf32>
        %get3A_370 = arith.constant 0 : i32
        %get3A_371 = arith.constant 0 : i32
        %get3A_372 = tpu.memref_slice %arg11[%scan3A_155, %get3A_370, %get3A_371] : memref<2x80x144xf32, #tpu.memory_space<vmem>> -> memref<1x80x144xf32, #tpu.memory_space<vmem>>
        %get3A_373 = tpu.memref_squeeze %get3A_372 : memref<1x80x144xf32, #tpu.memory_space<vmem>> -> memref<80x144xf32, #tpu.memory_space<vmem>>
        %get3A_374 = arith.index_cast %add3A_178 : i32 to index
        %get3A_375 = arith.constant 112 : index
        %get3A_376 = tpu.vector_load %get3A_373[%get3A_374, %get3A_375] {strides = array<i32>} : memref<80x144xf32, #tpu.memory_space<vmem>>, vector<1x16xf32>,
        %get3A_377 = vector.shape_cast %get3A_376 : vector<1x16xf32> to vector<16xf32>
        %mul3A_378 = arith.mulf %get3A_377, %gather3A_369 : vector<16xf32>
        %swap3A_379 = arith.constant 0 : i32
        %swap3A_380 = arith.constant 0 : i32
        %swap3A_381 = tpu.memref_slice %arg11[%scan3A_155, %swap3A_379, %swap3A_380] : memref<2x80x144xf32, #tpu.memory_space<vmem>> -> memref<1x80x144xf32, #tpu.memory_space<vmem>>
        %swap3A_382 = tpu.memref_squeeze %swap3A_381 : memref<1x80x144xf32, #tpu.memory_space<vmem>> -> memref<80x144xf32, #tpu.memory_space<vmem>>
        %swap3A_383 = arith.index_cast %add3A_178 : i32 to index
        %swap3A_384 = arith.constant 112 : index
        %swap3A_385 = tpu.vector_load %swap3A_382[%swap3A_383, %swap3A_384] {strides = array<i32>} : memref<80x144xf32, #tpu.memory_space<vmem>>, vector<1x16xf32>,
        %swap3A_386 = vector.shape_cast %swap3A_385 : vector<1x16xf32> to vector<16xf32>
        %swap3A_387 = vector.shape_cast %mul3A_378 : vector<16xf32> to vector<1x16xf32>
        tpu.vector_store %swap3A_382[%swap3A_383, %swap3A_384], %swap3A_387 {strides = array<i32>} : memref<80x144xf32, #tpu.memory_space<vmem>>, vector<1x16xf32>,
      }
      %scan3A_161 = arith.constant 80 : i32
      %dma_start3A_162 = arith.constant 1 : i32
      %dma_start3A_163 = arith.constant 1 : i32
      %dma_start3A_164 = arith.constant 0 : i32
      %dma_start3A_165 = arith.constant 0 : i32
      %dma_start3A_166 = tpu.memref_slice %arg11[%dma_start3A_162, %dma_start3A_164, %dma_start3A_165] : memref<2x80x144xf32, #tpu.memory_space<vmem>> -> memref<1x80x144xf32, #tpu.memory_space<vmem>>
      %dma_start3A_167 = tpu.memref_squeeze %dma_start3A_166 : memref<1x80x144xf32, #tpu.memory_space<vmem>> -> memref<80x144xf32, #tpu.memory_space<vmem>>
      %dma_start3A_168 = arith.constant 0 : i32
      %dma_start3A_169 = tpu.memref_slice %arg9[%dma_start3A_163, %dma_start3A_168] : memref<2x80xi32, #tpu.memory_space<vmem>> -> memref<1x80xi32, #tpu.memory_space<vmem>>
      %dma_start3A_170 = tpu.memref_squeeze %dma_start3A_169 : memref<1x80xi32, #tpu.memory_space<vmem>> -> memref<80xi32, #tpu.memory_space<vmem>>
      %dma_start3A_171 = arith.constant 0 : i32
      %dma_start3A_172 = arith.constant 0 : i32
      %dma_start3A_173 = tpu.memref_slice %arg12[%dma_start3A_171, %dma_start3A_172] : memref<10112x144xf32, #tpu.memory_space<vmem_shared>> -> memref<10112x144xf32, #tpu.memory_space<vmem_shared>>
      tpu.enqueue_indirect_dma source(%dma_start3A_167 : memref<80x144xf32, #tpu.memory_space<vmem>>) target(%dma_start3A_173 : memref<10112x144xf32, #tpu.memory_space<vmem_shared>>) offsets(%dma_start3A_170 : memref<80xi32, #tpu.memory_space<vmem>>) semaphore(%arg16 : memref<!tpu.dma_semaphore, #tpu.memory_space<semaphore_mem>>) {add = true}
    }
    %scan3A_36 = arith.constant 64 : i32
    %dma_wait3A = arith.constant 0 : i32
    %dma_wait3A_37 = arith.constant 0 : i32
    %dma_wait3A_38 = arith.constant 0 : i32
    %dma_wait3A_39 = arith.constant 0 : i32
    %dma_wait3A_40 = tpu.memref_slice %arg11[%dma_wait3A, %dma_wait3A_38, %dma_wait3A_39] : memref<2x80x144xf32, #tpu.memory_space<vmem>> -> memref<1x80x144xf32, #tpu.memory_space<vmem>>
    %dma_wait3A_41 = tpu.memref_squeeze %dma_wait3A_40 : memref<1x80x144xf32, #tpu.memory_space<vmem>> -> memref<80x144xf32, #tpu.memory_space<vmem>>
    %dma_wait3A_42 = arith.constant 0 : i32
    %dma_wait3A_43 = tpu.memref_slice %arg9[%dma_wait3A_37, %dma_wait3A_42] : memref<2x80xi32, #tpu.memory_space<vmem>> -> memref<1x80xi32, #tpu.memory_space<vmem>>
    %dma_wait3A_44 = tpu.memref_squeeze %dma_wait3A_43 : memref<1x80xi32, #tpu.memory_space<vmem>> -> memref<80xi32, #tpu.memory_space<vmem>>
    %dma_wait3A_45 = arith.constant 0 : i32
    %dma_wait3A_46 = arith.constant 0 : i32
    %dma_wait3A_47 = tpu.memref_slice %arg12[%dma_wait3A_45, %dma_wait3A_46] : memref<10112x144xf32, #tpu.memory_space<vmem_shared>> -> memref<10112x144xf32, #tpu.memory_space<vmem_shared>>
    tpu.wait_indirect_dma semaphore(%arg15 : memref<!tpu.dma_semaphore, #tpu.memory_space<semaphore_mem>>) src(%dma_wait3A_41 : memref<80x144xf32, #tpu.memory_space<vmem>>) dst(%dma_wait3A_47 : memref<10112x144xf32, #tpu.memory_space<vmem_shared>>)
    %dma_wait3A_48 = arith.constant 1 : i32
    %dma_wait3A_49 = arith.constant 1 : i32
    %dma_wait3A_50 = arith.constant 0 : i32
    %dma_wait3A_51 = arith.constant 0 : i32
    %dma_wait3A_52 = tpu.memref_slice %arg11[%dma_wait3A_48, %dma_wait3A_50, %dma_wait3A_51] : memref<2x80x144xf32, #tpu.memory_space<vmem>> -> memref<1x80x144xf32, #tpu.memory_space<vmem>>
    %dma_wait3A_53 = tpu.memref_squeeze %dma_wait3A_52 : memref<1x80x144xf32, #tpu.memory_space<vmem>> -> memref<80x144xf32, #tpu.memory_space<vmem>>
    %dma_wait3A_54 = arith.constant 0 : i32
    %dma_wait3A_55 = tpu.memref_slice %arg9[%dma_wait3A_49, %dma_wait3A_54] : memref<2x80xi32, #tpu.memory_space<vmem>> -> memref<1x80xi32, #tpu.memory_space<vmem>>
    %dma_wait3A_56 = tpu.memref_squeeze %dma_wait3A_55 : memref<1x80xi32, #tpu.memory_space<vmem>> -> memref<80xi32, #tpu.memory_space<vmem>>
    %dma_wait3A_57 = arith.constant 0 : i32
    %dma_wait3A_58 = arith.constant 0 : i32
    %dma_wait3A_59 = tpu.memref_slice %arg12[%dma_wait3A_57, %dma_wait3A_58] : memref<10112x144xf32, #tpu.memory_space<vmem_shared>> -> memref<10112x144xf32, #tpu.memory_space<vmem_shared>>
    tpu.wait_indirect_dma semaphore(%arg16 : memref<!tpu.dma_semaphore, #tpu.memory_space<semaphore_mem>>) src(%dma_wait3A_53 : memref<80x144xf32, #tpu.memory_space<vmem>>) dst(%dma_wait3A_59 : memref<10112x144xf32, #tpu.memory_space<vmem_shared>>)
    %barrier3A_60 = arith.constant 0 : index
    tpu.barrier barrier_id(%barrier3A_60)
    %mul3A_61 = arith.constant 10112 : i32
    %mul3A_62 = arith.muli %arg0, %mul3A_61 : i32
    %add3A_63 = arith.addi %mul3A_62, %mul3A_2 : i32
    "tpu.region"() ({
      %run_scoped3A = tpu.sem_alloc : memref<!tpu.dma_semaphore, #tpu.memory_space<semaphore_mem>>
      %dma_start3A_64 = arith.constant 0 : i32
      %dma_start3A_65 = tpu.memref_slice %arg6[%add3A_63, %dma_start3A_64] : memref<20224x144xf32, #tpu.memory_space<hbm>> -> memref<632x144xf32, #tpu.memory_space<hbm>>
      %dma_start3A_66 = arith.constant 0 : i32
      %dma_start3A_67 = tpu.memref_slice %arg12[%mul3A_2, %dma_start3A_66] : memref<10112x144xf32, #tpu.memory_space<vmem_shared>> -> memref<632x144xf32, #tpu.memory_space<vmem_shared>>
      tpu.enqueue_dma source(%dma_start3A_67 : memref<632x144xf32, #tpu.memory_space<vmem_shared>>) target(%dma_start3A_65 : memref<632x144xf32, #tpu.memory_space<hbm>>) target_semaphore(%run_scoped3A : memref<!tpu.dma_semaphore, #tpu.memory_space<semaphore_mem>>)
      %dma_wait3A_68 = arith.constant 0 : i32
      %dma_wait3A_69 = tpu.memref_slice %arg6[%add3A_63, %dma_wait3A_68] : memref<20224x144xf32, #tpu.memory_space<hbm>> -> memref<632x144xf32, #tpu.memory_space<hbm>>
      %dma_wait3A_70 = arith.constant 0 : i32
      %dma_wait3A_71 = tpu.memref_slice %arg12[%mul3A_2, %dma_wait3A_70] : memref<10112x144xf32, #tpu.memory_space<vmem_shared>> -> memref<632x144xf32, #tpu.memory_space<vmem_shared>>
      tpu.wait_dma2 semaphore(%run_scoped3A : memref<!tpu.dma_semaphore, #tpu.memory_space<semaphore_mem>>) src(%dma_wait3A_71 : memref<632x144xf32, #tpu.memory_space<vmem_shared>>) dst(%dma_wait3A_69 : memref<632x144xf32, #tpu.memory_space<hbm>>)
      tpu.yield
    }) : () -> ()
    return
  }
}

#map = affine_map<(d0, d1) -> (0, 0)>
#map1 = affine_map<(d0, d1) -> (0)>
module attributes {stable_mosaic.version = 14 : i64} {
  func.func @final_kernel(%arg0: i32, %arg1: i32, %arg2: memref<20224x80xf32, #tpu.memory_space<hbm>>, %arg3: memref<1024xi32, #tpu.memory_space<hbm>>, %arg4: memref<64xf32, #tpu.memory_space<hbm>>, %arg5: memref<1024x64xf32, #tpu.memory_space<hbm>>, %arg6: memref<32xi32, #tpu.memory_space<vmem>>, %arg7: memref<32xi32, #tpu.memory_space<vmem>>, %arg8: memref<32x80xf32, #tpu.memory_space<vmem>>, %arg9: memref<32x80xf32, #tpu.memory_space<vmem>>, %arg10: memref<32x64xf32, #tpu.memory_space<vmem>>, %arg11: memref<64xf32, #tpu.memory_space<vmem>>) attributes {dimension_semantics = [#tpu.dimension_semantics<core_parallel>, #tpu.dimension_semantics<subcore_parallel>], iteration_bounds = array<i64: 2, 16>, scalar_prefetch = 0 : i64, scratch_operands = 6 : i64, tpu.core_type = #tpu.core_type<sc_vector_subcore>, window_params = [{transform_indices = #map}, {transform_indices = #map1}, {transform_indices = #map1}, {transform_indices = #map}]} {
    %mul3A = arith.constant 16 : i32
    %mul3A_0 = arith.muli %arg0, %mul3A : i32
    %add3A = arith.addi %mul3A_0, %arg1 : i32
    %mul3A_1 = arith.constant 32 : i32
    %mul3A_2 = arith.muli %add3A, %mul3A_1 : i32
    "tpu.region"() ({
      %run_scoped3A = tpu.sem_alloc : memref<!tpu.dma_semaphore, #tpu.memory_space<semaphore_mem>>
      %dma_start3A = tpu.memref_slice %arg3[%mul3A_2] : memref<1024xi32, #tpu.memory_space<hbm>> -> memref<32xi32, #tpu.memory_space<hbm>>
      %dma_start3A_13 = tpu.memref_slice %arg3[%mul3A_2] : memref<1024xi32, #tpu.memory_space<hbm>> -> memref<32xi32, #tpu.memory_space<hbm>>
      tpu.enqueue_dma source(%dma_start3A_13 : memref<32xi32, #tpu.memory_space<hbm>>) target(%arg6 : memref<32xi32, #tpu.memory_space<vmem>>) target_semaphore(%run_scoped3A : memref<!tpu.dma_semaphore, #tpu.memory_space<semaphore_mem>>)
      %dma_wait3A = tpu.memref_slice %arg3[%mul3A_2] : memref<1024xi32, #tpu.memory_space<hbm>> -> memref<32xi32, #tpu.memory_space<hbm>>
      %dma_wait3A_14 = tpu.memref_slice %arg3[%mul3A_2] : memref<1024xi32, #tpu.memory_space<hbm>> -> memref<32xi32, #tpu.memory_space<hbm>>
      tpu.wait_dma2 semaphore(%run_scoped3A : memref<!tpu.dma_semaphore, #tpu.memory_space<semaphore_mem>>) src(%dma_wait3A_14 : memref<32xi32, #tpu.memory_space<hbm>>) dst(%arg6 : memref<32xi32, #tpu.memory_space<vmem>>)
      tpu.yield
    }) : () -> ()
    "tpu.region"() ({
      %run_scoped3A = tpu.sem_alloc : memref<!tpu.dma_semaphore, #tpu.memory_space<semaphore_mem>>
      tpu.enqueue_dma source(%arg4 : memref<64xf32, #tpu.memory_space<hbm>>) target(%arg11 : memref<64xf32, #tpu.memory_space<vmem>>) target_semaphore(%run_scoped3A : memref<!tpu.dma_semaphore, #tpu.memory_space<semaphore_mem>>)
      tpu.wait_dma2 semaphore(%run_scoped3A : memref<!tpu.dma_semaphore, #tpu.memory_space<semaphore_mem>>) src(%arg4 : memref<64xf32, #tpu.memory_space<hbm>>) dst(%arg11 : memref<64xf32, #tpu.memory_space<vmem>>)
      tpu.yield
    }) : () -> ()
    %scan3A = arith.constant 0 : i32
    %scan3A_3 = arith.constant 2 : i32
    %scan3A_4 = arith.addi %scan3A, %scan3A_3 : i32
    %scan3A_5 = arith.constant 1 : i32
    scf.for %scan3A_13 = %scan3A to %scan3A_4 step %scan3A_5  : i32 {
      %mul3A_14 = arith.constant 1 : i32
      %mul3A_15 = arith.muli %scan3A_13, %mul3A_14 : i32
      %add3A_16 = arith.constant 0 : i32
      %add3A_17 = arith.addi %add3A_16, %mul3A_15 : i32
      %mul3A_18 = arith.constant 16 : i32
      %mul3A_19 = arith.muli %add3A_17, %mul3A_18 : i32
      %get3A = arith.index_cast %mul3A_19 : i32 to index
      %get3A_20 = tpu.vector_load %arg6[%get3A] {strides = array<i32>} : memref<32xi32, #tpu.memory_space<vmem>>, vector<16xi32>,
      %get3A_21 = vector.shape_cast %get3A_20 : vector<16xi32> to vector<16xi32>
      %add3A_22 = arith.constant 10112 : i32
      %add3A_23 = vector.broadcast %add3A_22 : i32 to vector<16xi32>
      %add3A_24 = arith.addi %get3A_21, %add3A_23 : vector<16xi32>
      %mul3A_25 = arith.constant 16 : i32
      %mul3A_26 = arith.muli %add3A_17, %mul3A_25 : i32
      %swap3A = arith.index_cast %mul3A_26 : i32 to index
      %swap3A_27 = tpu.vector_load %arg7[%swap3A] {strides = array<i32>} : memref<32xi32, #tpu.memory_space<vmem>>, vector<16xi32>,
      %swap3A_28 = vector.shape_cast %swap3A_27 : vector<16xi32> to vector<16xi32>
      %swap3A_29 = vector.shape_cast %add3A_24 : vector<16xi32> to vector<16xi32>
      tpu.vector_store %arg7[%swap3A], %swap3A_29 {strides = array<i32>} : memref<32xi32, #tpu.memory_space<vmem>>, vector<16xi32>,
    }
    %scan3A_6 = arith.constant 2 : i32
    "tpu.region"() ({
      %run_scoped3A = tpu.sem_alloc : memref<!tpu.dma_semaphore, #tpu.memory_space<semaphore_mem>>
      %dma_start3A = arith.constant 0 : i32
      %dma_start3A_13 = arith.constant 0 : i32
      %dma_start3A_14 = tpu.memref_slice %arg2[%dma_start3A, %dma_start3A_13] : memref<20224x80xf32, #tpu.memory_space<hbm>> -> memref<20224x80xf32, #tpu.memory_space<hbm>>
      tpu.enqueue_indirect_dma source(%dma_start3A_14 : memref<20224x80xf32, #tpu.memory_space<hbm>>) target(%arg8 : memref<32x80xf32, #tpu.memory_space<vmem>>) offsets(%arg6 : memref<32xi32, #tpu.memory_space<vmem>>) semaphore(%run_scoped3A : memref<!tpu.dma_semaphore, #tpu.memory_space<semaphore_mem>>)
      %dma_wait3A = arith.constant 0 : i32
      %dma_wait3A_15 = arith.constant 0 : i32
      %dma_wait3A_16 = tpu.memref_slice %arg2[%dma_wait3A, %dma_wait3A_15] : memref<20224x80xf32, #tpu.memory_space<hbm>> -> memref<20224x80xf32, #tpu.memory_space<hbm>>
      tpu.wait_indirect_dma semaphore(%run_scoped3A : memref<!tpu.dma_semaphore, #tpu.memory_space<semaphore_mem>>) src(%dma_wait3A_16 : memref<20224x80xf32, #tpu.memory_space<hbm>>) dst(%arg8 : memref<32x80xf32, #tpu.memory_space<vmem>>)
      tpu.yield
    }) : () -> ()
    "tpu.region"() ({
      %run_scoped3A = tpu.sem_alloc : memref<!tpu.dma_semaphore, #tpu.memory_space<semaphore_mem>>
      %dma_start3A = arith.constant 0 : i32
      %dma_start3A_13 = arith.constant 0 : i32
      %dma_start3A_14 = tpu.memref_slice %arg2[%dma_start3A, %dma_start3A_13] : memref<20224x80xf32, #tpu.memory_space<hbm>> -> memref<20224x80xf32, #tpu.memory_space<hbm>>
      tpu.enqueue_indirect_dma source(%dma_start3A_14 : memref<20224x80xf32, #tpu.memory_space<hbm>>) target(%arg9 : memref<32x80xf32, #tpu.memory_space<vmem>>) offsets(%arg7 : memref<32xi32, #tpu.memory_space<vmem>>) semaphore(%run_scoped3A : memref<!tpu.dma_semaphore, #tpu.memory_space<semaphore_mem>>)
      %dma_wait3A = arith.constant 0 : i32
      %dma_wait3A_15 = arith.constant 0 : i32
      %dma_wait3A_16 = tpu.memref_slice %arg2[%dma_wait3A, %dma_wait3A_15] : memref<20224x80xf32, #tpu.memory_space<hbm>> -> memref<20224x80xf32, #tpu.memory_space<hbm>>
      tpu.wait_indirect_dma semaphore(%run_scoped3A : memref<!tpu.dma_semaphore, #tpu.memory_space<semaphore_mem>>) src(%dma_wait3A_16 : memref<20224x80xf32, #tpu.memory_space<hbm>>) dst(%arg9 : memref<32x80xf32, #tpu.memory_space<vmem>>)
      tpu.yield
    }) : () -> ()
    %broadcast_in_dim3A = arith.constant 0 : i32
    %broadcast_in_dim3A_7 = vector.broadcast %broadcast_in_dim3A : i32 to vector<16xi32>
    %scan3A_8 = arith.constant 0 : i32
    %scan3A_9 = arith.constant 32 : i32
    %scan3A_10 = arith.addi %scan3A_8, %scan3A_9 : i32
    %scan3A_11 = arith.constant 1 : i32
    scf.for %scan3A_13 = %scan3A_8 to %scan3A_10 step %scan3A_11  : i32 {
      %mul3A_14 = arith.constant 1 : i32
      %mul3A_15 = arith.muli %scan3A_13, %mul3A_14 : i32
      %add3A_16 = arith.constant 0 : i32
      %add3A_17 = arith.addi %add3A_16, %mul3A_15 : i32
      %get3A = arith.index_cast %add3A_17 : i32 to index
      %get3A_18 = arith.constant 64 : index
      %get3A_19 = tpu.vector_load %arg8[%get3A, %get3A_18] {strides = array<i32>} : memref<32x80xf32, #tpu.memory_space<vmem>>, vector<1x16xf32>,
      %get3A_20 = vector.shape_cast %get3A_19 : vector<1x16xf32> to vector<16xf32>
      %get3A_21 = arith.index_cast %add3A_17 : i32 to index
      %get3A_22 = arith.constant 64 : index
      %get3A_23 = tpu.vector_load %arg9[%get3A_21, %get3A_22] {strides = array<i32>} : memref<32x80xf32, #tpu.memory_space<vmem>>, vector<1x16xf32>,
      %get3A_24 = vector.shape_cast %get3A_23 : vector<1x16xf32> to vector<16xf32>
      %add3A_25 = arith.addf %get3A_20, %get3A_24 : vector<16xf32>
      %broadcast_in_dim3A_26 = vector.shape_cast %broadcast_in_dim3A_7 : vector<16xi32> to vector<16x1xi32>
      %gather3A = vector.shape_cast %broadcast_in_dim3A_26 : vector<16x1xi32> to vector<16xi32>
      %gather3A_27 = tpu.dynamic_gather %add3A_25[%gather3A] in [0] : vector<16xf32>, vector<16xi32> -> vector<16xf32>
      %add3A_28 = arith.constant 9.99999971E-10 : f32
      %add3A_29 = vector.broadcast %add3A_28 : f32 to vector<16xf32>
      %add3A_30 = arith.addf %gather3A_27, %add3A_29 : vector<16xf32>
      %get3A_31 = arith.index_cast %add3A_17 : i32 to index
      %get3A_32 = arith.constant 0 : index
      %get3A_33 = tpu.vector_load %arg8[%get3A_31, %get3A_32] {strides = array<i32>} : memref<32x80xf32, #tpu.memory_space<vmem>>, vector<1x16xf32>,
      %get3A_34 = vector.shape_cast %get3A_33 : vector<1x16xf32> to vector<16xf32>
      %get3A_35 = arith.index_cast %add3A_17 : i32 to index
      %get3A_36 = arith.constant 0 : index
      %get3A_37 = tpu.vector_load %arg9[%get3A_35, %get3A_36] {strides = array<i32>} : memref<32x80xf32, #tpu.memory_space<vmem>>, vector<1x16xf32>,
      %get3A_38 = vector.shape_cast %get3A_37 : vector<1x16xf32> to vector<16xf32>
      %add3A_39 = arith.addf %get3A_34, %get3A_38 : vector<16xf32>
      %div3A = arith.divf %add3A_39, %add3A_30 : vector<16xf32>
      %get3A_40 = arith.constant 0 : index
      %get3A_41 = tpu.vector_load %arg11[%get3A_40] {strides = array<i32>} : memref<64xf32, #tpu.memory_space<vmem>>, vector<16xf32>,
      %get3A_42 = vector.shape_cast %get3A_41 : vector<16xf32> to vector<16xf32>
      %add3A_43 = arith.addf %div3A, %get3A_42 : vector<16xf32>
      %swap3A = arith.index_cast %add3A_17 : i32 to index
      %swap3A_44 = arith.constant 0 : index
      %swap3A_45 = tpu.vector_load %arg10[%swap3A, %swap3A_44] {strides = array<i32>} : memref<32x64xf32, #tpu.memory_space<vmem>>, vector<1x16xf32>,
      %swap3A_46 = vector.shape_cast %swap3A_45 : vector<1x16xf32> to vector<16xf32>
      %swap3A_47 = vector.shape_cast %add3A_43 : vector<16xf32> to vector<1x16xf32>
      tpu.vector_store %arg10[%swap3A, %swap3A_44], %swap3A_47 {strides = array<i32>} : memref<32x64xf32, #tpu.memory_space<vmem>>, vector<1x16xf32>,
      %get3A_48 = arith.index_cast %add3A_17 : i32 to index
      %get3A_49 = arith.constant 16 : index
      %get3A_50 = tpu.vector_load %arg8[%get3A_48, %get3A_49] {strides = array<i32>} : memref<32x80xf32, #tpu.memory_space<vmem>>, vector<1x16xf32>,
      %get3A_51 = vector.shape_cast %get3A_50 : vector<1x16xf32> to vector<16xf32>
      %get3A_52 = arith.index_cast %add3A_17 : i32 to index
      %get3A_53 = arith.constant 16 : index
      %get3A_54 = tpu.vector_load %arg9[%get3A_52, %get3A_53] {strides = array<i32>} : memref<32x80xf32, #tpu.memory_space<vmem>>, vector<1x16xf32>,
      %get3A_55 = vector.shape_cast %get3A_54 : vector<1x16xf32> to vector<16xf32>
      %add3A_56 = arith.addf %get3A_51, %get3A_55 : vector<16xf32>
      %div3A_57 = arith.divf %add3A_56, %add3A_30 : vector<16xf32>
      %get3A_58 = arith.constant 16 : index
      %get3A_59 = tpu.vector_load %arg11[%get3A_58] {strides = array<i32>} : memref<64xf32, #tpu.memory_space<vmem>>, vector<16xf32>,
      %get3A_60 = vector.shape_cast %get3A_59 : vector<16xf32> to vector<16xf32>
      %add3A_61 = arith.addf %div3A_57, %get3A_60 : vector<16xf32>
      %swap3A_62 = arith.index_cast %add3A_17 : i32 to index
      %swap3A_63 = arith.constant 16 : index
      %swap3A_64 = tpu.vector_load %arg10[%swap3A_62, %swap3A_63] {strides = array<i32>} : memref<32x64xf32, #tpu.memory_space<vmem>>, vector<1x16xf32>,
      %swap3A_65 = vector.shape_cast %swap3A_64 : vector<1x16xf32> to vector<16xf32>
      %swap3A_66 = vector.shape_cast %add3A_61 : vector<16xf32> to vector<1x16xf32>
      tpu.vector_store %arg10[%swap3A_62, %swap3A_63], %swap3A_66 {strides = array<i32>} : memref<32x64xf32, #tpu.memory_space<vmem>>, vector<1x16xf32>,
      %get3A_67 = arith.index_cast %add3A_17 : i32 to index
      %get3A_68 = arith.constant 32 : index
      %get3A_69 = tpu.vector_load %arg8[%get3A_67, %get3A_68] {strides = array<i32>} : memref<32x80xf32, #tpu.memory_space<vmem>>, vector<1x16xf32>,
      %get3A_70 = vector.shape_cast %get3A_69 : vector<1x16xf32> to vector<16xf32>
      %get3A_71 = arith.index_cast %add3A_17 : i32 to index
      %get3A_72 = arith.constant 32 : index
      %get3A_73 = tpu.vector_load %arg9[%get3A_71, %get3A_72] {strides = array<i32>} : memref<32x80xf32, #tpu.memory_space<vmem>>, vector<1x16xf32>,
      %get3A_74 = vector.shape_cast %get3A_73 : vector<1x16xf32> to vector<16xf32>
      %add3A_75 = arith.addf %get3A_70, %get3A_74 : vector<16xf32>
      %div3A_76 = arith.divf %add3A_75, %add3A_30 : vector<16xf32>
      %get3A_77 = arith.constant 32 : index
      %get3A_78 = tpu.vector_load %arg11[%get3A_77] {strides = array<i32>} : memref<64xf32, #tpu.memory_space<vmem>>, vector<16xf32>,
      %get3A_79 = vector.shape_cast %get3A_78 : vector<16xf32> to vector<16xf32>
      %add3A_80 = arith.addf %div3A_76, %get3A_79 : vector<16xf32>
      %swap3A_81 = arith.index_cast %add3A_17 : i32 to index
      %swap3A_82 = arith.constant 32 : index
      %swap3A_83 = tpu.vector_load %arg10[%swap3A_81, %swap3A_82] {strides = array<i32>} : memref<32x64xf32, #tpu.memory_space<vmem>>, vector<1x16xf32>,
      %swap3A_84 = vector.shape_cast %swap3A_83 : vector<1x16xf32> to vector<16xf32>
      %swap3A_85 = vector.shape_cast %add3A_80 : vector<16xf32> to vector<1x16xf32>
      tpu.vector_store %arg10[%swap3A_81, %swap3A_82], %swap3A_85 {strides = array<i32>} : memref<32x64xf32, #tpu.memory_space<vmem>>, vector<1x16xf32>,
      %get3A_86 = arith.index_cast %add3A_17 : i32 to index
      %get3A_87 = arith.constant 48 : index
      %get3A_88 = tpu.vector_load %arg8[%get3A_86, %get3A_87] {strides = array<i32>} : memref<32x80xf32, #tpu.memory_space<vmem>>, vector<1x16xf32>,
      %get3A_89 = vector.shape_cast %get3A_88 : vector<1x16xf32> to vector<16xf32>
      %get3A_90 = arith.index_cast %add3A_17 : i32 to index
      %get3A_91 = arith.constant 48 : index
      %get3A_92 = tpu.vector_load %arg9[%get3A_90, %get3A_91] {strides = array<i32>} : memref<32x80xf32, #tpu.memory_space<vmem>>, vector<1x16xf32>,
      %get3A_93 = vector.shape_cast %get3A_92 : vector<1x16xf32> to vector<16xf32>
      %add3A_94 = arith.addf %get3A_89, %get3A_93 : vector<16xf32>
      %div3A_95 = arith.divf %add3A_94, %add3A_30 : vector<16xf32>
      %get3A_96 = arith.constant 48 : index
      %get3A_97 = tpu.vector_load %arg11[%get3A_96] {strides = array<i32>} : memref<64xf32, #tpu.memory_space<vmem>>, vector<16xf32>,
      %get3A_98 = vector.shape_cast %get3A_97 : vector<16xf32> to vector<16xf32>
      %add3A_99 = arith.addf %div3A_95, %get3A_98 : vector<16xf32>
      %swap3A_100 = arith.index_cast %add3A_17 : i32 to index
      %swap3A_101 = arith.constant 48 : index
      %swap3A_102 = tpu.vector_load %arg10[%swap3A_100, %swap3A_101] {strides = array<i32>} : memref<32x64xf32, #tpu.memory_space<vmem>>, vector<1x16xf32>,
      %swap3A_103 = vector.shape_cast %swap3A_102 : vector<1x16xf32> to vector<16xf32>
      %swap3A_104 = vector.shape_cast %add3A_99 : vector<16xf32> to vector<1x16xf32>
      tpu.vector_store %arg10[%swap3A_100, %swap3A_101], %swap3A_104 {strides = array<i32>} : memref<32x64xf32, #tpu.memory_space<vmem>>, vector<1x16xf32>,
    }
    %scan3A_12 = arith.constant 32 : i32
    "tpu.region"() ({
      %run_scoped3A = tpu.sem_alloc : memref<!tpu.dma_semaphore, #tpu.memory_space<semaphore_mem>>
      %dma_start3A = arith.constant 0 : i32
      %dma_start3A_13 = tpu.memref_slice %arg5[%mul3A_2, %dma_start3A] : memref<1024x64xf32, #tpu.memory_space<hbm>> -> memref<32x64xf32, #tpu.memory_space<hbm>>
      %dma_start3A_14 = arith.constant 0 : i32
      %dma_start3A_15 = tpu.memref_slice %arg5[%mul3A_2, %dma_start3A_14] : memref<1024x64xf32, #tpu.memory_space<hbm>> -> memref<32x64xf32, #tpu.memory_space<hbm>>
      tpu.enqueue_dma source(%arg10 : memref<32x64xf32, #tpu.memory_space<vmem>>) target(%dma_start3A_15 : memref<32x64xf32, #tpu.memory_space<hbm>>) target_semaphore(%run_scoped3A : memref<!tpu.dma_semaphore, #tpu.memory_space<semaphore_mem>>)
      %dma_wait3A = arith.constant 0 : i32
      %dma_wait3A_16 = tpu.memref_slice %arg5[%mul3A_2, %dma_wait3A] : memref<1024x64xf32, #tpu.memory_space<hbm>> -> memref<32x64xf32, #tpu.memory_space<hbm>>
      %dma_wait3A_17 = arith.constant 0 : i32
      %dma_wait3A_18 = tpu.memref_slice %arg5[%mul3A_2, %dma_wait3A_17] : memref<1024x64xf32, #tpu.memory_space<hbm>> -> memref<32x64xf32, #tpu.memory_space<hbm>>
      tpu.wait_dma2 semaphore(%run_scoped3A : memref<!tpu.dma_semaphore, #tpu.memory_space<semaphore_mem>>) src(%arg10 : memref<32x64xf32, #tpu.memory_space<vmem>>) dst(%dma_wait3A_18 : memref<32x64xf32, #tpu.memory_space<hbm>>)
      tpu.yield
    }) : () -> ()
    return
  }
}

module attributes {stable_mosaic.version = 14 : i64} {
  func.func @_tc1_body(%arg0: i32, %arg1: memref<1000x128xf32, #tpu.memory_space<vmem>>, %arg2: memref<128x128xf32, #tpu.memory_space<vmem>>, %arg3: memref<128x16xf32, #tpu.memory_space<vmem>>, %arg4: memref<128x16xf32, #tpu.memory_space<vmem>>, %arg5: memref<1000x144xf32, #tpu.memory_space<vmem>>, %arg6: memref<1000x16xf32, #tpu.memory_space<vmem>>) attributes {dimension_semantics = [#tpu.dimension_semantics<arbitrary>], iteration_bounds = array<i64: 10>, scalar_prefetch = 0 : i64, scratch_operands = 0 : i64, tpu.core_type = #tpu.core_type<tc>, window_params = [{transform_indices = @transform_0, window_bounds = array<i64: 1000, 128>}, {pipeline_mode = #tpu.pipeline_mode<synchronous>, transform_indices = @transform_1, window_bounds = array<i64: 128, 128>}, {pipeline_mode = #tpu.pipeline_mode<synchronous>, transform_indices = @transform_2, window_bounds = array<i64: 128, 16>}, {pipeline_mode = #tpu.pipeline_mode<synchronous>, transform_indices = @transform_3, window_bounds = array<i64: 128, 16>}, {transform_indices = @transform_4, window_bounds = array<i64: 1000, 144>}, {transform_indices = @transform_5, window_bounds = array<i64: 1000, 16>}]} {
    %get3A = arith.constant 0 : index
    %get3A_0 = arith.constant 0 : index
    %get3A_1 = vector.load %arg1[%get3A, %get3A_0] : memref<1000x128xf32, #tpu.memory_space<vmem>>, vector<1000x128xf32>
    %get3A_2 = arith.constant 0 : index
    %get3A_3 = arith.constant 0 : index
    %get3A_4 = vector.load %arg2[%get3A_2, %get3A_3] : memref<128x128xf32, #tpu.memory_space<vmem>>, vector<128x128xf32>
    %dot_general3A = arith.constant dense<0.000000e+00> : vector<1000x128xf32>
    %dot_general3A_5 = tpu.matmul %get3A_1, %get3A_4, %dot_general3A {dimension_numbers = #tpu.dot_dimension_numbers<[1], [0], [0], [1], [0, 0, 1, 1], [], []>, transpose_lhs_hint = false} : vector<1000x128xf32>, vector<128x128xf32>, vector<1000x128xf32> -> vector<1000x128xf32>
    %swap3A = arith.constant 0 : index
    %swap3A_6 = arith.constant 0 : index
    %swap3A_7 = vector.load %arg5[%swap3A, %swap3A_6] : memref<1000x144xf32, #tpu.memory_space<vmem>>, vector<1000x128xf32>
    tpu.vector_store %arg5[%swap3A, %swap3A_6], %dot_general3A_5 {strides = array<i32>} : memref<1000x144xf32, #tpu.memory_space<vmem>>, vector<1000x128xf32>,
    %get3A_8 = arith.constant 0 : index
    %get3A_9 = arith.constant 0 : index
    %get3A_10 = vector.load %arg3[%get3A_8, %get3A_9] : memref<128x16xf32, #tpu.memory_space<vmem>>, vector<128x16xf32>
    %dot_general3A_11 = arith.constant dense<0.000000e+00> : vector<1000x16xf32>
    %dot_general3A_12 = tpu.matmul %dot_general3A_5, %get3A_10, %dot_general3A_11 {dimension_numbers = #tpu.dot_dimension_numbers<[1], [0], [0], [1], [0, 0, 1, 1], [], []>, transpose_lhs_hint = false} : vector<1000x128xf32>, vector<128x16xf32>, vector<1000x16xf32> -> vector<1000x16xf32>
    %swap3A_13 = arith.constant 0 : index
    %swap3A_14 = arith.constant 128 : index
    %swap3A_15 = vector.load %arg5[%swap3A_13, %swap3A_14] : memref<1000x144xf32, #tpu.memory_space<vmem>>, vector<1000x16xf32>
    tpu.vector_store %arg5[%swap3A_13, %swap3A_14], %dot_general3A_12 {strides = array<i32>} : memref<1000x144xf32, #tpu.memory_space<vmem>>, vector<1000x16xf32>,
    %get3A_16 = arith.constant 0 : index
    %get3A_17 = arith.constant 0 : index
    %get3A_18 = vector.load %arg4[%get3A_16, %get3A_17] : memref<128x16xf32, #tpu.memory_space<vmem>>, vector<128x16xf32>
    %dot_general3A_19 = arith.constant dense<0.000000e+00> : vector<1000x16xf32>
    %dot_general3A_20 = tpu.matmul %dot_general3A_5, %get3A_18, %dot_general3A_19 {dimension_numbers = #tpu.dot_dimension_numbers<[1], [0], [0], [1], [0, 0, 1, 1], [], []>, transpose_lhs_hint = false} : vector<1000x128xf32>, vector<128x16xf32>, vector<1000x16xf32> -> vector<1000x16xf32>
    %swap3A_21 = arith.constant 0 : index
    %swap3A_22 = arith.constant 0 : index
    %swap3A_23 = vector.load %arg6[%swap3A_21, %swap3A_22] : memref<1000x16xf32, #tpu.memory_space<vmem>>, vector<1000x16xf32>
    tpu.vector_store %arg6[%swap3A_21, %swap3A_22], %dot_general3A_20 {strides = array<i32>} : memref<1000x16xf32, #tpu.memory_space<vmem>>, vector<1000x16xf32>,
    return
  }
  func.func @transform_0(%arg0: i32) -> (i32, i32) {
    %c0_i32 = arith.constant 0 : i32
    %c0_i32_0 = arith.constant 0 : i32
    return %arg0, %c0_i32 : i32, i32
  }
  func.func @transform_1(%arg0: i32) -> (i32, i32) {
    %c0_i32 = arith.constant 0 : i32
    %c0_i32_0 = arith.constant 0 : i32
    %c0_i32_1 = arith.constant 0 : i32
    return %c0_i32, %c0_i32_0 : i32, i32
  }
  func.func @transform_2(%arg0: i32) -> (i32, i32) {
    %c0_i32 = arith.constant 0 : i32
    %c0_i32_0 = arith.constant 0 : i32
    %c0_i32_1 = arith.constant 0 : i32
    return %c0_i32, %c0_i32_0 : i32, i32
  }
  func.func @transform_3(%arg0: i32) -> (i32, i32) {
    %c0_i32 = arith.constant 0 : i32
    %c0_i32_0 = arith.constant 0 : i32
    %c0_i32_1 = arith.constant 0 : i32
    return %c0_i32, %c0_i32_0 : i32, i32
  }
  func.func @transform_4(%arg0: i32) -> (i32, i32) {
    %c0_i32 = arith.constant 0 : i32
    %c0_i32_0 = arith.constant 0 : i32
    return %arg0, %c0_i32 : i32, i32
  }
  func.func @transform_5(%arg0: i32) -> (i32, i32) {
    %c0_i32 = arith.constant 0 : i32
    %c0_i32_0 = arith.constant 0 : i32
    return %arg0, %c0_i32 : i32, i32
  }
}

module attributes {stable_mosaic.version = 14 : i64} {
  func.func @_tc2_body(%arg0: i32, %arg1: memref<1000x144xf32, #tpu.memory_space<vmem>>, %arg2: memref<1000x144xf32, #tpu.memory_space<vmem>>, %arg3: memref<16x128xf32, #tpu.memory_space<vmem>>, %arg4: memref<1x128xf32, #tpu.memory_space<vmem>>, %arg5: memref<128x64xf32, #tpu.memory_space<vmem>>, %arg6: memref<64x16xf32, #tpu.memory_space<vmem>>, %arg7: memref<64x16xf32, #tpu.memory_space<vmem>>, %arg8: memref<1000x80xf32, #tpu.memory_space<vmem>>, %arg9: memref<1000x16xf32, #tpu.memory_space<vmem>>) attributes {dimension_semantics = [#tpu.dimension_semantics<arbitrary>], iteration_bounds = array<i64: 10>, scalar_prefetch = 0 : i64, scratch_operands = 0 : i64, tpu.core_type = #tpu.core_type<tc>, window_params = [{transform_indices = @transform_0, window_bounds = array<i64: 1000, 144>}, {transform_indices = @transform_1, window_bounds = array<i64: 1000, 144>}, {pipeline_mode = #tpu.pipeline_mode<synchronous>, transform_indices = @transform_2, window_bounds = array<i64: 16, 128>}, {pipeline_mode = #tpu.pipeline_mode<synchronous>, transform_indices = @transform_3, window_bounds = array<i64: 1, 128>}, {pipeline_mode = #tpu.pipeline_mode<synchronous>, transform_indices = @transform_4, window_bounds = array<i64: 128, 64>}, {pipeline_mode = #tpu.pipeline_mode<synchronous>, transform_indices = @transform_5, window_bounds = array<i64: 64, 16>}, {pipeline_mode = #tpu.pipeline_mode<synchronous>, transform_indices = @transform_6, window_bounds = array<i64: 64, 16>}, {transform_indices = @transform_7, window_bounds = array<i64: 1000, 80>}, {transform_indices = @transform_8, window_bounds = array<i64: 1000, 16>}]} {
    %get3A = arith.constant 0 : index
    %get3A_0 = arith.constant 0 : index
    %get3A_1 = vector.load %arg1[%get3A, %get3A_0] : memref<1000x144xf32, #tpu.memory_space<vmem>>, vector<1000x144xf32>
    %get3A_2 = arith.constant 0 : index
    %get3A_3 = arith.constant 0 : index
    %get3A_4 = vector.load %arg2[%get3A_2, %get3A_3] : memref<1000x144xf32, #tpu.memory_space<vmem>>, vector<1000x144xf32>
    %add3A = arith.addf %get3A_1, %get3A_4 : vector<1000x144xf32>
    %slice3A = vector.extract_strided_slice %add3A {offsets = [0, 128], sizes = [1000, 16], strides = [1, 1]} : vector<1000x144xf32> to vector<1000x16xf32>
    %get3A_5 = arith.constant 0 : index
    %get3A_6 = arith.constant 0 : index
    %get3A_7 = vector.load %arg3[%get3A_5, %get3A_6] : memref<16x128xf32, #tpu.memory_space<vmem>>, vector<16x128xf32>
    %dot_general3A = arith.constant dense<0.000000e+00> : vector<1000x128xf32>
    %dot_general3A_8 = tpu.matmul %slice3A, %get3A_7, %dot_general3A {dimension_numbers = #tpu.dot_dimension_numbers<[1], [0], [0], [1], [0, 0, 1, 1], [], []>, transpose_lhs_hint = false} : vector<1000x16xf32>, vector<16x128xf32>, vector<1000x128xf32> -> vector<1000x128xf32>
    %slice3A_9 = vector.extract_strided_slice %add3A {offsets = [0, 0], sizes = [1000, 128], strides = [1, 1]} : vector<1000x144xf32> to vector<1000x128xf32>
    %add3A_10 = arith.constant 9.99999971E-10 : f32
    %add3A_11 = vector.broadcast %add3A_10 : f32 to vector<1000x128xf32>
    %add3A_12 = arith.addf %dot_general3A_8, %add3A_11 : vector<1000x128xf32>
    %div3A = arith.divf %slice3A_9, %add3A_12 : vector<1000x128xf32>
    %get3A_13 = arith.constant 0 : index
    %get3A_14 = arith.constant 0 : index
    %get3A_15 = vector.load %arg4[%get3A_13, %get3A_14] : memref<1x128xf32, #tpu.memory_space<vmem>>, vector<1x128xf32>
    %add3A_16 = vector.broadcast %get3A_15 : vector<1x128xf32> to vector<1000x128xf32>
    %add3A_17 = arith.addf %div3A, %add3A_16 : vector<1000x128xf32>
    %gt3A = arith.constant 0.000000e+00 : f32
    %gt3A_18 = vector.broadcast %gt3A : f32 to vector<1000x128xf32>
    %gt3A_19 = arith.cmpf ogt, %add3A_17, %gt3A_18 : vector<1000x128xf32>
    %min3A = arith.constant 0.000000e+00 : f32
    %min3A_20 = vector.broadcast %min3A : f32 to vector<1000x128xf32>
    %min3A_21 = arith.minimumf %add3A_17, %min3A_20 : vector<1000x128xf32>
    %exp3A = math.exp %min3A_21 : vector<1000x128xf32>
    %sub3A = arith.constant 1.000000e+00 : f32
    %sub3A_22 = vector.broadcast %sub3A : f32 to vector<1000x128xf32>
    %sub3A_23 = arith.subf %exp3A, %sub3A_22 : vector<1000x128xf32>
    %select_n3A = arith.select %gt3A_19, %add3A_17, %sub3A_23 : vector<1000x128xi1>, vector<1000x128xf32>
    %get3A_24 = arith.constant 0 : index
    %get3A_25 = arith.constant 0 : index
    %get3A_26 = vector.load %arg5[%get3A_24, %get3A_25] : memref<128x64xf32, #tpu.memory_space<vmem>>, vector<128x64xf32>
    %dot_general3A_27 = arith.constant dense<0.000000e+00> : vector<1000x64xf32>
    %dot_general3A_28 = tpu.matmul %select_n3A, %get3A_26, %dot_general3A_27 {dimension_numbers = #tpu.dot_dimension_numbers<[1], [0], [0], [1], [0, 0, 1, 1], [], []>, transpose_lhs_hint = false} : vector<1000x128xf32>, vector<128x64xf32>, vector<1000x64xf32> -> vector<1000x64xf32>
    %swap3A = arith.constant 0 : index
    %swap3A_29 = arith.constant 0 : index
    %swap3A_30 = vector.load %arg8[%swap3A, %swap3A_29] : memref<1000x80xf32, #tpu.memory_space<vmem>>, vector<1000x64xf32>
    tpu.vector_store %arg8[%swap3A, %swap3A_29], %dot_general3A_28 {strides = array<i32>} : memref<1000x80xf32, #tpu.memory_space<vmem>>, vector<1000x64xf32>,
    %get3A_31 = arith.constant 0 : index
    %get3A_32 = arith.constant 0 : index
    %get3A_33 = vector.load %arg6[%get3A_31, %get3A_32] : memref<64x16xf32, #tpu.memory_space<vmem>>, vector<64x16xf32>
    %dot_general3A_34 = arith.constant dense<0.000000e+00> : vector<1000x16xf32>
    %dot_general3A_35 = tpu.matmul %dot_general3A_28, %get3A_33, %dot_general3A_34 {dimension_numbers = #tpu.dot_dimension_numbers<[1], [0], [0], [1], [0, 0, 1, 1], [], []>, transpose_lhs_hint = false} : vector<1000x64xf32>, vector<64x16xf32>, vector<1000x16xf32> -> vector<1000x16xf32>
    %swap3A_36 = arith.constant 0 : index
    %swap3A_37 = arith.constant 64 : index
    %swap3A_38 = vector.load %arg8[%swap3A_36, %swap3A_37] : memref<1000x80xf32, #tpu.memory_space<vmem>>, vector<1000x16xf32>
    tpu.vector_store %arg8[%swap3A_36, %swap3A_37], %dot_general3A_35 {strides = array<i32>} : memref<1000x80xf32, #tpu.memory_space<vmem>>, vector<1000x16xf32>,
    %get3A_39 = arith.constant 0 : index
    %get3A_40 = arith.constant 0 : index
    %get3A_41 = vector.load %arg7[%get3A_39, %get3A_40] : memref<64x16xf32, #tpu.memory_space<vmem>>, vector<64x16xf32>
    %dot_general3A_42 = arith.constant dense<0.000000e+00> : vector<1000x16xf32>
    %dot_general3A_43 = tpu.matmul %dot_general3A_28, %get3A_41, %dot_general3A_42 {dimension_numbers = #tpu.dot_dimension_numbers<[1], [0], [0], [1], [0, 0, 1, 1], [], []>, transpose_lhs_hint = false} : vector<1000x64xf32>, vector<64x16xf32>, vector<1000x16xf32> -> vector<1000x16xf32>
    %swap3A_44 = arith.constant 0 : index
    %swap3A_45 = arith.constant 0 : index
    %swap3A_46 = vector.load %arg9[%swap3A_44, %swap3A_45] : memref<1000x16xf32, #tpu.memory_space<vmem>>, vector<1000x16xf32>
    tpu.vector_store %arg9[%swap3A_44, %swap3A_45], %dot_general3A_43 {strides = array<i32>} : memref<1000x16xf32, #tpu.memory_space<vmem>>, vector<1000x16xf32>,
    return
  }
  func.func @transform_0(%arg0: i32) -> (i32, i32) {
    %c0_i32 = arith.constant 0 : i32
    %c0_i32_0 = arith.constant 0 : i32
    return %arg0, %c0_i32 : i32, i32
  }
  func.func @transform_1(%arg0: i32) -> (i32, i32) {
    %c0_i32 = arith.constant 0 : i32
    %c0_i32_0 = arith.constant 0 : i32
    return %arg0, %c0_i32 : i32, i32
  }
  func.func @transform_2(%arg0: i32) -> (i32, i32) {
    %c0_i32 = arith.constant 0 : i32
    %c0_i32_0 = arith.constant 0 : i32
    %c0_i32_1 = arith.constant 0 : i32
    return %c0_i32, %c0_i32_0 : i32, i32
  }
  func.func @transform_3(%arg0: i32) -> (i32, i32) {
    %c0_i32 = arith.constant 0 : i32
    %c0_i32_0 = arith.constant 0 : i32
    %c0_i32_1 = arith.constant 0 : i32
    return %c0_i32, %c0_i32_0 : i32, i32
  }
  func.func @transform_4(%arg0: i32) -> (i32, i32) {
    %c0_i32 = arith.constant 0 : i32
    %c0_i32_0 = arith.constant 0 : i32
    %c0_i32_1 = arith.constant 0 : i32
    return %c0_i32, %c0_i32_0 : i32, i32
  }
  func.func @transform_5(%arg0: i32) -> (i32, i32) {
    %c0_i32 = arith.constant 0 : i32
    %c0_i32_0 = arith.constant 0 : i32
    %c0_i32_1 = arith.constant 0 : i32
    return %c0_i32, %c0_i32_0 : i32, i32
  }
  func.func @transform_6(%arg0: i32) -> (i32, i32) {
    %c0_i32 = arith.constant 0 : i32
    %c0_i32_0 = arith.constant 0 : i32
    %c0_i32_1 = arith.constant 0 : i32
    return %c0_i32, %c0_i32_0 : i32, i32
  }
  func.func @transform_7(%arg0: i32) -> (i32, i32) {
    %c0_i32 = arith.constant 0 : i32
    %c0_i32_0 = arith.constant 0 : i32
    return %arg0, %c0_i32 : i32, i32
  }
  func.func @transform_8(%arg0: i32) -> (i32, i32) {
    %c0_i32 = arith.constant 0 : i32
    %c0_i32_0 = arith.constant 0 : i32
    return %arg0, %c0_i32 : i32, i32
  }
}

</mosaic_0001>

<sc_bundles>
// kernel: kernel.10.cloned.1.call-start
scs
__scs_entry_jumppad:
0x0: {  	(pc) =	sbr.rel $0x88, $3  }
0x1: {  	(tag) =	ssettag $0x0;
	lr =	simm.s32 $0x1  }
0x2: {  	[smem:$0x3F96] =	sst lr;
	_ =	strace $0xD0000000  }
0x3: {  	_ = 	snop  }
0x4: {  	_ = 	snop  }
0x5: {  	_ = 	snop  }
0x6: {  	_ = 	snop  }
0x7: {  	_ = 	snop  }
__scs_overlays_trampoline_lowered:
0x8: {  	[smem:$0x3FA5] =	sst s0  }
0x9: {  	[smem:$0x3FA6] =	sst s1  }
0xa: {  	[smem:$0x3FA7] =	sst s2  }
0xb: {  	[smem:$0x3FA8] =	sst s3  }
0xc: {  	[smem:$0x3FA9] =	sst s4  }
0xd: {  	[smem:$0x3FAA] =	sst s5  }
0xe: {  	[smem:$0x3FAB] =	sst s6  }
0xf: {  	[smem:$0x3FAC] =	sst s7  }
0x10: {  	[smem:$0x3FAD] =	sst s8  }
0x11: {  	[smem:$0x3FAE] =	sst s9;
	s0 =	simm.s32 @!p0 $0x0  }
0x12: {  	s1 =	sld [smem:$0x3F94];
	s0 =	simm.s32 @p0 $0x1  }
0x13: {  	[smem:$0x3FAF] =	sst s0;
	s0 =	simm.s32 @!p1 $0x0  }
0x14: {  	s2 =	sld [smem:$0x3F93];
	s0 =	simm.s32 @p1 $0x1  }
0x15: {  	[smem:$0x3FB0] =	sst s0;
	s0 =	simm.s32 @!p2 $0x0  }
0x16: {  	s3 =	sld [smem:$0x3FDB];
	s0 =	simm.s32 @p2 $0x1  }
0x17: {  	s4 =	simm.s32 $0x1BF5;
	[smem:$0x3FB2] =	sst s0  }
0x18: {  	s0 =	sld [smem:$0x3F95];
	_ =	swait.ge [sflag:s4], $0x0  }
0x19: {  	s7 =	sld [smem:$0x3F96]  }
0x1a: {  	s8 =	sadd.s32 $0xFFFFE003, lr  }
0x1b: {  	s9 =	sadd.s32 $0xFFFFFEF7, lr;
	s5 =	simm.s32 $0xFFFFFFFF;
	p2 =	slt.u32 s8, $0xFFFFF086  }
0x1c: {  	p1 =	slt.u32 s9, $0xF7A;
	s5 =	simm.s32 @!p2 $0x0  }
0x1d: {  	s5 =	simm.s32 @p1 $0x1;
	p0 =	seq.s32 s7, s2  }
0x1e: {  	s7 =	smul.u32 @!p0 $0xF7A, s2;
	p2 =	seq.s32 @!p0 s5, $0x0  }
0x1f: {  	s9 =	smul.u32 $0xF7A, s1;
	s8 =	simm.s32 @!p0 $0x1BF5;
	p2 =	por !p2, p0  }
0x20: {  	[sflag:s8] =	ssyncset.s32 @!p0 $0xFFFFF086;
	s6 =	sadd.s32 @!p0 s3, s7;
	s7 =	simm.s32 @!p0 $0x108  }
0x21: {  	s3 =	sadd.s32 s3, s9;
	s6 =	sadd.s32 @!p0 $0x88, s6;
	s7 =	simm.s32 @p2 $0x1082  }
0x22: {  	[simem:s7], [sflag:s8] =	dma.local @!p0 [hbm:s6], $0xF7A  }
0x23: {  	s9 =	sor.u32 $0xD0000000, s2;
	s6 =	simm.s32 $0x108;
	_ =	swait.ge @!p0 [sflag:s8], $0x0  }
0x24: {  	s3 =	sadd.s32 $0x88, s3;
	s6 =	simm.s32 @!p1 $0x1082;
	[sflag:s4] =	ssyncset.s32 $0xFFFFF086  }
0x25: {  	[simem:s6], [sflag:s4] =	dma.local [hbm:s3], $0xF7A  }
0x26: {  	[smem:$0x3F96] =	sst s1;
	(tag) =	ssettag s2;
	_ =	strace s9  }
0x27: {  	s1 =	sld [smem:$0x3FA6]  }
0x28: {  	s2 =	sld [smem:$0x3FA7]  }
0x29: {  	s4 =	sld [smem:$0x3FA9]  }
0x2a: {  	p0 =	seq.s32 s5, $0x0;
	s5 =	sld [smem:$0x3FAA]  }
0x2b: {  	s6 =	sld [smem:$0x3FAB]  }
0x2c: {  	s7 =	sld [smem:$0x3FAC]  }
0x2d: {  	s3 =	simm.s32 $0x108;
	s8 =	sld [smem:$0x3FAD]  }
0x2e: {  	s3 =	simm.s32 @!p0 $0x1082;
	s9 =	sld [smem:$0x3FAE]  }
0x2f: {  	lr =	sadd.s32 s0, s3;
	s0 =	sld [smem:$0x3FA5]  }
0x30: {  	s3 =	sld [smem:$0x3FA8]  }
0x31: {  	[smem:$0x3FB1] =	sst s10  }
0x32: {  	s10 =	sld [smem:$0x3FAF];
	_ =	sdelay $0x3  }
0x33: {  	p0 =	seq.s32 s10, $0x1;
	s10 =	sld [smem:$0x3FB1];
	_ =	sdelay $0x3  }
0x34: {  	[smem:$0x3FB1] =	sst s10  }
0x35: {  	s10 =	sld [smem:$0x3FB0];
	_ =	sdelay $0x3  }
0x36: {  	p1 =	seq.s32 s10, $0x1;
	s10 =	sld [smem:$0x3FB1];
	_ =	sdelay $0x3  }
0x37: {  	[smem:$0x3FB1] =	sst s10  }
0x38: {  	s10 =	sld [smem:$0x3FB2]  }
0x39: {  	_ = 	snop;
	(pc) =	sbr.ind lr, $3  }
0x3a: {  	_ = 	snop  }
0x3b: {  	_ = 	snop  }
0x3c: {  	p2 =	seq.s32 s10, $0x1;
	s10 =	sld [smem:$0x3FB1]  }
0x3d: {  	_ =	shalt  }
0x3e: {  	_ =	shalt  }
0x3f: {  	_ =	shalt  }
0x40: {  	_ =	shalt  }
0x41: {  	_ =	shalt  }
0x42: {  	_ =	shalt  }
0x43: {  	_ =	shalt  }
0x44: {  	_ =	shalt  }
0x45: {  	_ =	shalt  }
0x46: {  	_ =	shalt  }
0x47: {  	_ =	shalt  }
0x48: {  	_ =	shalt  }
0x49: {  	_ =	shalt  }
0x4a: {  	_ =	shalt  }
0x4b: {  	_ =	shalt  }
0x4c: {  	_ =	shalt  }
0x4d: {  	_ =	shalt  }
0x4e: {  	_ =	shalt  }
0x4f: {  	_ =	shalt  }
0x50: {  	_ =	shalt  }
0x51: {  	_ =	shalt  }
0x52: {  	_ =	shalt  }
0x53: {  	_ =	shalt  }
0x54: {  	_ =	shalt  }
0x55: {  	_ =	shalt  }
0x56: {  	_ =	shalt  }
0x57: {  	_ =	shalt  }
0x58: {  	_ =	shalt  }
0x59: {  	_ =	shalt  }
0x5a: {  	_ =	shalt  }
0x5b: {  	_ =	shalt  }
0x5c: {  	_ =	shalt  }
0x5d: {  	_ =	shalt  }
0x5e: {  	_ =	shalt  }
0x5f: {  	_ =	shalt  }
0x60: {  	_ =	shalt  }
0x61: {  	_ =	shalt  }
0x62: {  	_ =	shalt  }
0x63: {  	_ =	shalt  }
0x64: {  	_ =	shalt  }
0x65: {  	_ =	shalt  }
0x66: {  	_ =	shalt  }
0x67: {  	_ =	shalt  }
0x68: {  	_ =	shalt  }
0x69: {  	_ =	shalt  }
0x6a: {  	_ =	shalt  }
0x6b: {  	_ =	shalt  }
0x6c: {  	_ =	shalt  }
0x6d: {  	_ =	shalt  }
0x6e: {  	_ =	shalt  }
0x6f: {  	_ =	shalt  }
0x70: {  	_ =	shalt  }
0x71: {  	_ =	shalt  }
0x72: {  	_ =	shalt  }
0x73: {  	_ =	shalt  }
0x74: {  	_ =	shalt  }
0x75: {  	_ =	shalt  }
0x76: {  	_ =	shalt  }
0x77: {  	_ =	shalt  }
0x78: {  	_ =	shalt  }
0x79: {  	_ =	shalt  }
0x7a: {  	_ =	shalt  }
0x7b: {  	_ =	shalt  }
0x7c: {  	_ =	shalt  }
0x7d: {  	_ =	shalt  }
0x7e: {  	_ =	shalt  }
0x7f: {  	_ =	shalt  }
0x80: {  	_ =	shalt  }
0x81: {  	_ =	shalt  }
0x82: {  	_ =	shalt  }
0x83: {  	_ =	shalt  }
0x84: {  	_ =	shalt  }
0x85: {  	_ =	shalt  }
0x86: {  	_ =	shalt  }
0x87: {  	_ =	shalt  }
.Lfunc_end0:
.L_simem_size_0:
called_computation.1_lowered:
.L_overlay_start_0:
0x88: {  	s2 =	sld [smem:$0x3FD9]  }
0x89: {  	s3 =	sld [smem:$0x3FFE];
	_ =	sdelay $0x1  }
0x8a: {  	s1 =	srdreg.scid  }
0x8b: {  	s0 =	sand.u32 $0x1, s1  }
0x8c: {  	s16 =	sshll.u32 s0, $0xA;
	s2 =	sadd.s32 s3, s2  }
0x8d: {  	s2 =	sadd.s32 s2, s16  }
0x8e: {  	[smem:$0x3FBD] =	sst s2  }
0x8f: {  	_ = 	snop  }
0x90: {  	(tm) =	ssettm $0x1  }
0x91: {  	s17 =	sld [smem:$0x3FFB];
	_ =	sdelay $0x3  }
0x92: {  	_ =	strace s17  }
0x93: {  	s2 =	sld [smem:$0x3FFC];
	_ =	sdelay $0x3  }
0x94: {  	_ =	strace s2  }
0x95: {  	s2 =	sld [smem:$0x3FFD];
	_ =	sdelay $0x3  }
0x96: {  	_ =	strace s2  }
0x97: {  	_ =	strace $0x8FFFFFFF  }
0x98: {  	s18 =	sld [smem:$0x3FDB];
	_ =	sdelay $0x1  }
0x99: {  	s19 =	simm.s32 $_scs_section_size  }
0x9a: {  	s4 =	simm.s32 $_size__tile_overlayer_lowered;
	s5 =	simm.s32 $_tile_overlayer_lowered  }
0x9b: {  	s22 =	simm.s32 $0x1BFF;
	s21 =	sshll.u32 s5, $0x1;
	s2 =	sadd.s32 s19, s18  }
0x9c: {  	s6 =	simm.s32 $0x0;
	s20 =	sshll.u32 s4, $0x1;
	s4 =	sadd.s32 s21, s2  }
0x9d: {  	[timem:s6], [sflag:s22] =	dma.local [hbm:s4], s20  }
0x9e: {  	_ =	swait.ge [sflag:s22], s20  }
0x9f: {  	s3 =	ssub.s32 $0x0, s20;
	[sflag:s22] =	ssyncset.done $0x0  }
0xa0: {  	[sflag:s22] =	ssyncadd.s32 s3;
	_ =	sdelay $0x1  }
0xa1: {  	s23 =	simm.s32 $0x1B8B  }
0xa2: {  	_ =	swait.ge [sflag:s23], $0x1  }
0xa3: {  	[sflag:s23] =	ssyncset.done $0x0  }
0xa4: {  	s25 =	simm.s32 $0x1B8E;
	s24 =	sld [smem:$0x3FFE];
	[sflag:s23] =	ssyncadd.s32 $0xFFFFFFFF  }
0xa5: {  	s26 =	simm.s32 $execute0_lowered;
	[smem:$0x3FD2] =	sst s25  }
0xa6: {  	s4 =	sshll.u32 s26, $0x1;
	_ =	strace $0x80000049;
	[dreg:$0x1] =	wrdreg $0xFFFFFFFF  }
0xa7: {  	s28 =	simm.s32 $_size_execute0_lowered;
	s2 =	sadd.s32 s2, s4;
	[dreg:$0x0] =	wrdreg $0x0  }
0xa8: {  	s4 =	sshll.u32 s28, $0x1;
	[dreg:$0x2] =	wrdreg s2  }
0xa9: {  	[dreg:$0x3] =	wrdreg s4  }
0xaa: {  	[dreg:$0x4] =	wrdreg $0xC0  }
0xab: {  	_ =	task [dreg:s6], $0x5FFFF  }
0xac: {  	[dreg:$0x1] =	wrdreg $0xFFFFFFFF  }
0xad: {  	[dreg:$0x0] =	wrdreg $0x60  }
0xae: {  	[dreg:$0x2] =	wrdreg s24  }
0xaf: {  	[dreg:$0x3] =	wrdreg $0x8A000  }
0xb0: {  	[dreg:$0x4] =	wrdreg $0x9  }
0xb1: {  	_ =	task.clear_ibuf [dreg:s6], $0x5FFFF;
	_ =	strace $0x90000049  }
0xb2: {  	s29 =	simm.s32 $0x9;
	_ =	strace $0x8000004B  }
0xb3: {  	_ =	swait.ge [sflag:s29], $0x1  }
0xb4: {  	[sflag:s29] =	ssyncadd.s32 $0xFFFFFFFF  }
0xb5: {  	_ =	strace $0x9000004B  }
0xb6: {  	_ =	sfence  }
0xb7: {  	s30 =	sld [smem:$0x0];
	_ =	sdelay $0x2  }
0xb8: {  	s31 =	sshll.u32 s1, $0xD;
	s1 =	sshrl.u32 s1, $0x2  }
0xb9: {  	s3 =	sand.u32 $0x4000, s31;
	s1 =	sadd.s32 s1, s30  }
0xba: {  	s0 =	sor.u32 s3, s0;
	s1 =	sshll.u32 s1, $0x11  }
0xbb: {  	s0 =	sor.u32 s1, s0  }
0xbc: {  	s0 =	sadd.s32 $0x8F2B, s0  }
0xbd: {  	[sflag:s0] =	ssyncadd.remote.s32 $0x1  }
0xbe: {  	_ =	sfence.sel $0xFFFF  }
0xbf: {  	[dreg:$0x0] =	wrdreg $0xFFFFFFFF;
	(pc) =	sbr.abs _section_cstart, $3  }
0xc0: {  	[dreg:$0x1] =	wrdreg $0xFFFFFFFF  }
0xc1: {  	_ =	task.clear_ibuf [dreg:s6], $0x2FFFF;
	_ =	strace $0x9FFFFFFF  }
0xc2: {  	(tm) =	ssettm $0x7FFFFFFF  }
0xc3: {  	_ =	shalt  }
tec
execute0_lowered:
.L_overlay_start_1:
0x0: {  	(tag) =	ssettag $0x1  }
0x1: {  	s0 =	srdreg.scid;
	s6 =	rddreg [dreg:$0x0]  }
0x2: {  	s12 =	stileid.u32;
	s2 =	rddreg [dreg:$0x1];
	s3 =	simm.s32 $0x0  }
0x3: {  	s13 =	simm.s32 $0x80;
	s14 =	simm.s32 $0x2800;
	s15 =	simm.s32 $0x3A00  }
0x4: {  	s16 =	simm.s32 $0x2900;
	s17 =	simm.s32 $0x2A00;
	s18 =	simm.s32 $0x1  }
0x5: {  	s19 =	simm.s32 $0x2880;
	s20 =	simm.s32 $0x6200;
	s21 =	simm.s32 $0x2980  }
0x6: {  	s22 =	simm.s32 $0x3200;
	s23 =	simm.s32 $0x2;
	s24 =	simm.s32 $0x3  }
0x7: {  	s25 =	simm.s32 $0x4;
	s26 =	simm.s32 $0x0;
	s7 =	smul.u32 $0xC580, s12  }
0x8: {  	s0 =	sand.u32 $0x1, s0;
	[smem:$0x7FF] =	sst s3;
	s8 =	smul.u32 $0x18B0, s12  }
0x9: {  	s4 =	sadd.s32 $0x7000, s6;
	s5 =	sadd.s32 $0x2000, s6;
	s31 =	sshll.u32 s12, $0x6  }
0xa: {  	s1 =	sshll.u32 s0, $0x4;
	_ =	strace $0x8000004A;
	s9 =	smul.u32 $0x18B00, s0  }
0xb: {  	s0 =	ssub.s32 $0x2, s0;
	s1 =	sor.u32 s12, s1;
	s10 =	sshrl.u32 s7, $0x3  }
0xc: {  	s30 =	sshrl.u32 s0, $0x1;
	s11 =	sadd.s32 s7, s2;
	s7 =	sor.u32 $0x1C05, s31  }
0xd: {  	s12 =	simm.s32 $0x5;
	s1 =	smul.u32 $0x500, s1;
	s8 =	sadd.s32 s8, s9  }
0xe: {  	s28 =	sadd.s32 s10, s6;
	s0 =	ssub.s32 s0, s30;
	s11 =	sshrl.u32 s11, $0x3  }
0xf: {  	s29 =	sadd.s32 s8, s6;
	s10 =	smax.u32 s0, $0x1;
	s1 =	sadd.s32 s1, s6  }
0x10: {  	v0 =	vimm.s32 $0x0;
	s6 =	sadd.s32 $0x3D000, s28;
	s9 =	sadd.s32 $0x55C00, s29;
	s8 =	sadd.s32 $0x33000, s1  }
.LBB2_1:
0x11: {  	[spmem:s11], [sflag:s7] =	dma.local [hbm:s6], $0x18B0  }
0x12: {  	_ =	swait.ge [sflag:s12], $0x18B0  }
0x13: {  	[sflag:s12] =	ssyncset.done $0x0  }
0x14: {  	[sflag:s12] =	ssyncadd.s32 $0xFFFFE750  }
0x15: {  	[bflag:$0x0] =	sbarrier.arrive $0xFFFF  }
0x16: {  	[tilespmem:s3], [sflag:$0x5] =	stream.linear.gather [hbm4b:s8+s3], $0x2800, $0x38;
	[tilespmem:$0x14F80] =	vst v63  }
0x17: {  	_ =	swait.ge [sflag:s12], $0x2800  }
0x18: {  	[sflag:s12] =	ssyncset.done $0x0  }
0x19: {  	[sflag:s12] =	ssyncadd.s32 $0xFFFFD800  }
0x1a: {  	v1 =	vld [tilespmem:$0x0];
	_ =	sdelay $0x1  }
0x1b: {  	v2 =	vld [tilespmem:$0x10];
	_ =	sdelay $0x1  }
0x1c: {  	v3 =	vld [tilespmem:$0x20]  }
0x1d: {  	v4 =	vand.u32 $0x3FFF, v1  }
0x1e: {  	v62 =	vld [tilespmem:$0x30];
	v1 =	vshra.s32 v1, $0xE;
	[tilespmem:$0x2800] =	vst v4  }
0x1f: {  	[tilespmem:$0x2900] =	vst v1;
	v1 =	vand.u32 $0x3FFF, v2  }
0x20: {  	[tilespmem:$0x2810] =	vst v1;
	v1 =	vshra.s32 v2, $0xE;
	v2 =	vld [tilespmem:$0x40]  }
0x21: {  	[tilespmem:$0x2910] =	vst v1;
	v1 =	vand.u32 $0x3FFF, v3  }
0x22: {  	[tilespmem:$0x2820] =	vst v1;
	v1 =	vshra.s32 v3, $0xE;
	v3 =	vld [tilespmem:$0x50]  }
0x23: {  	[tilespmem:$0x2920] =	vst v1;
	v1 =	vand.u32 $0x3FFF, v62  }
0x24: {  	v63 =	vld [tilespmem:$0x60];
	[tilespmem:$0x2830] =	vst v1;
	v1 =	vshra.s32 v62, $0xE  }
0x25: {  	[tilespmem:$0x2930] =	vst v1;
	v1 =	vand.u32 $0x3FFF, v2  }
0x26: {  	[tilespmem:$0x2840] =	vst v1;
	v1 =	vshra.s32 v2, $0xE;
	v2 =	vld [tilespmem:$0x70]  }
0x27: {  	[tilespmem:$0x2940] =	vst v1;
	v1 =	vand.u32 $0x3FFF, v3  }
0x28: {  	[tilespmem:$0x2850] =	vst v1;
	v1 =	vshra.s32 v3, $0xE  }
0x29: {  	[tilespmem:$0x2950] =	vst v1;
	v1 =	vand.u32 $0x3FFF, v63  }
0x2a: {  	[tilespmem:$0x2860] =	vst v1;
	v1 =	vshra.s32 v63, $0xE  }
0x2b: {  	[tilespmem:$0x2960] =	vst v1;
	v1 =	vand.u32 $0x3FFF, v2  }
0x2c: {  	[tilespmem:$0x2870] =	vst v1;
	v1 =	vshra.s32 v2, $0xE  }
0x2d: {  	[tilespmem:$0x2970] =	vst v1  }
0x2e: {  	[tilespmem:s15], [sflag:$0x1] =	stream.indirect.gather [hbm4b:s4+s13], $0x50, s14, s13, $0xb8;
	[tilespmem:$0x14F80] =	vst v63  }
0x2f: {  	s28 =	simm.s32 $0x0  }
0x30: {  	[tilespmem:s17], [sflag:$0x1] =	stream.indirect.gather [hbm4b:s5+s13], $0x10, s16, s13, $0xb8;
	[tilespmem:$0x14F80] =	vst v63  }
.LBB2_2:
0x31: {  	_ =	swait.ge [sflag:s18], $0x2800  }
0x32: {  	[sflag:s18] =	ssyncset.done $0x0  }
0x33: {  	[sflag:s18] =	ssyncadd.s32 $0xFFFFD800  }
0x34: {  	_ =	swait.ge [sflag:s18], $0x800  }
0x35: {  	p0 =	seq.s32 s28, $0x0;
	[sflag:s18] =	ssyncset.done $0x0  }
0x36: {  	s0 =	simm.s32 @!p0 $0x4;
	[sflag:s18] =	ssyncadd.s32 $0xFFFFF800  }
0x37: {  	_ =	swait.ge @!p0 [sflag:s0], $0x2800  }
0x38: {  	s1 =	sshll.u32 s28, $0xA;
	[sflag:s0] =	ssyncset.done @!p0 $0x0  }
0x39: {  	s29 =	sshrl.u32 s1, $0x2;
	[sflag:s0] =	ssyncadd.s32 @!p0 $0xFFFFD800  }
0x3a: {  	v1 =	vld [tilespmem:s29+$0x80];
	_ =	sdelay $0x4  }
0x3b: {  	v2 =	vand.u32 $0x3FFF, v1  }
0x3c: {  	v1 =	vshra.s32 v1, $0xE;
	[tilespmem:$0x2880] =	vst v2  }
0x3d: {  	[tilespmem:$0x2980] =	vst v1  }
0x3e: {  	v1 =	vld [tilespmem:s29+$0x90];
	_ =	sdelay $0x4  }
0x3f: {  	v2 =	vand.u32 $0x3FFF, v1  }
0x40: {  	v1 =	vshra.s32 v1, $0xE;
	[tilespmem:$0x2890] =	vst v2  }
0x41: {  	[tilespmem:$0x2990] =	vst v1  }
0x42: {  	v1 =	vld [tilespmem:s29+$0xA0];
	_ =	sdelay $0x4  }
0x43: {  	v2 =	vand.u32 $0x3FFF, v1  }
0x44: {  	v1 =	vshra.s32 v1, $0xE;
	[tilespmem:$0x28A0] =	vst v2  }
0x45: {  	[tilespmem:$0x29A0] =	vst v1  }
0x46: {  	v1 =	vld [tilespmem:s29+$0xB0];
	_ =	sdelay $0x4  }
0x47: {  	v2 =	vand.u32 $0x3FFF, v1  }
0x48: {  	v1 =	vshra.s32 v1, $0xE;
	[tilespmem:$0x28B0] =	vst v2  }
0x49: {  	[tilespmem:$0x29B0] =	vst v1  }
0x4a: {  	v1 =	vld [tilespmem:s29+$0xC0];
	_ =	sdelay $0x4  }
0x4b: {  	v2 =	vand.u32 $0x3FFF, v1  }
0x4c: {  	v1 =	vshra.s32 v1, $0xE;
	[tilespmem:$0x28C0] =	vst v2  }
0x4d: {  	[tilespmem:$0x29C0] =	vst v1  }
0x4e: {  	v1 =	vld [tilespmem:s29+$0xD0];
	_ =	sdelay $0x4  }
0x4f: {  	v2 =	vand.u32 $0x3FFF, v1  }
0x50: {  	v1 =	vshra.s32 v1, $0xE;
	[tilespmem:$0x28D0] =	vst v2  }
0x51: {  	[tilespmem:$0x29D0] =	vst v1  }
0x52: {  	v1 =	vld [tilespmem:s29+$0xE0];
	_ =	sdelay $0x4  }
0x53: {  	v2 =	vand.u32 $0x3FFF, v1  }
0x54: {  	v1 =	vshra.s32 v1, $0xE;
	[tilespmem:$0x28E0] =	vst v2  }
0x55: {  	[tilespmem:$0x29E0] =	vst v1  }
0x56: {  	v1 =	vld [tilespmem:s29+$0xF0];
	_ =	sdelay $0x4  }
0x57: {  	v2 =	vand.u32 $0x3FFF, v1  }
0x58: {  	v1 =	vshra.s32 v1, $0xE;
	[tilespmem:$0x28F0] =	vst v2  }
0x59: {  	[tilespmem:$0x29F0] =	vst v1  }
0x5a: {  	[tilespmem:s20], [sflag:$0x2] =	stream.indirect.gather [hbm4b:s4+s13], $0x50, s19, s13, $0xb8;
	[tilespmem:$0x14F80] =	vst v63  }
0x5b: {  	s30 =	simm.s32 $0x3A20  }
0x5c: {  	[tilespmem:s22], [sflag:$0x2] =	stream.indirect.gather [hbm4b:s5+s13], $0x10, s21, s13, $0xb8;
	[tilespmem:$0x14F80] =	vst v63  }
0x5d: {  	s31 =	simm.s32 $0x3A20;
	s1 =	simm.s32 $0x40;
	s0 =	simm.s32 $0x0;
	v1 =	vld [tilespmem:s30+$0x20]  }
.LBB2_3:
0x5e: {  	p0 =	sne.s32 s1, $0x1FC0;
	v2 =	vld [tilespmem:s0+$0x2A00];
	_ =	sdelay $0x4  }
0x5f: {  	v1 =	vadd.f32 v2, v1;
	_ =	sdelay $0x1  }
0x60: {  	v2 =	vmul.f32 $2.000000030e-01, v1;
	_ =	sdelay $0x1  }
0x61: {  	v1 =	vmax.f32 v1, v2  }
0x62: {  	v1 =	vmul.f32 $1.442695020e+00, v1;
	_ =	sdelay $0x1  }
0x63: {  	(erf) = vpow2.f32 v1;
	_ =	sdelay $0x4  }
0x64: {  	v1 =	vld [tilespmem:s30+$0xFFFFFFF0]  }
0x65: {  	v2 =	vld [tilespmem:s30+$0x10]  }
0x66: {  	v3 =	vld [tilespmem:s30+$0xFFFFFFE0]  }
0x67: {  	v4 =	vld [tilespmem:s30+$0x0]  }
0x68: {  	v5 =	vpop (erf)  }
0x69: {  	[tilespmem:s30+$0x20] =	vst v5;
	v5 =	vperm.xlane v5, v0;
	_ =	sdelay $0x1  }
0x6a: {  	v3 =	vmul.f32 v3, v5;
	v1 =	vmul.f32 v1, v5  }
.Ltmp0:
0x6b: {  	v2 =	vmul.f32 v2, v5;
	v4 =	vmul.f32 v4, v5;
	(pc) =	sbr.rel @p0 .LBB2_3-.Ltmp0, $4  }
0x6c: {  	[tilespmem:s30+$0xFFFFFFE0] =	vst v3  }
0x6d: {  	[tilespmem:s30+$0xFFFFFFF0] =	vst v1  }
0x6e: {  	s30 =	sadd.s32 $0x50, s30;
	[tilespmem:s31+$0x0] =	vst v4  }
0x6f: {  	s0 =	sshra.s32 s1, $0x2;
	s1 =	sadd.s32 $0x40, s1;
	v1 =	vld [tilespmem:s30+$0x20];
	[tilespmem:s31+$0x10] =	vst v2;
	s31 =	smov.u32 s30  }
0x70: {  	v2 =	vld [tilespmem:s0+$0x2A00];
	_ =	sdelay $0x4  }
0x71: {  	v1 =	vadd.f32 v2, v1;
	_ =	sdelay $0x1  }
0x72: {  	v2 =	vmul.f32 $2.000000030e-01, v1;
	_ =	sdelay $0x1  }
0x73: {  	v1 =	vmax.f32 v1, v2  }
0x74: {  	v1 =	vmul.f32 $1.442695020e+00, v1;
	_ =	sdelay $0x1  }
0x75: {  	(erf) = vpow2.f32 v1;
	_ =	sdelay $0x6  }
0x76: {  	v1 =	vld [tilespmem:s30+$0xFFFFFFE0]  }
0x77: {  	v2 =	vld [tilespmem:s30+$0xFFFFFFF0]  }
0x78: {  	v3 =	vld [tilespmem:s30+$0x0];
	v4 =	vpop (erf)  }
0x79: {  	v5 =	vld [tilespmem:s30+$0x10];
	v6 =	vperm.xlane v4, v0;
	_ =	sdelay $0x1  }
0x7a: {  	v1 =	vmul.f32 v1, v6  }
0x7b: {  	[tilespmem:s30+$0x20] =	vst v4;
	v2 =	vmul.f32 v2, v6  }
0x7c: {  	v3 =	vmul.f32 v3, v6;
	[tilespmem:s30+$0xFFFFFFE0] =	vst v1  }
0x7d: {  	v1 =	vmul.f32 v5, v6;
	[tilespmem:s30+$0xFFFFFFF0] =	vst v2  }
0x7e: {  	[tilespmem:s31+$0x0] =	vst v3  }
0x7f: {  	[tilespmem:s31+$0x10] =	vst v1  }
0x80: {  	[spmem:s2] =	stream.indirect.scatter.add.f32 [tilespmem:s15], [sflag:$0x3], $0x50, s16, s13, $0xb8;
	[tilespmem:$0x14F80] =	vst v63  }
0x81: {  	_ =	swait.ge [sflag:s23], $0x2800  }
0x82: {  	[sflag:s23] =	ssyncset.done $0x0  }
0x83: {  	[sflag:s23] =	ssyncadd.s32 $0xFFFFD800  }
0x84: {  	_ =	swait.ge [sflag:s23], $0x800  }
0x85: {  	p0 =	seq.s32 s28, $0x27;
	[sflag:s23] =	ssyncset.done $0x0  }
0x86: {  	s0 =	simm.s32 @!p0 $0x3;
	[sflag:s23] =	ssyncadd.s32 $0xFFFFF800  }
0x87: {  	_ =	swait.ge @!p0 [sflag:s0], $0x2800  }
0x88: {  	[sflag:s0] =	ssyncset.done @!p0 $0x0  }
0x89: {  	[sflag:s0] =	ssyncadd.s32 @!p0 $0xFFFFD800  }
0x8a: {  	v1 =	vld @!p0 [tilespmem:s29+$0x100];
	_ =	sdelay $0x4  }
0x8b: {  	v2 =	vand.u32 @!p0 $0x3FFF, v1  }
0x8c: {  	v1 =	vshra.s32 @!p0 v1, $0xE;
	[tilespmem:$0x2800] =	vst @!p0 v2  }
0x8d: {  	[tilespmem:$0x2900] =	vst @!p0 v1  }
0x8e: {  	v1 =	vld @!p0 [tilespmem:s29+$0x110];
	_ =	sdelay $0x4  }
0x8f: {  	v2 =	vand.u32 @!p0 $0x3FFF, v1  }
0x90: {  	v1 =	vshra.s32 @!p0 v1, $0xE;
	[tilespmem:$0x2810] =	vst @!p0 v2  }
0x91: {  	[tilespmem:$0x2910] =	vst @!p0 v1  }
0x92: {  	v1 =	vld @!p0 [tilespmem:s29+$0x120];
	_ =	sdelay $0x4  }
0x93: {  	v2 =	vand.u32 @!p0 $0x3FFF, v1  }
0x94: {  	v1 =	vshra.s32 @!p0 v1, $0xE;
	[tilespmem:$0x2820] =	vst @!p0 v2  }
0x95: {  	[tilespmem:$0x2920] =	vst @!p0 v1  }
0x96: {  	v1 =	vld @!p0 [tilespmem:s29+$0x130];
	_ =	sdelay $0x4  }
0x97: {  	v2 =	vand.u32 @!p0 $0x3FFF, v1  }
0x98: {  	v1 =	vshra.s32 @!p0 v1, $0xE;
	[tilespmem:$0x2830] =	vst @!p0 v2  }
0x99: {  	[tilespmem:$0x2930] =	vst @!p0 v1  }
0x9a: {  	v1 =	vld @!p0 [tilespmem:s29+$0x140];
	_ =	sdelay $0x4  }
0x9b: {  	v2 =	vand.u32 @!p0 $0x3FFF, v1  }
0x9c: {  	v1 =	vshra.s32 @!p0 v1, $0xE;
	[tilespmem:$0x2840] =	vst @!p0 v2  }
0x9d: {  	[tilespmem:$0x2940] =	vst @!p0 v1  }
0x9e: {  	v1 =	vld @!p0 [tilespmem:s29+$0x150];
	_ =	sdelay $0x4  }
0x9f: {  	v2 =	vand.u32 @!p0 $0x3FFF, v1  }
0xa0: {  	v1 =	vshra.s32 @!p0 v1, $0xE;
	[tilespmem:$0x2850] =	vst @!p0 v2  }
0xa1: {  	[tilespmem:$0x2950] =	vst @!p0 v1  }
0xa2: {  	v1 =	vld @!p0 [tilespmem:s29+$0x160];
	_ =	sdelay $0x4  }
0xa3: {  	v2 =	vand.u32 @!p0 $0x3FFF, v1  }
0xa4: {  	v1 =	vshra.s32 @!p0 v1, $0xE;
	[tilespmem:$0x2860] =	vst @!p0 v2  }
0xa5: {  	[tilespmem:$0x2960] =	vst @!p0 v1  }
0xa6: {  	v1 =	vld @!p0 [tilespmem:s29+$0x170];
	_ =	sdelay $0x4  }
0xa7: {  	v2 =	vand.u32 @!p0 $0x3FFF, v1  }
0xa8: {  	v1 =	vshra.s32 @!p0 v1, $0xE;
	[tilespmem:$0x2870] =	vst @!p0 v2  }
0xa9: {  	s1 =	simm.s32 @!p0 $0x2800;
	s0 =	simm.s32 @!p0 $0x80;
	s29 =	simm.s32 @!p0 $0x3A00;
	[tilespmem:$0x2970] =	vst @!p0 v1  }
0xaa: {  	[tilespmem:s29], [sflag:$0x1] =	stream.indirect.gather @!p0 [hbm4b:s4+s0], $0x50, s1, s0, $0xb8;
	[tilespmem:$0x14F80] =	vst v63  }
0xab: {  	s1 =	simm.s32 @!p0 $0x2900;
	s29 =	simm.s32 @!p0 $0x2A00  }
0xac: {  	[tilespmem:s29], [sflag:$0x1] =	stream.indirect.gather @!p0 [hbm4b:s5+s0], $0x10, s1, s0, $0xb8;
	[tilespmem:$0x14F80] =	vst v63  }
0xad: {  	s29 =	simm.s32 $0x6240  }
0xae: {  	s30 =	simm.s32 $0x6240;
	s0 =	simm.s32 $0x0;
	s1 =	simm.s32 $0x40;
	v1 =	vld [tilespmem:s29+$0x0]  }
.LBB2_5:
0xaf: {  	p0 =	sne.s32 s1, $0x1FC0;
	v2 =	vld [tilespmem:s0+$0x3200];
	_ =	sdelay $0x4  }
0xb0: {  	v1 =	vadd.f32 v2, v1;
	_ =	sdelay $0x1  }
0xb1: {  	v2 =	vmul.f32 $2.000000030e-01, v1;
	_ =	sdelay $0x1  }
0xb2: {  	v1 =	vmax.f32 v1, v2  }
0xb3: {  	v1 =	vmul.f32 $1.442695020e+00, v1;
	_ =	sdelay $0x1  }
0xb4: {  	(erf) = vpow2.f32 v1;
	_ =	sdelay $0x4  }
0xb5: {  	v1 =	vld [tilespmem:s29+$0xFFFFFFF0]  }
0xb6: {  	v2 =	vld [tilespmem:s29+$0xFFFFFFD0]  }
0xb7: {  	v3 =	vld [tilespmem:s29+$0xFFFFFFC0]  }
0xb8: {  	v4 =	vld [tilespmem:s29+$0xFFFFFFE0]  }
0xb9: {  	v5 =	vpop (erf)  }
0xba: {  	[tilespmem:s29+$0x0] =	vst v5;
	v5 =	vperm.xlane v5, v0;
	_ =	sdelay $0x1  }
0xbb: {  	v3 =	vmul.f32 v3, v5;
	v2 =	vmul.f32 v2, v5  }
.Ltmp1:
0xbc: {  	v4 =	vmul.f32 v4, v5;
	v5 =	vmul.f32 v1, v5;
	(pc) =	sbr.rel @p0 .LBB2_5-.Ltmp1, $4  }
0xbd: {  	[tilespmem:s29+$0xFFFFFFC0] =	vst v3  }
0xbe: {  	[tilespmem:s29+$0xFFFFFFD0] =	vst v2  }
0xbf: {  	s29 =	sadd.s32 $0x50, s29;
	[tilespmem:s30+$0xFFFFFFE0] =	vst v4  }
0xc0: {  	s0 =	sshra.s32 s1, $0x2;
	s1 =	sadd.s32 $0x40, s1;
	v1 =	vld [tilespmem:s29+$0x0];
	[tilespmem:s30+$0xFFFFFFF0] =	vst v5;
	s30 =	smov.u32 s29  }
0xc1: {  	v2 =	vld [tilespmem:s0+$0x3200];
	_ =	sdelay $0x4  }
0xc2: {  	v1 =	vadd.f32 v2, v1;
	_ =	sdelay $0x1  }
0xc3: {  	v2 =	vmul.f32 $2.000000030e-01, v1;
	_ =	sdelay $0x1  }
0xc4: {  	v1 =	vmax.f32 v1, v2  }
0xc5: {  	v1 =	vmul.f32 $1.442695020e+00, v1;
	_ =	sdelay $0x1  }
0xc6: {  	(erf) = vpow2.f32 v1;
	_ =	sdelay $0x6  }
0xc7: {  	v1 =	vld [tilespmem:s29+$0xFFFFFFC0]  }
0xc8: {  	v2 =	vld [tilespmem:s29+$0xFFFFFFD0]  }
0xc9: {  	v3 =	vld [tilespmem:s29+$0xFFFFFFE0];
	v4 =	vpop (erf)  }
0xca: {  	v5 =	vld [tilespmem:s29+$0xFFFFFFF0];
	v6 =	vperm.xlane v4, v0;
	_ =	sdelay $0x1  }
0xcb: {  	s28 =	sadd.s32 $0x1, s28;
	v1 =	vmul.f32 v1, v6  }
0xcc: {  	p0 =	sne.s32 s28, $0x28;
	[tilespmem:s29+$0x0] =	vst v4;
	v2 =	vmul.f32 v2, v6  }
.Ltmp2:
0xcd: {  	v3 =	vmul.f32 v3, v6;
	[tilespmem:s29+$0xFFFFFFC0] =	vst v1;
	(pc) =	sbr.rel @p0 .LBB2_2-.Ltmp2, $4  }
0xce: {  	v1 =	vmul.f32 v5, v6;
	[tilespmem:s29+$0xFFFFFFD0] =	vst v2  }
0xcf: {  	[tilespmem:s30+$0xFFFFFFE0] =	vst v3  }
0xd0: {  	[tilespmem:s30+$0xFFFFFFF0] =	vst v1  }
0xd1: {  	[spmem:s2] =	stream.indirect.scatter.add.f32 [tilespmem:s20], [sflag:$0x4], $0x50, s21, s13, $0xb8;
	[tilespmem:$0x14F80] =	vst v63  }
0xd2: {  	_ =	swait.ge [sflag:s24], $0x2800  }
0xd3: {  	[sflag:s24] =	ssyncset.done $0x0  }
0xd4: {  	[sflag:s24] =	ssyncadd.s32 $0xFFFFD800  }
0xd5: {  	_ =	swait.ge [sflag:s25], $0x2800  }
0xd6: {  	s26 =	sadd.s32 $0x1, s26;
	[sflag:s25] =	ssyncset.done $0x0  }
0xd7: {  	p0 =	sne.s32 s26, s10;
	[sflag:s25] =	ssyncadd.s32 $0xFFFFD800  }
.Ltmp3:
0xd8: {  	[bflag:$0x0] =	sbarrier.arrive $0xFFFF;
	(pc) =	sbr.rel @p0 .LBB2_1-.Ltmp3, $4  }
0xd9: {  	[hbm:s9], [sflag:s7] =	dma.local [spmem:s11], $0x18B0  }
0xda: {  	_ =	swait.ge [sflag:s12], $0x18B0  }
0xdb: {  	[sflag:s12] =	ssyncset.done $0x0  }
0xdc: {  	[sflag:s12] =	ssyncadd.s32 $0xFFFFE750  }
0xdd: {  	_ =	sfence.sel $0x180000  }
0xde: {  	[bflag:$0x0] =	sbarrier.arrive $0xFFFF  }
0xdf: {  	_ =	strace $0x9000004A  }
0xe0: {  	s0 =	stileid.u32;
	[bflag:$0x2] =	sbarrier.arrive $0xFFFF  }
0xe1: {  	p0 =	sne.s32 s0, $0x0;
	s0 =	rddreg [dreg:$0x2]  }
0xe2: {  	s0 =	sadd.s32 @!p0 $0x100000, s0  }
0xe3: {  	[sflag:s0] =	ssyncadd.tile.s32 @!p0 $0x1;
	_ =	shalt  }
.Lfunc_end2:
_tile_overlayer_lowered:
.L_overlay_start_2:
0xe4: {  	(tag) =	ssettag $0x2  }
0xe5: {  	s0 =	rddreg [dreg:$0x0];
	s2 =	stileid.u32  }
0xe6: {  	s1 =	rddreg [dreg:$0x1];
	p0 =	sne.s32 s2, $0x0  }
0xe7: {  	s3 =	rddreg [dreg:$0x2];
	[bflag:$0x3] =	sbarrier.arrive $0xFFFF;
	s2 =	simm.s32 @!p0 $0x1C05  }
0xe8: {  	[timem:s3], [sflag:s2] =	dma.local @!p0 [hbm:s0], s1  }
0xe9: {  	s0 =	simm.s32 @!p0 $0x5  }
0xea: {  	_ =	swait.ge @!p0 [sflag:s0], s1  }
0xeb: {  	s1 =	ssub.s32 @!p0 $0x0, s1;
	[sflag:s0] =	ssyncset.done @!p0 $0x0  }
0xec: {  	[sflag:s0] =	ssyncadd.s32 @!p0 s1  }
0xed: {  	[bflag:$0x3] =	sbarrier.arrive $0xFFFF  }
0xee: {  	_ =	shalt  }

// kernel: kernel.13.cloned.1.call-start
scs
__scs_entry_jumppad:
0x0: {  	(pc) =	sbr.rel $0x88, $3  }
0x1: {  	(tag) =	ssettag $0x0;
	lr =	simm.s32 $0x1  }
0x2: {  	[smem:$0x3F96] =	sst lr;
	_ =	strace $0xD0000000  }
0x3: {  	_ = 	snop  }
0x4: {  	_ = 	snop  }
0x5: {  	_ = 	snop  }
0x6: {  	_ = 	snop  }
0x7: {  	_ = 	snop  }
__scs_overlays_trampoline_lowered:
0x8: {  	[smem:$0x3FA5] =	sst s0  }
0x9: {  	[smem:$0x3FA6] =	sst s1  }
0xa: {  	[smem:$0x3FA7] =	sst s2  }
0xb: {  	[smem:$0x3FA8] =	sst s3  }
0xc: {  	[smem:$0x3FA9] =	sst s4  }
0xd: {  	[smem:$0x3FAA] =	sst s5  }
0xe: {  	[smem:$0x3FAB] =	sst s6  }
0xf: {  	[smem:$0x3FAC] =	sst s7  }
0x10: {  	[smem:$0x3FAD] =	sst s8  }
0x11: {  	[smem:$0x3FAE] =	sst s9;
	s0 =	simm.s32 @!p0 $0x0  }
0x12: {  	s1 =	sld [smem:$0x3F94];
	s0 =	simm.s32 @p0 $0x1  }
0x13: {  	[smem:$0x3FAF] =	sst s0;
	s0 =	simm.s32 @!p1 $0x0  }
0x14: {  	s2 =	sld [smem:$0x3F93];
	s0 =	simm.s32 @p1 $0x1  }
0x15: {  	[smem:$0x3FB0] =	sst s0;
	s0 =	simm.s32 @!p2 $0x0  }
0x16: {  	s3 =	sld [smem:$0x3FDB];
	s0 =	simm.s32 @p2 $0x1  }
0x17: {  	s4 =	simm.s32 $0x1BF5;
	[smem:$0x3FB2] =	sst s0  }
0x18: {  	s0 =	sld [smem:$0x3F95];
	_ =	swait.ge [sflag:s4], $0x0  }
0x19: {  	s7 =	sld [smem:$0x3F96]  }
0x1a: {  	s8 =	sadd.s32 $0xFFFFE003, lr  }
0x1b: {  	s9 =	sadd.s32 $0xFFFFFEF7, lr;
	s5 =	simm.s32 $0xFFFFFFFF;
	p2 =	slt.u32 s8, $0xFFFFF086  }
0x1c: {  	p1 =	slt.u32 s9, $0xF7A;
	s5 =	simm.s32 @!p2 $0x0  }
0x1d: {  	s5 =	simm.s32 @p1 $0x1;
	p0 =	seq.s32 s7, s2  }
0x1e: {  	s7 =	smul.u32 @!p0 $0xF7A, s2;
	p2 =	seq.s32 @!p0 s5, $0x0  }
0x1f: {  	s9 =	smul.u32 $0xF7A, s1;
	s8 =	simm.s32 @!p0 $0x1BF5;
	p2 =	por !p2, p0  }
0x20: {  	[sflag:s8] =	ssyncset.s32 @!p0 $0xFFFFF086;
	s6 =	sadd.s32 @!p0 s3, s7;
	s7 =	simm.s32 @!p0 $0x108  }
0x21: {  	s3 =	sadd.s32 s3, s9;
	s6 =	sadd.s32 @!p0 $0x88, s6;
	s7 =	simm.s32 @p2 $0x1082  }
0x22: {  	[simem:s7], [sflag:s8] =	dma.local @!p0 [hbm:s6], $0xF7A  }
0x23: {  	s9 =	sor.u32 $0xD0000000, s2;
	s6 =	simm.s32 $0x108;
	_ =	swait.ge @!p0 [sflag:s8], $0x0  }
0x24: {  	s3 =	sadd.s32 $0x88, s3;
	s6 =	simm.s32 @!p1 $0x1082;
	[sflag:s4] =	ssyncset.s32 $0xFFFFF086  }
0x25: {  	[simem:s6], [sflag:s4] =	dma.local [hbm:s3], $0xF7A  }
0x26: {  	[smem:$0x3F96] =	sst s1;
	(tag) =	ssettag s2;
	_ =	strace s9  }
0x27: {  	s1 =	sld [smem:$0x3FA6]  }
0x28: {  	s2 =	sld [smem:$0x3FA7]  }
0x29: {  	s4 =	sld [smem:$0x3FA9]  }
0x2a: {  	p0 =	seq.s32 s5, $0x0;
	s5 =	sld [smem:$0x3FAA]  }
0x2b: {  	s6 =	sld [smem:$0x3FAB]  }
0x2c: {  	s7 =	sld [smem:$0x3FAC]  }
0x2d: {  	s3 =	simm.s32 $0x108;
	s8 =	sld [smem:$0x3FAD]  }
0x2e: {  	s3 =	simm.s32 @!p0 $0x1082;
	s9 =	sld [smem:$0x3FAE]  }
0x2f: {  	lr =	sadd.s32 s0, s3;
	s0 =	sld [smem:$0x3FA5]  }
0x30: {  	s3 =	sld [smem:$0x3FA8]  }
0x31: {  	[smem:$0x3FB1] =	sst s10  }
0x32: {  	s10 =	sld [smem:$0x3FAF];
	_ =	sdelay $0x3  }
0x33: {  	p0 =	seq.s32 s10, $0x1;
	s10 =	sld [smem:$0x3FB1];
	_ =	sdelay $0x3  }
0x34: {  	[smem:$0x3FB1] =	sst s10  }
0x35: {  	s10 =	sld [smem:$0x3FB0];
	_ =	sdelay $0x3  }
0x36: {  	p1 =	seq.s32 s10, $0x1;
	s10 =	sld [smem:$0x3FB1];
	_ =	sdelay $0x3  }
0x37: {  	[smem:$0x3FB1] =	sst s10  }
0x38: {  	s10 =	sld [smem:$0x3FB2]  }
0x39: {  	_ = 	snop;
	(pc) =	sbr.ind lr, $3  }
0x3a: {  	_ = 	snop  }
0x3b: {  	_ = 	snop  }
0x3c: {  	p2 =	seq.s32 s10, $0x1;
	s10 =	sld [smem:$0x3FB1]  }
0x3d: {  	_ =	shalt  }
0x3e: {  	_ =	shalt  }
0x3f: {  	_ =	shalt  }
0x40: {  	_ =	shalt  }
0x41: {  	_ =	shalt  }
0x42: {  	_ =	shalt  }
0x43: {  	_ =	shalt  }
0x44: {  	_ =	shalt  }
0x45: {  	_ =	shalt  }
0x46: {  	_ =	shalt  }
0x47: {  	_ =	shalt  }
0x48: {  	_ =	shalt  }
0x49: {  	_ =	shalt  }
0x4a: {  	_ =	shalt  }
0x4b: {  	_ =	shalt  }
0x4c: {  	_ =	shalt  }
0x4d: {  	_ =	shalt  }
0x4e: {  	_ =	shalt  }
0x4f: {  	_ =	shalt  }
0x50: {  	_ =	shalt  }
0x51: {  	_ =	shalt  }
0x52: {  	_ =	shalt  }
0x53: {  	_ =	shalt  }
0x54: {  	_ =	shalt  }
0x55: {  	_ =	shalt  }
0x56: {  	_ =	shalt  }
0x57: {  	_ =	shalt  }
0x58: {  	_ =	shalt  }
0x59: {  	_ =	shalt  }
0x5a: {  	_ =	shalt  }
0x5b: {  	_ =	shalt  }
0x5c: {  	_ =	shalt  }
0x5d: {  	_ =	shalt  }
0x5e: {  	_ =	shalt  }
0x5f: {  	_ =	shalt  }
0x60: {  	_ =	shalt  }
0x61: {  	_ =	shalt  }
0x62: {  	_ =	shalt  }
0x63: {  	_ =	shalt  }
0x64: {  	_ =	shalt  }
0x65: {  	_ =	shalt  }
0x66: {  	_ =	shalt  }
0x67: {  	_ =	shalt  }
0x68: {  	_ =	shalt  }
0x69: {  	_ =	shalt  }
0x6a: {  	_ =	shalt  }
0x6b: {  	_ =	shalt  }
0x6c: {  	_ =	shalt  }
0x6d: {  	_ =	shalt  }
0x6e: {  	_ =	shalt  }
0x6f: {  	_ =	shalt  }
0x70: {  	_ =	shalt  }
0x71: {  	_ =	shalt  }
0x72: {  	_ =	shalt  }
0x73: {  	_ =	shalt  }
0x74: {  	_ =	shalt  }
0x75: {  	_ =	shalt  }
0x76: {  	_ =	shalt  }
0x77: {  	_ =	shalt  }
0x78: {  	_ =	shalt  }
0x79: {  	_ =	shalt  }
0x7a: {  	_ =	shalt  }
0x7b: {  	_ =	shalt  }
0x7c: {  	_ =	shalt  }
0x7d: {  	_ =	shalt  }
0x7e: {  	_ =	shalt  }
0x7f: {  	_ =	shalt  }
0x80: {  	_ =	shalt  }
0x81: {  	_ =	shalt  }
0x82: {  	_ =	shalt  }
0x83: {  	_ =	shalt  }
0x84: {  	_ =	shalt  }
0x85: {  	_ =	shalt  }
0x86: {  	_ =	shalt  }
0x87: {  	_ =	shalt  }
.Lfunc_end0:
.L_simem_size_0:
called_computation.2_lowered:
.L_overlay_start_0:
0x88: {  	s2 =	sld [smem:$0x3FD9]  }
0x89: {  	s3 =	sld [smem:$0x3FFE];
	_ =	sdelay $0x1  }
0x8a: {  	s1 =	srdreg.scid  }
0x8b: {  	s0 =	sand.u32 $0x1, s1  }
0x8c: {  	s17 =	sshll.u32 s0, $0xA;
	s2 =	sadd.s32 s3, s2  }
0x8d: {  	s2 =	sadd.s32 s2, s17  }
0x8e: {  	[smem:$0x3FBD] =	sst s2  }
0x8f: {  	_ = 	snop  }
0x90: {  	s2 =	sld [smem:$0x3FC7]  }
0x91: {  	s18 =	sld [smem:$0x3FBF]  }
0x92: {  	s4 =	sld [smem:$0x3FD0];
	(tm) =	ssettm $0x1  }
0x93: {  	s5 =	sld [smem:$0x3FFB];
	_ =	sdelay $0x3  }
0x94: {  	_ =	strace s5  }
0x95: {  	s5 =	sld [smem:$0x3FFC];
	_ =	sdelay $0x3  }
0x96: {  	_ =	strace s5  }
0x97: {  	s5 =	sld [smem:$0x3FFD];
	_ =	sdelay $0x3  }
0x98: {  	_ =	strace s5  }
0x99: {  	_ =	strace $0x8FFFFFFF  }
0x9a: {  	s19 =	sld [smem:$0x3FDB];
	_ =	sdelay $0x1  }
0x9b: {  	s6 =	simm.s32 $_scs_section_size  }
0x9c: {  	s7 =	simm.s32 $_size__tile_overlayer_lowered;
	s8 =	simm.s32 $_tile_overlayer_lowered  }
0x9d: {  	s22 =	simm.s32 $0x1BFF;
	s21 =	sshll.u32 s8, $0x1;
	s5 =	sadd.s32 s6, s19  }
0x9e: {  	s9 =	simm.s32 $0x0;
	s20 =	sshll.u32 s7, $0x1;
	s7 =	sadd.s32 s21, s5  }
0x9f: {  	[timem:s9], [sflag:s22] =	dma.local [hbm:s7], s20  }
0xa0: {  	_ =	swait.ge [sflag:s22], s20  }
0xa1: {  	s6 =	ssub.s32 $0x0, s20;
	[sflag:s22] =	ssyncset.done $0x0  }
0xa2: {  	[sflag:s22] =	ssyncadd.s32 s6;
	_ =	sdelay $0x1  }
0xa3: {  	s23 =	simm.s32 $0x1B8B  }
0xa4: {  	_ =	swait.ge [sflag:s23], $0x1  }
0xa5: {  	[sflag:s23] =	ssyncset.done $0x0  }
0xa6: {  	s25 =	simm.s32 $0x1B8E;
	s24 =	sld [smem:$0x3FFE];
	[sflag:s23] =	ssyncadd.s32 $0xFFFFFFFF  }
0xa7: {  	s26 =	simm.s32 $execute0_lowered;
	[smem:$0x3FD2] =	sst s25  }
0xa8: {  	s7 =	sshll.u32 s26, $0x1;
	_ =	strace $0x8000004C;
	[dreg:$0x1] =	wrdreg $0xFFFFFFFF  }
0xa9: {  	s28 =	simm.s32 $_size_execute0_lowered;
	s5 =	sadd.s32 s5, s7;
	[dreg:$0x0] =	wrdreg $0x0  }
0xaa: {  	s7 =	sshll.u32 s28, $0x1;
	[dreg:$0x2] =	wrdreg s5  }
0xab: {  	[dreg:$0x3] =	wrdreg s7  }
0xac: {  	[dreg:$0x4] =	wrdreg $0xC0  }
0xad: {  	_ =	task [dreg:s9], $0x5FFFF  }
0xae: {  	[dreg:$0x1] =	wrdreg $0xFFFFFFFF  }
0xaf: {  	[dreg:$0x0] =	wrdreg $0x60  }
0xb0: {  	[dreg:$0x2] =	wrdreg s24  }
0xb1: {  	[dreg:$0x3] =	wrdreg s2  }
0xb2: {  	[dreg:$0x4] =	wrdreg s18  }
0xb3: {  	[dreg:$0x5] =	wrdreg s4  }
0xb4: {  	[dreg:$0x6] =	wrdreg $0x9  }
0xb5: {  	_ =	task.clear_ibuf [dreg:s9], $0x7FFFF;
	_ =	strace $0x9000004C  }
0xb6: {  	s29 =	simm.s32 $0x9;
	_ =	strace $0x8000004E  }
0xb7: {  	_ =	swait.ge [sflag:s29], $0x1  }
0xb8: {  	[sflag:s29] =	ssyncadd.s32 $0xFFFFFFFF  }
0xb9: {  	_ =	strace $0x9000004E  }
0xba: {  	_ =	sfence  }
0xbb: {  	s30 =	sld [smem:$0x0];
	_ =	sdelay $0x2  }
0xbc: {  	s31 =	sshll.u32 s1, $0xD;
	s1 =	sshrl.u32 s1, $0x2  }
0xbd: {  	s3 =	sand.u32 $0x4000, s31;
	s1 =	sadd.s32 s1, s30  }
0xbe: {  	s0 =	sor.u32 s3, s0;
	s1 =	sshll.u32 s1, $0x11  }
0xbf: {  	s0 =	sor.u32 s1, s0  }
0xc0: {  	s0 =	sadd.s32 $0x8F2B, s0  }
0xc1: {  	[sflag:s0] =	ssyncadd.remote.s32 $0x1  }
0xc2: {  	_ =	sfence.sel $0xFFFF  }
0xc3: {  	[dreg:$0x0] =	wrdreg $0xFFFFFFFF;
	(pc) =	sbr.abs _section_cstart, $3  }
0xc4: {  	[dreg:$0x1] =	wrdreg $0xFFFFFFFF  }
0xc5: {  	_ =	task.clear_ibuf [dreg:s9], $0x2FFFF;
	_ =	strace $0x9FFFFFFF  }
0xc6: {  	(tm) =	ssettm $0x7FFFFFFF  }
0xc7: {  	_ =	shalt  }
tec
execute0_lowered:
.L_overlay_start_1:
0x0: {  	(tag) =	ssettag $0x1  }
0x1: {  	s4 =	rddreg [dreg:$0x0]  }
0x2: {  	s5 =	rddreg [dreg:$0x1]  }
0x3: {  	s1 =	rddreg [dreg:$0x2]  }
0x4: {  	s6 =	rddreg [dreg:$0x3]  }
0x5: {  	s0 =	rddreg [dreg:$0x4];
	s7 =	srdreg.scid  }
0x6: {  	s3 =	simm.s32 $0x0;
	s2 =	stileid.u32;
	s11 =	simm.s32 $0x40  }
0x7: {  	s12 =	simm.s32 $0xA40;
	s13 =	simm.s32 $0x1440;
	s14 =	simm.s32 $0x0  }
0x8: {  	s7 =	sand.u32 $0x1, s7;
	[smem:$0x7FF] =	sst s3;
	s9 =	sshll.u32 s2, $0x5  }
0x9: {  	s4 =	sadd.s32 $0x55C00, s4;
	s8 =	sshll.u32 s7, $0x9;
	s7 =	ssub.s32 $0x2, s7  }
0xa: {  	_ =	strace $0x8000004D;
	s8 =	sor.u32 s9, s8;
	s31 =	sshrl.u32 s7, $0x1  }
0xb: {  	s9 =	simm.s32 $0x1C40;
	s10 =	sshrl.u32 s8, $0x3;
	s8 =	sshll.u32 s8, $0x3  }
0xc: {  	s7 =	ssub.s32 s7, s31;
	s5 =	sadd.s32 s5, s10;
	s6 =	sadd.s32 s6, s8  }
0xd: {  	v0 =	vimm.s32 $0x0;
	s7 =	smax.u32 s7, $0x1;
	s8 =	simm.s32 $0x1;
	s10 =	simm.s32 $0x20  }
.LBB2_1:
0xe: {  	[tilespmem:s3], [sflag:$0x1] =	stream.linear.gather [hbm4b:s5+s3], $0x20, $0x38;
	[tilespmem:$0x1C80] =	vst v63  }
0xf: {  	_ =	swait.ge [sflag:s8], $0x20  }
0x10: {  	[sflag:s8] =	ssyncset.done $0x0  }
0x11: {  	[sflag:s8] =	ssyncadd.s32 $0xFFFFFFE0  }
0x12: {  	[tilespmem:s9], [sflag:$0x1] =	stream.linear.gather [hbm4b:s1+s3], $0x40, $0x38;
	[tilespmem:$0x1C80] =	vst v63  }
0x13: {  	_ =	swait.ge [sflag:s8], $0x40  }
0x14: {  	[sflag:s8] =	ssyncset.done $0x0  }
0x15: {  	[sflag:s8] =	ssyncadd.s32 $0xFFFFFFC0  }
0x16: {  	v1 =	vld [tilespmem:$0x0]  }
0x17: {  	v2 =	vld [tilespmem:$0x10];
	_ =	sdelay $0x3  }
0x18: {  	v1 =	vadd.s32 $0x2780, v1  }
0x19: {  	[tilespmem:$0x20] =	vst v1;
	v1 =	vadd.s32 $0x2780, v2  }
0x1a: {  	[tilespmem:$0x30] =	vst v1  }
0x1b: {  	[tilespmem:s11], [sflag:$0x1] =	stream.indirect.gather [hbm4b:s4+s10], $0x50, s3, s10, $0xb8;
	[tilespmem:$0x1C80] =	vst v63  }
0x1c: {  	_ =	swait.ge [sflag:s8], $0xA00  }
0x1d: {  	[sflag:s8] =	ssyncset.done $0x0  }
0x1e: {  	[sflag:s8] =	ssyncadd.s32 $0xFFFFF600  }
0x1f: {  	[tilespmem:s12], [sflag:$0x1] =	stream.indirect.gather [hbm4b:s4+s10], $0x50, s10, s10, $0xb8;
	[tilespmem:$0x1C80] =	vst v63  }
0x20: {  	_ =	swait.ge [sflag:s8], $0xA00  }
0x21: {  	[sflag:s8] =	ssyncset.done $0x0  }
0x22: {  	s16 =	simm.s32 $0x0;
	[sflag:s8] =	ssyncadd.s32 $0xFFFFF600  }
0x23: {  	v1 =	vld [tilespmem:s16+$0x80]  }
0x24: {  	v2 =	vld [tilespmem:s16+$0xA80];
	_ =	sdelay $0x4  }
0x25: {  	v1 =	vadd.f32 v2, v1;
	_ =	sdelay $0x1  }
0x26: {  	v1 =	vperm.xlane v1, v0;
	_ =	sdelay $0x1  }
0x27: {  	v1 =	vadd.f32 $9.999999710e-10, v1;
	_ =	sdelay $0x1  }
0x28: {  	(erf) = vrcp.f32 v1;
	_ =	sdelay $0x1  }
0x29: {  	v2 =	vld [tilespmem:s16+$0x40]  }
0x2a: {  	v1 =	vld [tilespmem:s16+$0xA40];
	_ =	sdelay $0x3  }
0x2b: {  	v3 =	vld [tilespmem:$0x1C40]  }
0x2c: {  	v2 =	vadd.f32 v1, v2  }
0x2d: {  	v1 =	vpop (erf)  }
0x2e: {  	v2 =	vmul.f32 v2, v1;
	_ =	sdelay $0x1  }
0x2f: {  	v2 =	vadd.f32 v2, v3  }
0x30: {  	s15 =	simm.s32 $0x1460  }
0x31: {  	[tilespmem:s15+$0xFFFFFFE0] =	vst v2  }
0x32: {  	v2 =	vld [tilespmem:s16+$0x50]  }
0x33: {  	v3 =	vld [tilespmem:s16+$0xA50];
	_ =	sdelay $0x3  }
0x34: {  	v4 =	vld [tilespmem:$0x1C50]  }
0x35: {  	v2 =	vadd.f32 v3, v2;
	_ =	sdelay $0x1  }
0x36: {  	v2 =	vmul.f32 v2, v1;
	_ =	sdelay $0x1  }
0x37: {  	v2 =	vadd.f32 v2, v4;
	_ =	sdelay $0x1  }
0x38: {  	[tilespmem:s15+$0xFFFFFFF0] =	vst v2  }
0x39: {  	v2 =	vld [tilespmem:s16+$0x60]  }
0x3a: {  	v3 =	vld [tilespmem:s16+$0xA60];
	_ =	sdelay $0x3  }
0x3b: {  	v4 =	vld [tilespmem:$0x1C60]  }
0x3c: {  	v2 =	vadd.f32 v3, v2;
	_ =	sdelay $0x1  }
0x3d: {  	v2 =	vmul.f32 v2, v1;
	_ =	sdelay $0x1  }
0x3e: {  	v2 =	vadd.f32 v2, v4;
	_ =	sdelay $0x1  }
0x3f: {  	[tilespmem:s15+$0x0] =	vst v2  }
0x40: {  	v3 =	vld [tilespmem:s16+$0x70]  }
0x41: {  	v4 =	vld [tilespmem:s16+$0xA70];
	_ =	sdelay $0x4  }
0x42: {  	s17 =	simm.s32 $0x1460;
	s16 =	simm.s32 $0x140;
	v2 =	vld [tilespmem:$0x1C70];
	v3 =	vadd.f32 v4, v3  }
.LBB2_2:
0x43: {  	p0 =	sne.s32 s16, $0x26C0  }
0x44: {  	s15 =	sadd.s32 $0x40, s15;
	s18 =	smov.u32 s16;
	s16 =	sadd.s32 $0x140, s16  }
0x45: {  	v1 =	vmul.f32 v3, v1;
	_ =	sdelay $0x1  }
0x46: {  	v1 =	vadd.f32 v1, v2  }
0x47: {  	s18 =	sshra.s32 s18, $0x2  }
0x48: {  	[tilespmem:s17+$0x10] =	vst v1;
	s17 =	smov.u32 s15  }
0x49: {  	v1 =	vld [tilespmem:s18+$0x80]  }
0x4a: {  	v2 =	vld [tilespmem:s18+$0xA80];
	_ =	sdelay $0x4  }
0x4b: {  	v1 =	vadd.f32 v2, v1;
	_ =	sdelay $0x1  }
0x4c: {  	v1 =	vperm.xlane v1, v0;
	_ =	sdelay $0x1  }
0x4d: {  	v1 =	vadd.f32 $9.999999710e-10, v1;
	_ =	sdelay $0x1  }
0x4e: {  	(erf) = vrcp.f32 v1;
	_ =	sdelay $0x1  }
0x4f: {  	v1 =	vld [tilespmem:s18+$0xA40]  }
0x50: {  	v2 =	vld [tilespmem:s18+$0x40];
	_ =	sdelay $0x3  }
0x51: {  	v3 =	vld [tilespmem:$0x1C40]  }
0x52: {  	v2 =	vadd.f32 v1, v2  }
0x53: {  	v1 =	vpop (erf)  }
0x54: {  	v2 =	vmul.f32 v2, v1;
	_ =	sdelay $0x1  }
0x55: {  	v2 =	vadd.f32 v2, v3;
	_ =	sdelay $0x1  }
0x56: {  	[tilespmem:s15+$0xFFFFFFE0] =	vst v2  }
0x57: {  	v2 =	vld [tilespmem:s18+$0x50]  }
0x58: {  	v3 =	vld [tilespmem:s18+$0xA50];
	_ =	sdelay $0x3  }
0x59: {  	v4 =	vld [tilespmem:$0x1C50]  }
0x5a: {  	v2 =	vadd.f32 v3, v2;
	_ =	sdelay $0x1  }
0x5b: {  	v2 =	vmul.f32 v2, v1;
	_ =	sdelay $0x1  }
0x5c: {  	v2 =	vadd.f32 v2, v4;
	_ =	sdelay $0x1  }
0x5d: {  	[tilespmem:s15+$0xFFFFFFF0] =	vst v2  }
0x5e: {  	v2 =	vld [tilespmem:s18+$0x60]  }
0x5f: {  	v3 =	vld [tilespmem:s18+$0xA60];
	_ =	sdelay $0x3  }
0x60: {  	v4 =	vld [tilespmem:$0x1C60]  }
0x61: {  	v2 =	vadd.f32 v3, v2;
	_ =	sdelay $0x1  }
0x62: {  	v2 =	vmul.f32 v2, v1;
	_ =	sdelay $0x1  }
0x63: {  	v2 =	vadd.f32 v2, v4;
	_ =	sdelay $0x1  }
0x64: {  	[tilespmem:s15+$0x0] =	vst v2  }
0x65: {  	v3 =	vld [tilespmem:s18+$0x70]  }
0x66: {  	v4 =	vld [tilespmem:s18+$0xA70]  }
.Ltmp0:
0x67: {  	v2 =	vld [tilespmem:$0x1C70];
	(pc) =	sbr.rel @p0 .LBB2_2-.Ltmp0, $2  }
0x68: {  	_ =	sdelay $0x2  }
0x69: {  	v3 =	vadd.f32 v4, v3  }
0x6a: {  	_ = 	snop  }
0x6b: {  	v1 =	vmul.f32 v3, v1;
	_ =	sdelay $0x1  }
0x6c: {  	s14 =	sadd.s32 $0x1, s14;
	v1 =	vadd.f32 v1, v2  }
0x6d: {  	p0 =	sne.s32 s14, s7  }
.Ltmp1:
0x6e: {  	[tilespmem:s17+$0x10] =	vst v1;
	(pc) =	sbr.rel @p0 .LBB2_1-.Ltmp1, $4  }
0x6f: {  	[hbm4b:s6+s3] =	stream.linear.scatter [tilespmem:s13], [sflag:$0x1], $0x800, $0x38;
	[tilespmem:$0x1C80] =	vst v63  }
0x70: {  	_ =	swait.ge [sflag:s8], $0x800  }
0x71: {  	[sflag:s8] =	ssyncset.done $0x0  }
0x72: {  	[sflag:s8] =	ssyncadd.s32 $0xFFFFF800  }
0x73: {  	_ =	sfence.sel $0x180000  }
0x74: {  	[bflag:$0x0] =	sbarrier.arrive $0xFFFF  }
0x75: {  	p0 =	sne.s32 s2, $0x0;
	_ =	strace $0x9000004D  }
0x76: {  	s0 =	sadd.s32 @!p0 $0x100000, s0;
	[bflag:$0x2] =	sbarrier.arrive $0xFFFF  }
0x77: {  	[sflag:s0] =	ssyncadd.tile.s32 @!p0 $0x1;
	_ =	shalt  }
.Lfunc_end2:
_tile_overlayer_lowered:
.L_overlay_start_2:
0x78: {  	(tag) =	ssettag $0x2  }
0x79: {  	s0 =	rddreg [dreg:$0x0];
	s2 =	stileid.u32  }
0x7a: {  	s1 =	rddreg [dreg:$0x1];
	p0 =	sne.s32 s2, $0x0  }
0x7b: {  	s3 =	rddreg [dreg:$0x2];
	[bflag:$0x3] =	sbarrier.arrive $0xFFFF;
	s2 =	simm.s32 @!p0 $0x1C01  }
0x7c: {  	[timem:s3], [sflag:s2] =	dma.local @!p0 [hbm:s0], s1  }
0x7d: {  	s0 =	simm.s32 @!p0 $0x1  }
0x7e: {  	_ =	swait.ge @!p0 [sflag:s0], s1  }
0x7f: {  	s1 =	ssub.s32 @!p0 $0x0, s1;
	[sflag:s0] =	ssyncset.done @!p0 $0x0  }
0x80: {  	[sflag:s0] =	ssyncadd.s32 @!p0 s1  }
0x81: {  	[bflag:$0x3] =	sbarrier.arrive $0xFFFF  }
0x82: {  	_ =	shalt  }

// kernel: kernel.7.cloned.1.call-start
scs
__scs_entry_jumppad:
0x0: {  	(pc) =	sbr.rel $0x88, $3  }
0x1: {  	(tag) =	ssettag $0x0;
	lr =	simm.s32 $0x1  }
0x2: {  	[smem:$0x3F96] =	sst lr;
	_ =	strace $0xD0000000  }
0x3: {  	_ = 	snop  }
0x4: {  	_ = 	snop  }
0x5: {  	_ = 	snop  }
0x6: {  	_ = 	snop  }
0x7: {  	_ = 	snop  }
__scs_overlays_trampoline_lowered:
0x8: {  	[smem:$0x3FA5] =	sst s0  }
0x9: {  	[smem:$0x3FA6] =	sst s1  }
0xa: {  	[smem:$0x3FA7] =	sst s2  }
0xb: {  	[smem:$0x3FA8] =	sst s3  }
0xc: {  	[smem:$0x3FA9] =	sst s4  }
0xd: {  	[smem:$0x3FAA] =	sst s5  }
0xe: {  	[smem:$0x3FAB] =	sst s6  }
0xf: {  	[smem:$0x3FAC] =	sst s7  }
0x10: {  	[smem:$0x3FAD] =	sst s8  }
0x11: {  	[smem:$0x3FAE] =	sst s9;
	s0 =	simm.s32 @!p0 $0x0  }
0x12: {  	s1 =	sld [smem:$0x3F94];
	s0 =	simm.s32 @p0 $0x1  }
0x13: {  	[smem:$0x3FAF] =	sst s0;
	s0 =	simm.s32 @!p1 $0x0  }
0x14: {  	s2 =	sld [smem:$0x3F93];
	s0 =	simm.s32 @p1 $0x1  }
0x15: {  	[smem:$0x3FB0] =	sst s0;
	s0 =	simm.s32 @!p2 $0x0  }
0x16: {  	s3 =	sld [smem:$0x3FDB];
	s0 =	simm.s32 @p2 $0x1  }
0x17: {  	s4 =	simm.s32 $0x1BF5;
	[smem:$0x3FB2] =	sst s0  }
0x18: {  	s0 =	sld [smem:$0x3F95];
	_ =	swait.ge [sflag:s4], $0x0  }
0x19: {  	s7 =	sld [smem:$0x3F96]  }
0x1a: {  	s8 =	sadd.s32 $0xFFFFE003, lr  }
0x1b: {  	s9 =	sadd.s32 $0xFFFFFEF7, lr;
	s5 =	simm.s32 $0xFFFFFFFF;
	p2 =	slt.u32 s8, $0xFFFFF086  }
0x1c: {  	p1 =	slt.u32 s9, $0xF7A;
	s5 =	simm.s32 @!p2 $0x0  }
0x1d: {  	s5 =	simm.s32 @p1 $0x1;
	p0 =	seq.s32 s7, s2  }
0x1e: {  	s7 =	smul.u32 @!p0 $0xF7A, s2;
	p2 =	seq.s32 @!p0 s5, $0x0  }
0x1f: {  	s9 =	smul.u32 $0xF7A, s1;
	s8 =	simm.s32 @!p0 $0x1BF5;
	p2 =	por !p2, p0  }
0x20: {  	[sflag:s8] =	ssyncset.s32 @!p0 $0xFFFFF086;
	s6 =	sadd.s32 @!p0 s3, s7;
	s7 =	simm.s32 @!p0 $0x108  }
0x21: {  	s3 =	sadd.s32 s3, s9;
	s6 =	sadd.s32 @!p0 $0x88, s6;
	s7 =	simm.s32 @p2 $0x1082  }
0x22: {  	[simem:s7], [sflag:s8] =	dma.local @!p0 [hbm:s6], $0xF7A  }
0x23: {  	s9 =	sor.u32 $0xD0000000, s2;
	s6 =	simm.s32 $0x108;
	_ =	swait.ge @!p0 [sflag:s8], $0x0  }
0x24: {  	s3 =	sadd.s32 $0x88, s3;
	s6 =	simm.s32 @!p1 $0x1082;
	[sflag:s4] =	ssyncset.s32 $0xFFFFF086  }
0x25: {  	[simem:s6], [sflag:s4] =	dma.local [hbm:s3], $0xF7A  }
0x26: {  	[smem:$0x3F96] =	sst s1;
	(tag) =	ssettag s2;
	_ =	strace s9  }
0x27: {  	s1 =	sld [smem:$0x3FA6]  }
0x28: {  	s2 =	sld [smem:$0x3FA7]  }
0x29: {  	s4 =	sld [smem:$0x3FA9]  }
0x2a: {  	p0 =	seq.s32 s5, $0x0;
	s5 =	sld [smem:$0x3FAA]  }
0x2b: {  	s6 =	sld [smem:$0x3FAB]  }
0x2c: {  	s7 =	sld [smem:$0x3FAC]  }
0x2d: {  	s3 =	simm.s32 $0x108;
	s8 =	sld [smem:$0x3FAD]  }
0x2e: {  	s3 =	simm.s32 @!p0 $0x1082;
	s9 =	sld [smem:$0x3FAE]  }
0x2f: {  	lr =	sadd.s32 s0, s3;
	s0 =	sld [smem:$0x3FA5]  }
0x30: {  	s3 =	sld [smem:$0x3FA8]  }
0x31: {  	[smem:$0x3FB1] =	sst s10  }
0x32: {  	s10 =	sld [smem:$0x3FAF];
	_ =	sdelay $0x3  }
0x33: {  	p0 =	seq.s32 s10, $0x1;
	s10 =	sld [smem:$0x3FB1];
	_ =	sdelay $0x3  }
0x34: {  	[smem:$0x3FB1] =	sst s10  }
0x35: {  	s10 =	sld [smem:$0x3FB0];
	_ =	sdelay $0x3  }
0x36: {  	p1 =	seq.s32 s10, $0x1;
	s10 =	sld [smem:$0x3FB1];
	_ =	sdelay $0x3  }
0x37: {  	[smem:$0x3FB1] =	sst s10  }
0x38: {  	s10 =	sld [smem:$0x3FB2]  }
0x39: {  	_ = 	snop;
	(pc) =	sbr.ind lr, $3  }
0x3a: {  	_ = 	snop  }
0x3b: {  	_ = 	snop  }
0x3c: {  	p2 =	seq.s32 s10, $0x1;
	s10 =	sld [smem:$0x3FB1]  }
0x3d: {  	_ =	shalt  }
0x3e: {  	_ =	shalt  }
0x3f: {  	_ =	shalt  }
0x40: {  	_ =	shalt  }
0x41: {  	_ =	shalt  }
0x42: {  	_ =	shalt  }
0x43: {  	_ =	shalt  }
0x44: {  	_ =	shalt  }
0x45: {  	_ =	shalt  }
0x46: {  	_ =	shalt  }
0x47: {  	_ =	shalt  }
0x48: {  	_ =	shalt  }
0x49: {  	_ =	shalt  }
0x4a: {  	_ =	shalt  }
0x4b: {  	_ =	shalt  }
0x4c: {  	_ =	shalt  }
0x4d: {  	_ =	shalt  }
0x4e: {  	_ =	shalt  }
0x4f: {  	_ =	shalt  }
0x50: {  	_ =	shalt  }
0x51: {  	_ =	shalt  }
0x52: {  	_ =	shalt  }
0x53: {  	_ =	shalt  }
0x54: {  	_ =	shalt  }
0x55: {  	_ =	shalt  }
0x56: {  	_ =	shalt  }
0x57: {  	_ =	shalt  }
0x58: {  	_ =	shalt  }
0x59: {  	_ =	shalt  }
0x5a: {  	_ =	shalt  }
0x5b: {  	_ =	shalt  }
0x5c: {  	_ =	shalt  }
0x5d: {  	_ =	shalt  }
0x5e: {  	_ =	shalt  }
0x5f: {  	_ =	shalt  }
0x60: {  	_ =	shalt  }
0x61: {  	_ =	shalt  }
0x62: {  	_ =	shalt  }
0x63: {  	_ =	shalt  }
0x64: {  	_ =	shalt  }
0x65: {  	_ =	shalt  }
0x66: {  	_ =	shalt  }
0x67: {  	_ =	shalt  }
0x68: {  	_ =	shalt  }
0x69: {  	_ =	shalt  }
0x6a: {  	_ =	shalt  }
0x6b: {  	_ =	shalt  }
0x6c: {  	_ =	shalt  }
0x6d: {  	_ =	shalt  }
0x6e: {  	_ =	shalt  }
0x6f: {  	_ =	shalt  }
0x70: {  	_ =	shalt  }
0x71: {  	_ =	shalt  }
0x72: {  	_ =	shalt  }
0x73: {  	_ =	shalt  }
0x74: {  	_ =	shalt  }
0x75: {  	_ =	shalt  }
0x76: {  	_ =	shalt  }
0x77: {  	_ =	shalt  }
0x78: {  	_ =	shalt  }
0x79: {  	_ =	shalt  }
0x7a: {  	_ =	shalt  }
0x7b: {  	_ =	shalt  }
0x7c: {  	_ =	shalt  }
0x7d: {  	_ =	shalt  }
0x7e: {  	_ =	shalt  }
0x7f: {  	_ =	shalt  }
0x80: {  	_ =	shalt  }
0x81: {  	_ =	shalt  }
0x82: {  	_ =	shalt  }
0x83: {  	_ =	shalt  }
0x84: {  	_ =	shalt  }
0x85: {  	_ =	shalt  }
0x86: {  	_ =	shalt  }
0x87: {  	_ =	shalt  }
.Lfunc_end0:
.L_simem_size_0:
called_computation_lowered:
.L_overlay_start_0:
0x88: {  	s2 =	sld [smem:$0x3FD9]  }
0x89: {  	s3 =	sld [smem:$0x3FFE];
	_ =	sdelay $0x1  }
0x8a: {  	s1 =	srdreg.scid  }
0x8b: {  	s0 =	sand.u32 $0x1, s1  }
0x8c: {  	s16 =	sshll.u32 s0, $0xA;
	s2 =	sadd.s32 s3, s2  }
0x8d: {  	s2 =	sadd.s32 s2, s16  }
0x8e: {  	[smem:$0x3FBD] =	sst s2  }
0x8f: {  	_ = 	snop  }
0x90: {  	(tm) =	ssettm $0x1  }
0x91: {  	s17 =	sld [smem:$0x3FFB];
	_ =	sdelay $0x3  }
0x92: {  	_ =	strace s17  }
0x93: {  	s2 =	sld [smem:$0x3FFC];
	_ =	sdelay $0x3  }
0x94: {  	_ =	strace s2  }
0x95: {  	s2 =	sld [smem:$0x3FFD];
	_ =	sdelay $0x3  }
0x96: {  	_ =	strace s2  }
0x97: {  	_ =	strace $0x8FFFFFFF  }
0x98: {  	s18 =	sld [smem:$0x3FDB];
	_ =	sdelay $0x1  }
0x99: {  	s19 =	simm.s32 $_scs_section_size  }
0x9a: {  	s4 =	simm.s32 $_size__tile_overlayer_lowered;
	s5 =	simm.s32 $_tile_overlayer_lowered  }
0x9b: {  	s22 =	simm.s32 $0x1BFF;
	s21 =	sshll.u32 s5, $0x1;
	s2 =	sadd.s32 s19, s18  }
0x9c: {  	s6 =	simm.s32 $0x0;
	s20 =	sshll.u32 s4, $0x1;
	s4 =	sadd.s32 s21, s2  }
0x9d: {  	[timem:s6], [sflag:s22] =	dma.local [hbm:s4], s20  }
0x9e: {  	_ =	swait.ge [sflag:s22], s20  }
0x9f: {  	s3 =	ssub.s32 $0x0, s20;
	[sflag:s22] =	ssyncset.done $0x0  }
0xa0: {  	[sflag:s22] =	ssyncadd.s32 s3;
	_ =	sdelay $0x1  }
0xa1: {  	s23 =	simm.s32 $0x1B8B  }
0xa2: {  	_ =	swait.ge [sflag:s23], $0x1  }
0xa3: {  	[sflag:s23] =	ssyncset.done $0x0  }
0xa4: {  	s25 =	simm.s32 $0x1B8E;
	s24 =	sld [smem:$0x3FFE];
	[sflag:s23] =	ssyncadd.s32 $0xFFFFFFFF  }
0xa5: {  	s26 =	simm.s32 $execute0_lowered;
	[smem:$0x3FD2] =	sst s25  }
0xa6: {  	s4 =	sshll.u32 s26, $0x1;
	_ =	strace $0x80000046;
	[dreg:$0x1] =	wrdreg $0xFFFFFFFF  }
0xa7: {  	s28 =	simm.s32 $_size_execute0_lowered;
	s2 =	sadd.s32 s2, s4;
	[dreg:$0x0] =	wrdreg $0x0  }
0xa8: {  	s4 =	sshll.u32 s28, $0x1;
	[dreg:$0x2] =	wrdreg s2  }
0xa9: {  	[dreg:$0x3] =	wrdreg s4  }
0xaa: {  	[dreg:$0x4] =	wrdreg $0xC0  }
0xab: {  	_ =	task [dreg:s6], $0x5FFFF  }
0xac: {  	[dreg:$0x1] =	wrdreg $0xFFFFFFFF  }
0xad: {  	[dreg:$0x0] =	wrdreg $0x60  }
0xae: {  	[dreg:$0x2] =	wrdreg s24  }
0xaf: {  	[dreg:$0x3] =	wrdreg $0x8D400  }
0xb0: {  	[dreg:$0x4] =	wrdreg $0x9  }
0xb1: {  	_ =	task.clear_ibuf [dreg:s6], $0x5FFFF;
	_ =	strace $0x90000046  }
0xb2: {  	s29 =	simm.s32 $0x9;
	_ =	strace $0x80000048  }
0xb3: {  	_ =	swait.ge [sflag:s29], $0x1  }
0xb4: {  	[sflag:s29] =	ssyncadd.s32 $0xFFFFFFFF  }
0xb5: {  	_ =	strace $0x90000048  }
0xb6: {  	_ =	sfence  }
0xb7: {  	s30 =	sld [smem:$0x0];
	_ =	sdelay $0x2  }
0xb8: {  	s31 =	sshll.u32 s1, $0xD;
	s1 =	sshrl.u32 s1, $0x2  }
0xb9: {  	s3 =	sand.u32 $0x4000, s31;
	s1 =	sadd.s32 s1, s30  }
0xba: {  	s0 =	sor.u32 s3, s0;
	s1 =	sshll.u32 s1, $0x11  }
0xbb: {  	s0 =	sor.u32 s1, s0  }
0xbc: {  	s0 =	sadd.s32 $0x8F2B, s0  }
0xbd: {  	[sflag:s0] =	ssyncadd.remote.s32 $0x1  }
0xbe: {  	_ =	sfence.sel $0xFFFF  }
0xbf: {  	[dreg:$0x0] =	wrdreg $0xFFFFFFFF;
	(pc) =	sbr.abs _section_cstart, $3  }
0xc0: {  	[dreg:$0x1] =	wrdreg $0xFFFFFFFF  }
0xc1: {  	_ =	task.clear_ibuf [dreg:s6], $0x2FFFF;
	_ =	strace $0x9FFFFFFF  }
0xc2: {  	(tm) =	ssettm $0x7FFFFFFF  }
0xc3: {  	_ =	shalt  }
tec
execute0_lowered:
.L_overlay_start_1:
0x0: {  	(tag) =	ssettag $0x1  }
0x1: {  	s0 =	srdreg.scid  }
0x2: {  	s12 =	stileid.u32;
	s6 =	rddreg [dreg:$0x0]  }
0x3: {  	s3 =	simm.s32 $0x0;
	s13 =	simm.s32 $0x50;
	s14 =	simm.s32 $0x2800  }
0x4: {  	s15 =	simm.s32 $0x3340;
	s16 =	simm.s32 $0x28A0;
	s17 =	simm.s32 $0x2940  }
0x5: {  	s18 =	simm.s32 $0x1;
	s19 =	simm.s32 $0x2850;
	s20 =	simm.s32 $0x6040  }
0x6: {  	s21 =	simm.s32 $0x28F0;
	s22 =	simm.s32 $0x2E40;
	s23 =	simm.s32 $0x2  }
0x7: {  	s24 =	simm.s32 $0x3;
	s25 =	simm.s32 $0x4;
	s26 =	simm.s32 $0x0  }
0x8: {  	s0 =	sand.u32 $0x1, s0;
	s2 =	sshll.u32 s12, $0x7;
	s7 =	smul.u32 $0x16380, s12  }
0x9: {  	[smem:$0x7FF] =	sst s3;
	s8 =	smul.u32 $0x2C70, s12;
	s4 =	sadd.s32 $0x7000, s6  }
0xa: {  	s5 =	sadd.s32 $0x2000, s6;
	s31 =	sshll.u32 s12, $0x6;
	s12 =	simm.s32 $0x5  }
0xb: {  	s1 =	sshll.u32 s0, $0xB;
	s9 =	smul.u32 $0x2C700, s0;
	s0 =	ssub.s32 $0x2, s0  }
0xc: {  	s1 =	sor.u32 s2, s1;
	s2 =	rddreg [dreg:$0x1];
	_ =	strace $0x80000047  }
0xd: {  	s10 =	sshrl.u32 s7, $0x3;
	s30 =	sshrl.u32 s0, $0x1;
	s1 =	smul.u32 $0xA, s1  }
0xe: {  	s8 =	sadd.s32 s8, s9;
	s28 =	sadd.s32 s10, s6;
	s0 =	ssub.s32 s0, s30  }
0xf: {  	v0 =	vimm.s32 $0x0;
	v1 =	vimm.s32 $0x1;
	s11 =	sadd.s32 s7, s2;
	s7 =	sor.u32 $0x1C05, s31;
	s29 =	sadd.s32 s8, s6  }
0x10: {  	v2 =	vimm.s32 $0x2;
	v3 =	vimm.s32 $0x3;
	v4 =	vimm.s32 $0x4;
	s10 =	smax.u32 s0, $0x1;
	s11 =	sshrl.u32 s11, $0x3;
	s1 =	sadd.s32 s1, s6  }
0x11: {  	v5 =	vimm.s32 $0x5;
	v6 =	vimm.s32 $0x6;
	v7 =	vimm.s32 $0x7;
	s6 =	sadd.s32 $0x3D000, s28;
	s9 =	sadd.s32 $0x69800, s29;
	s8 =	sadd.s32 $0x33000, s1  }
.LBB2_1:
0x12: {  	[spmem:s11], [sflag:s7] =	dma.local [hbm:s6], $0x2C70  }
0x13: {  	_ =	swait.ge [sflag:s12], $0x2C70  }
0x14: {  	[sflag:s12] =	ssyncset.done $0x0  }
0x15: {  	[sflag:s12] =	ssyncadd.s32 $0xFFFFD390  }
0x16: {  	[bflag:$0x0] =	sbarrier.arrive $0xFFFF  }
0x17: {  	[tilespmem:s3], [sflag:$0x5] =	stream.linear.gather [hbm4b:s8+s3], $0x2800, $0x38;
	[tilespmem:$0x1F0C0] =	vst v63  }
0x18: {  	_ =	swait.ge [sflag:s12], $0x2800  }
0x19: {  	[sflag:s12] =	ssyncset.done $0x0  }
0x1a: {  	[sflag:s12] =	ssyncadd.s32 $0xFFFFD800  }
0x1b: {  	v8 =	vld [tilespmem:$0x0];
	_ =	sdelay $0x1  }
0x1c: {  	v9 =	vld [tilespmem:$0x10];
	_ =	sdelay $0x1  }
0x1d: {  	v10 =	vld [tilespmem:$0x20]  }
0x1e: {  	v11 =	vand.u32 $0x3FFF, v8  }
0x1f: {  	v62 =	vld [tilespmem:$0x30];
	v8 =	vshra.s32 v8, $0xE;
	[tilespmem:$0x2800] =	vst v11  }
0x20: {  	[tilespmem:$0x28A0] =	vst v8;
	v8 =	vand.u32 $0x3FFF, v9  }
0x21: {  	v63 =	vld [tilespmem:$0x40];
	[tilespmem:$0x2810] =	vst v8;
	v8 =	vshra.s32 v9, $0xE  }
0x22: {  	[tilespmem:$0x28B0] =	vst v8;
	v8 =	vand.u32 $0x3FFF, v10  }
0x23: {  	[tilespmem:$0x2820] =	vst v8;
	v8 =	vshra.s32 v10, $0xE  }
0x24: {  	[tilespmem:$0x28C0] =	vst v8;
	v8 =	vand.u32 $0x3FFF, v62  }
0x25: {  	[tilespmem:$0x2830] =	vst v8;
	v8 =	vshra.s32 v62, $0xE  }
0x26: {  	[tilespmem:$0x28D0] =	vst v8;
	v8 =	vand.u32 $0x3FFF, v63  }
0x27: {  	[tilespmem:$0x2840] =	vst v8;
	v8 =	vshra.s32 v63, $0xE  }
0x28: {  	[tilespmem:$0x28E0] =	vst v8  }
0x29: {  	[tilespmem:s15], [sflag:$0x1] =	stream.indirect.gather [hbm4b:s4+s13], $0x90, s14, s13, $0xb8;
	[tilespmem:$0x1F0C0] =	vst v63  }
0x2a: {  	s28 =	simm.s32 $0x0  }
0x2b: {  	[tilespmem:s17], [sflag:$0x1] =	stream.indirect.gather [hbm4b:s5+s13], $0x10, s16, s13, $0xb8;
	[tilespmem:$0x1F0C0] =	vst v63  }
.LBB2_2:
0x2c: {  	_ =	swait.ge [sflag:s18], $0x2D00  }
0x2d: {  	[sflag:s18] =	ssyncset.done $0x0  }
0x2e: {  	[sflag:s18] =	ssyncadd.s32 $0xFFFFD300  }
0x2f: {  	_ =	swait.ge [sflag:s18], $0x500  }
0x30: {  	p0 =	seq.s32 s28, $0x0;
	[sflag:s18] =	ssyncset.done $0x0  }
0x31: {  	s0 =	simm.s32 @!p0 $0x4;
	[sflag:s18] =	ssyncadd.s32 $0xFFFFFB00  }
0x32: {  	s1 =	smul.u32 $0x280, s28;
	_ =	swait.ge @!p0 [sflag:s0], $0x2D00  }
0x33: {  	[sflag:s0] =	ssyncset.done @!p0 $0x0  }
0x34: {  	s29 =	sshra.s32 s1, $0x2;
	[sflag:s0] =	ssyncadd.s32 @!p0 $0xFFFFD300  }
0x35: {  	v8 =	vld [tilespmem:s29+$0x50];
	_ =	sdelay $0x4  }
0x36: {  	v9 =	vand.u32 $0x3FFF, v8  }
0x37: {  	v8 =	vshra.s32 v8, $0xE;
	[tilespmem:$0x2850] =	vst v9  }
0x38: {  	[tilespmem:$0x28F0] =	vst v8  }
0x39: {  	v8 =	vld [tilespmem:s29+$0x60];
	_ =	sdelay $0x4  }
0x3a: {  	v9 =	vand.u32 $0x3FFF, v8  }
0x3b: {  	v8 =	vshra.s32 v8, $0xE;
	[tilespmem:$0x2860] =	vst v9  }
0x3c: {  	[tilespmem:$0x2900] =	vst v8  }
0x3d: {  	v8 =	vld [tilespmem:s29+$0x70];
	_ =	sdelay $0x4  }
0x3e: {  	v9 =	vand.u32 $0x3FFF, v8  }
0x3f: {  	v8 =	vshra.s32 v8, $0xE;
	[tilespmem:$0x2870] =	vst v9  }
0x40: {  	[tilespmem:$0x2910] =	vst v8  }
0x41: {  	v8 =	vld [tilespmem:s29+$0x80];
	_ =	sdelay $0x4  }
0x42: {  	v9 =	vand.u32 $0x3FFF, v8  }
0x43: {  	v8 =	vshra.s32 v8, $0xE;
	[tilespmem:$0x2880] =	vst v9  }
0x44: {  	[tilespmem:$0x2920] =	vst v8  }
0x45: {  	v8 =	vld [tilespmem:s29+$0x90];
	_ =	sdelay $0x4  }
0x46: {  	v9 =	vand.u32 $0x3FFF, v8  }
0x47: {  	v8 =	vshra.s32 v8, $0xE;
	[tilespmem:$0x2890] =	vst v9  }
0x48: {  	[tilespmem:$0x2930] =	vst v8  }
0x49: {  	[tilespmem:s20], [sflag:$0x2] =	stream.indirect.gather [hbm4b:s4+s13], $0x90, s19, s13, $0xb8;
	[tilespmem:$0x1F0C0] =	vst v63  }
0x4a: {  	s30 =	simm.s32 $0x3380  }
0x4b: {  	[tilespmem:s22], [sflag:$0x2] =	stream.indirect.gather [hbm4b:s5+s13], $0x10, s21, s13, $0xb8;
	[tilespmem:$0x1F0C0] =	vst v63  }
0x4c: {  	s31 =	simm.s32 $0x3380;
	s1 =	simm.s32 $0x40;
	s0 =	simm.s32 $0x0;
	v8 =	vld [tilespmem:s30+$0x40]  }
.LBB2_3:
0x4d: {  	p0 =	sne.s32 s1, $0x13C0;
	v9 =	vld [tilespmem:s0+$0x2940];
	_ =	sdelay $0x4  }
0x4e: {  	v8 =	vadd.f32 v9, v8;
	_ =	sdelay $0x1  }
0x4f: {  	v9 =	vmul.f32 $2.000000030e-01, v8;
	_ =	sdelay $0x1  }
0x50: {  	v8 =	vmax.f32 v8, v9  }
0x51: {  	v8 =	vmul.f32 $1.442695020e+00, v8;
	_ =	sdelay $0x1  }
0x52: {  	(erf) = vpow2.f32 v8;
	_ =	sdelay $0x4  }
0x53: {  	v8 =	vld [tilespmem:s30+$0xFFFFFFF0]  }
0x54: {  	v9 =	vld [tilespmem:s30+$0xFFFFFFD0]  }
0x55: {  	v10 =	vld [tilespmem:s30+$0xFFFFFFC0]  }
0x56: {  	v11 =	vld [tilespmem:s30+$0xFFFFFFE0]  }
0x57: {  	v12 =	vld [tilespmem:s30+$0x30];
	v13 =	vpop (erf)  }
0x58: {  	[tilespmem:s30+$0x40] =	vst v13;
	v14 =	vperm.xlane v13, v0;
	v15 =	vperm.xlane v13, v1;
	v16 =	vld [tilespmem:s30+$0x10]  }
0x59: {  	v17 =	vperm.xlane v13, v2;
	v18 =	vperm.xlane v13, v3;
	v19 =	vld [tilespmem:s30+$0x0]  }
0x5a: {  	v10 =	vmul.f32 v10, v14;
	v9 =	vmul.f32 v9, v15;
	v14 =	vld [tilespmem:s30+$0x20]  }
0x5b: {  	v8 =	vmul.f32 v8, v18;
	v11 =	vmul.f32 v11, v17  }
0x5c: {  	v15 =	vperm.xlane v13, v5;
	[tilespmem:s30+$0xFFFFFFC0] =	vst v10;
	v10 =	vperm.xlane v13, v4  }
0x5d: {  	[tilespmem:s30+$0xFFFFFFD0] =	vst v9;
	v9 =	vperm.xlane v13, v6;
	v13 =	vperm.xlane v13, v7  }
0x5e: {  	[tilespmem:s30+$0xFFFFFFE0] =	vst v11;
	v10 =	vmul.f32 v19, v10;
	v11 =	vmul.f32 v16, v15  }
.Ltmp0:
0x5f: {  	[tilespmem:s30+$0xFFFFFFF0] =	vst v8;
	v8 =	vmul.f32 v14, v9;
	v9 =	vmul.f32 v12, v13;
	(pc) =	sbr.rel @p0 .LBB2_3-.Ltmp0, $4  }
0x60: {  	[tilespmem:s30+$0x0] =	vst v10  }
0x61: {  	[tilespmem:s30+$0x10] =	vst v11  }
0x62: {  	s30 =	sadd.s32 $0x90, s30;
	[tilespmem:s31+$0x20] =	vst v8  }
0x63: {  	s0 =	sshra.s32 s1, $0x2;
	s1 =	sadd.s32 $0x40, s1;
	v8 =	vld [tilespmem:s30+$0x40];
	[tilespmem:s31+$0x30] =	vst v9;
	s31 =	smov.u32 s30  }
0x64: {  	v9 =	vld [tilespmem:s0+$0x2940];
	_ =	sdelay $0x4  }
0x65: {  	v8 =	vadd.f32 v9, v8;
	_ =	sdelay $0x1  }
0x66: {  	v9 =	vmul.f32 $2.000000030e-01, v8;
	_ =	sdelay $0x1  }
0x67: {  	v8 =	vmax.f32 v8, v9  }
0x68: {  	v8 =	vmul.f32 $1.442695020e+00, v8;
	_ =	sdelay $0x1  }
0x69: {  	(erf) = vpow2.f32 v8;
	_ =	sdelay $0x6  }
0x6a: {  	v9 =	vld [tilespmem:s30+$0xFFFFFFC0]  }
0x6b: {  	v10 =	vld [tilespmem:s30+$0xFFFFFFD0]  }
0x6c: {  	v11 =	vld [tilespmem:s30+$0xFFFFFFE0];
	v12 =	vpop (erf)  }
0x6d: {  	v8 =	vld [tilespmem:s30+$0xFFFFFFF0];
	v14 =	vperm.xlane v12, v0  }
0x6e: {  	v17 =	vld [tilespmem:s30+$0x10];
	v15 =	vperm.xlane v12, v1  }
0x6f: {  	v16 =	vld [tilespmem:s30+$0x0];
	v18 =	vperm.xlane v12, v2;
	v9 =	vmul.f32 v9, v14  }
0x70: {  	v61 =	vld [tilespmem:s30+$0x20];
	[tilespmem:s30+$0x40] =	vst v12;
	v60 =	vperm.xlane v12, v3;
	v10 =	vmul.f32 v10, v15  }
0x71: {  	v13 =	vld [tilespmem:s30+$0x30];
	v62 =	vperm.xlane v12, v5;
	v11 =	vmul.f32 v11, v18;
	[tilespmem:s30+$0xFFFFFFC0] =	vst v9  }
0x72: {  	v8 =	vmul.f32 v8, v60;
	v9 =	vperm.xlane v12, v4;
	[tilespmem:s30+$0xFFFFFFD0] =	vst v10  }
0x73: {  	v63 =	vmul.f32 v17, v62;
	v10 =	vperm.xlane v12, v6;
	[tilespmem:s30+$0xFFFFFFE0] =	vst v11  }
0x74: {  	v11 =	vperm.xlane v12, v7;
	[tilespmem:s30+$0xFFFFFFF0] =	vst v8;
	v9 =	vmul.f32 v16, v9  }
0x75: {  	[tilespmem:s30+$0x10] =	vst v63;
	v8 =	vmul.f32 v61, v10  }
0x76: {  	[tilespmem:s30+$0x0] =	vst v9;
	v9 =	vmul.f32 v13, v11  }
0x77: {  	[tilespmem:s31+$0x20] =	vst v8  }
0x78: {  	[tilespmem:s31+$0x30] =	vst v9  }
0x79: {  	[spmem:s2] =	stream.indirect.scatter.add.f32 [tilespmem:s15], [sflag:$0x3], $0x90, s16, s13, $0xb8;
	[tilespmem:$0x1F0C0] =	vst v63  }
0x7a: {  	_ =	swait.ge [sflag:s23], $0x2D00  }
0x7b: {  	[sflag:s23] =	ssyncset.done $0x0  }
0x7c: {  	[sflag:s23] =	ssyncadd.s32 $0xFFFFD300  }
0x7d: {  	_ =	swait.ge [sflag:s23], $0x500  }
0x7e: {  	p0 =	seq.s32 s28, $0x3F;
	[sflag:s23] =	ssyncset.done $0x0  }
0x7f: {  	s0 =	simm.s32 @!p0 $0x3;
	[sflag:s23] =	ssyncadd.s32 $0xFFFFFB00  }
0x80: {  	_ =	swait.ge @!p0 [sflag:s0], $0x2D00  }
0x81: {  	[sflag:s0] =	ssyncset.done @!p0 $0x0  }
0x82: {  	[sflag:s0] =	ssyncadd.s32 @!p0 $0xFFFFD300  }
0x83: {  	v8 =	vld @!p0 [tilespmem:s29+$0xA0];
	_ =	sdelay $0x4  }
0x84: {  	v9 =	vand.u32 @!p0 $0x3FFF, v8  }
0x85: {  	v8 =	vshra.s32 @!p0 v8, $0xE;
	[tilespmem:$0x2800] =	vst @!p0 v9  }
0x86: {  	[tilespmem:$0x28A0] =	vst @!p0 v8  }
0x87: {  	v8 =	vld @!p0 [tilespmem:s29+$0xB0];
	_ =	sdelay $0x4  }
0x88: {  	v9 =	vand.u32 @!p0 $0x3FFF, v8  }
0x89: {  	v8 =	vshra.s32 @!p0 v8, $0xE;
	[tilespmem:$0x2810] =	vst @!p0 v9  }
0x8a: {  	[tilespmem:$0x28B0] =	vst @!p0 v8  }
0x8b: {  	v8 =	vld @!p0 [tilespmem:s29+$0xC0];
	_ =	sdelay $0x4  }
0x8c: {  	v9 =	vand.u32 @!p0 $0x3FFF, v8  }
0x8d: {  	v8 =	vshra.s32 @!p0 v8, $0xE;
	[tilespmem:$0x2820] =	vst @!p0 v9  }
0x8e: {  	[tilespmem:$0x28C0] =	vst @!p0 v8  }
0x8f: {  	v8 =	vld @!p0 [tilespmem:s29+$0xD0];
	_ =	sdelay $0x4  }
0x90: {  	v9 =	vand.u32 @!p0 $0x3FFF, v8  }
0x91: {  	v8 =	vshra.s32 @!p0 v8, $0xE;
	[tilespmem:$0x2830] =	vst @!p0 v9  }
0x92: {  	[tilespmem:$0x28D0] =	vst @!p0 v8  }
0x93: {  	v8 =	vld @!p0 [tilespmem:s29+$0xE0];
	_ =	sdelay $0x4  }
0x94: {  	v9 =	vand.u32 @!p0 $0x3FFF, v8  }
0x95: {  	v8 =	vshra.s32 @!p0 v8, $0xE;
	[tilespmem:$0x2840] =	vst @!p0 v9  }
0x96: {  	s1 =	simm.s32 @!p0 $0x2800;
	s0 =	simm.s32 @!p0 $0x50;
	s29 =	simm.s32 @!p0 $0x3340;
	[tilespmem:$0x28E0] =	vst @!p0 v8  }
0x97: {  	[tilespmem:s29], [sflag:$0x1] =	stream.indirect.gather @!p0 [hbm4b:s4+s0], $0x90, s1, s0, $0xb8;
	[tilespmem:$0x1F0C0] =	vst v63  }
0x98: {  	s1 =	simm.s32 @!p0 $0x28A0;
	s29 =	simm.s32 @!p0 $0x2940  }
0x99: {  	[tilespmem:s29], [sflag:$0x1] =	stream.indirect.gather @!p0 [hbm4b:s5+s0], $0x10, s1, s0, $0xb8;
	[tilespmem:$0x1F0C0] =	vst v63  }
0x9a: {  	s29 =	simm.s32 $0x60C0  }
0x9b: {  	s30 =	simm.s32 $0x60C0;
	s0 =	simm.s32 $0x0;
	s1 =	simm.s32 $0x40;
	v8 =	vld [tilespmem:s29+$0x0]  }
.LBB2_5:
0x9c: {  	p0 =	sne.s32 s1, $0x13C0;
	v9 =	vld [tilespmem:s0+$0x2E40];
	_ =	sdelay $0x4  }
0x9d: {  	v8 =	vadd.f32 v9, v8;
	_ =	sdelay $0x1  }
0x9e: {  	v9 =	vmul.f32 $2.000000030e-01, v8;
	_ =	sdelay $0x1  }
0x9f: {  	v8 =	vmax.f32 v8, v9  }
0xa0: {  	v8 =	vmul.f32 $1.442695020e+00, v8;
	_ =	sdelay $0x1  }
0xa1: {  	(erf) = vpow2.f32 v8;
	_ =	sdelay $0x4  }
0xa2: {  	v8 =	vld [tilespmem:s29+$0xFFFFFFB0]  }
0xa3: {  	v9 =	vld [tilespmem:s29+$0xFFFFFF90]  }
0xa4: {  	v10 =	vld [tilespmem:s29+$0xFFFFFF80]  }
0xa5: {  	v11 =	vld [tilespmem:s29+$0xFFFFFFA0]  }
0xa6: {  	v12 =	vld [tilespmem:s29+$0xFFFFFFF0];
	v13 =	vpop (erf)  }
0xa7: {  	[tilespmem:s29+$0x0] =	vst v13;
	v14 =	vperm.xlane v13, v0;
	v15 =	vperm.xlane v13, v1;
	v16 =	vld [tilespmem:s29+$0xFFFFFFD0]  }
0xa8: {  	v17 =	vperm.xlane v13, v2;
	v18 =	vperm.xlane v13, v3;
	v19 =	vld [tilespmem:s29+$0xFFFFFFC0]  }
0xa9: {  	v10 =	vmul.f32 v10, v14;
	v9 =	vmul.f32 v9, v15;
	v14 =	vld [tilespmem:s29+$0xFFFFFFE0]  }
0xaa: {  	v8 =	vmul.f32 v8, v18;
	v11 =	vmul.f32 v11, v17  }
0xab: {  	v15 =	vperm.xlane v13, v5;
	[tilespmem:s29+$0xFFFFFF80] =	vst v10;
	v10 =	vperm.xlane v13, v4  }
0xac: {  	[tilespmem:s29+$0xFFFFFF90] =	vst v9;
	v9 =	vperm.xlane v13, v6;
	v13 =	vperm.xlane v13, v7  }
0xad: {  	[tilespmem:s29+$0xFFFFFFA0] =	vst v11;
	v10 =	vmul.f32 v19, v10;
	v11 =	vmul.f32 v16, v15  }
.Ltmp1:
0xae: {  	[tilespmem:s29+$0xFFFFFFB0] =	vst v8;
	v8 =	vmul.f32 v14, v9;
	v9 =	vmul.f32 v12, v13;
	(pc) =	sbr.rel @p0 .LBB2_5-.Ltmp1, $4  }
0xaf: {  	[tilespmem:s29+$0xFFFFFFC0] =	vst v10  }
0xb0: {  	[tilespmem:s29+$0xFFFFFFD0] =	vst v11  }
0xb1: {  	s29 =	sadd.s32 $0x90, s29;
	[tilespmem:s30+$0xFFFFFFE0] =	vst v8  }
0xb2: {  	s0 =	sshra.s32 s1, $0x2;
	s1 =	sadd.s32 $0x40, s1;
	v8 =	vld [tilespmem:s29+$0x0];
	[tilespmem:s30+$0xFFFFFFF0] =	vst v9;
	s30 =	smov.u32 s29  }
0xb3: {  	v9 =	vld [tilespmem:s0+$0x2E40];
	_ =	sdelay $0x4  }
0xb4: {  	v8 =	vadd.f32 v9, v8;
	_ =	sdelay $0x1  }
0xb5: {  	v9 =	vmul.f32 $2.000000030e-01, v8;
	_ =	sdelay $0x1  }
0xb6: {  	v8 =	vmax.f32 v8, v9  }
0xb7: {  	v8 =	vmul.f32 $1.442695020e+00, v8;
	_ =	sdelay $0x1  }
0xb8: {  	(erf) = vpow2.f32 v8;
	_ =	sdelay $0x6  }
0xb9: {  	v55 =	vld [tilespmem:s29+$0xFFFFFF80]  }
0xba: {  	v10 =	vld [tilespmem:s29+$0xFFFFFF90]  }
0xbb: {  	v11 =	vld [tilespmem:s29+$0xFFFFFFA0];
	v12 =	vpop (erf)  }
0xbc: {  	v8 =	vld [tilespmem:s29+$0xFFFFFFB0];
	v14 =	vperm.xlane v12, v0  }
0xbd: {  	v17 =	vld [tilespmem:s29+$0xFFFFFFD0];
	v15 =	vperm.xlane v12, v1  }
0xbe: {  	v16 =	vld [tilespmem:s29+$0xFFFFFFC0];
	v18 =	vperm.xlane v12, v2;
	v9 =	vmul.f32 v55, v14  }
0xbf: {  	v57 =	vld [tilespmem:s29+$0xFFFFFFE0];
	[tilespmem:s29+$0x0] =	vst v12;
	v56 =	vperm.xlane v12, v3;
	v10 =	vmul.f32 v10, v15  }
0xc0: {  	v13 =	vld [tilespmem:s29+$0xFFFFFFF0];
	v59 =	vperm.xlane v12, v5;
	v11 =	vmul.f32 v11, v18;
	[tilespmem:s29+$0xFFFFFF80] =	vst v9  }
0xc1: {  	v58 =	vperm.xlane v12, v4;
	v8 =	vmul.f32 v8, v56;
	[tilespmem:s29+$0xFFFFFF90] =	vst v10  }
0xc2: {  	s28 =	sadd.s32 $0x1, s28;
	v60 =	vperm.xlane v12, v6;
	v62 =	vmul.f32 v17, v59;
	[tilespmem:s29+$0xFFFFFFA0] =	vst v11  }
0xc3: {  	p0 =	sne.s32 s28, $0x40;
	v61 =	vperm.xlane v12, v7;
	v9 =	vmul.f32 v16, v58;
	[tilespmem:s29+$0xFFFFFFB0] =	vst v8  }
.Ltmp2:
0xc4: {  	v8 =	vmul.f32 v57, v60;
	[tilespmem:s29+$0xFFFFFFD0] =	vst v62;
	(pc) =	sbr.rel @p0 .LBB2_2-.Ltmp2, $4  }
0xc5: {  	v63 =	vmul.f32 v13, v61;
	[tilespmem:s29+$0xFFFFFFC0] =	vst v9  }
0xc6: {  	[tilespmem:s30+$0xFFFFFFE0] =	vst v8  }
0xc7: {  	[tilespmem:s30+$0xFFFFFFF0] =	vst v63  }
0xc8: {  	[spmem:s2] =	stream.indirect.scatter.add.f32 [tilespmem:s20], [sflag:$0x4], $0x90, s21, s13, $0xb8;
	[tilespmem:$0x1F0C0] =	vst v63  }
0xc9: {  	_ =	swait.ge [sflag:s24], $0x2D00  }
0xca: {  	[sflag:s24] =	ssyncset.done $0x0  }
0xcb: {  	[sflag:s24] =	ssyncadd.s32 $0xFFFFD300  }
0xcc: {  	_ =	swait.ge [sflag:s25], $0x2D00  }
0xcd: {  	s26 =	sadd.s32 $0x1, s26;
	[sflag:s25] =	ssyncset.done $0x0  }
0xce: {  	p0 =	sne.s32 s26, s10;
	[sflag:s25] =	ssyncadd.s32 $0xFFFFD300  }
.Ltmp3:
0xcf: {  	[bflag:$0x0] =	sbarrier.arrive $0xFFFF;
	(pc) =	sbr.rel @p0 .LBB2_1-.Ltmp3, $4  }
0xd0: {  	[hbm:s9], [sflag:s7] =	dma.local [spmem:s11], $0x2C70  }
0xd1: {  	_ =	swait.ge [sflag:s12], $0x2C70  }
0xd2: {  	[sflag:s12] =	ssyncset.done $0x0  }
0xd3: {  	[sflag:s12] =	ssyncadd.s32 $0xFFFFD390  }
0xd4: {  	_ =	sfence.sel $0x180000  }
0xd5: {  	[bflag:$0x0] =	sbarrier.arrive $0xFFFF  }
0xd6: {  	_ =	strace $0x90000047  }
0xd7: {  	s0 =	stileid.u32;
	[bflag:$0x2] =	sbarrier.arrive $0xFFFF  }
0xd8: {  	p0 =	sne.s32 s0, $0x0;
	s0 =	rddreg [dreg:$0x2]  }
0xd9: {  	s0 =	sadd.s32 @!p0 $0x100000, s0  }
0xda: {  	[sflag:s0] =	ssyncadd.tile.s32 @!p0 $0x1;
	_ =	shalt  }
.Lfunc_end2:
_tile_overlayer_lowered:
.L_overlay_start_2:
0xdb: {  	(tag) =	ssettag $0x2  }
0xdc: {  	s0 =	rddreg [dreg:$0x0];
	s2 =	stileid.u32  }
0xdd: {  	s1 =	rddreg [dreg:$0x1];
	p0 =	sne.s32 s2, $0x0  }
0xde: {  	s3 =	rddreg [dreg:$0x2];
	[bflag:$0x3] =	sbarrier.arrive $0xFFFF;
	s2 =	simm.s32 @!p0 $0x1C05  }
0xdf: {  	[timem:s3], [sflag:s2] =	dma.local @!p0 [hbm:s0], s1  }
0xe0: {  	s0 =	simm.s32 @!p0 $0x5  }
0xe1: {  	_ =	swait.ge @!p0 [sflag:s0], s1  }
0xe2: {  	s1 =	ssub.s32 @!p0 $0x0, s1;
	[sflag:s0] =	ssyncset.done @!p0 $0x0  }
0xe3: {  	[sflag:s0] =	ssyncadd.s32 @!p0 s1  }
0xe4: {  	[bflag:$0x3] =	sbarrier.arrive $0xFFFF  }
0xe5: {  	_ =	shalt  }

</sc_bundles>
